<compile_context>
chip_gen: v7x
topology: tpu7x:2x2x1
jax: 0.10.2.dev20260603
libtpu: 0.0.44.dev20260713+nightly
codegen_flags: <defaults>
</compile_context>

<pallas_src>
import functools

import jax
import jax.numpy as jnp
from jax import lax
from jax.experimental import pallas as pl
from jax.experimental.pallas import tpu as pltpu
from jax.experimental.pallas import tpu_sc as plsc

_NS = 16
_C = 80


def _sc_segment_sums(N, H, E):
    EPT = E // _NS
    CHUNKS = EPT // _C
    RPT = N // 10
    ND = ((N + 1279) // 1280) * 1280
    DCH = ND // 10
    assert EPT * _NS == E and CHUNKS * _C == EPT and RPT * 10 == N
    assert RPT % 8 == 0 and DCH % 128 == 0 and EPT % 8 == 0 and _C % 8 == 0

    mesh = plsc.VectorSubcoreMesh(core_axis_name="c", subcore_axis_name="s")

    NB = 4
    GROUPS = CHUNKS // NB
    TAIL = CHUNKS - GROUPS * NB

    def body(x_hbm, src_hbm, dst_hbm, ea_hbm, zrows_hbm, zdeg_hbm,
             a_hbm, b_hbm, deg_hbm,
             acc, degacc, idx_s, idx_d, rows_v, ones_v,
             isem, gsem, ssem):
        c = lax.axis_index("c")
        s = lax.axis_index("s")

        @pl.when(s < 10)
        def _zero():
            pltpu.sync_copy(zrows_hbm, acc.at[pl.ds(s * RPT, RPT), :])
            pltpu.sync_copy(zdeg_hbm, degacc.at[pl.ds(s * DCH, DCH)])

        for k in range(_C // 16):
            ones_v[pl.ds(k * 16, 16)] = jnp.full((16,), 1.0, jnp.float32)

        plsc.subcore_barrier()

        tbase = s * EPT
        HALF = NB // 2
        HA = list(range(HALF))
        HB = list(range(HALF, NB))

        def _fire0(slots, goff):
            for i, b in enumerate(slots):
                off = pl.multiple_of(tbase + goff + i * _C, 8)
                pltpu.async_copy(src_hbm.at[pl.ds(off, _C)], idx_s.at[b],
                                 isem.at[b])
                pltpu.async_copy(dst_hbm.at[pl.ds(off, _C)], idx_d.at[b],
                                 isem.at[b])

        def _fire1(slots, goff):
            for i, b in enumerate(slots):
                off = pl.multiple_of(tbase + goff + i * _C, 8)
                pltpu.async_copy(dst_hbm.at[pl.ds(off, _C)], idx_d.at[b],
                                 isem.at[b])
                pltpu.async_copy(ea_hbm.at[pl.ds(off, _C), :], rows_v.at[b],
                                 gsem.at[b])

        def _wait_scat(slots, with_deg):
            for b in slots:
                pltpu.make_async_copy(rows_v.at[b], acc.at[idx_d.at[b]],
                                      ssem.at[b]).wait()
                if with_deg:
                    pltpu.make_async_copy(ones_v, degacc.at[idx_d.at[b]],
                                          ssem.at[b]).wait()

        def _proc1(slots):
            for b in slots:
                pltpu.make_async_copy(dst_hbm.at[pl.ds(0, _C)],
                                      idx_d.at[b], isem.at[b]).wait()
                pltpu.make_async_copy(ea_hbm.at[pl.ds(0, _C), :],
                                      rows_v.at[b], gsem.at[b]).wait()
                pltpu.async_copy(rows_v.at[b], acc.at[idx_d.at[b]],
                                 ssem.at[b], add=True)
                pltpu.async_copy(ones_v, degacc.at[idx_d.at[b]], ssem.at[b],
                                 add=True)

        def _pipeline(fire, proc, with_deg):
            fire(HA, 0)

            def group(g, carry):
                base = g * (NB * _C)

                @pl.when(g > 0)
                def _():
                    _wait_scat(HB, with_deg)
                fire(HB, base + HALF * _C)
                proc(HA)
                _wait_scat(HA, with_deg)

                @pl.when(g + 1 < GROUPS)
                def _():
                    fire(HA, base + NB * _C)
                proc(HB)
                return carry
            lax.fori_loop(0, GROUPS, group, 0)
            _wait_scat(HB, with_deg)

        def _pipeline0():
            _fire0(HA, 0)

            def group(g, carry):
                base = g * (NB * _C)

                @pl.when(g > 0)
                def _():
                    _wait_scat(HB, False)
                _fire0(HB, base + HALF * _C)
                gd = {}
                for b in HA + HB:
                    pltpu.make_async_copy(src_hbm.at[pl.ds(0, _C)],
                                          idx_s.at[b], isem.at[b]).wait()
                    pltpu.make_async_copy(dst_hbm.at[pl.ds(0, _C)],
                                          idx_d.at[b], isem.at[b]).wait()
                    gd[b] = pltpu.async_copy(x_hbm.at[idx_s.at[b]],
                                             rows_v.at[b], gsem.at[b])
                for b in HA:
                    gd[b].wait()
                    pltpu.async_copy(rows_v.at[b], acc.at[idx_d.at[b]],
                                     ssem.at[b], add=True)
                _wait_scat(HA, False)

                @pl.when(g + 1 < GROUPS)
                def _():
                    _fire0(HA, base + NB * _C)
                for b in HB:
                    gd[b].wait()
                    pltpu.async_copy(rows_v.at[b], acc.at[idx_d.at[b]],
                                     ssem.at[b], add=True)
                return carry
            lax.fori_loop(0, GROUPS, group, 0)
            _wait_scat(HB, False)

        @pl.when(c == 0)
        def _core0():
            _pipeline0()
            for t in range(TAIL):
                off = pl.multiple_of(tbase + (GROUPS * NB + t) * _C, 8)
                pltpu.sync_copy(src_hbm.at[pl.ds(off, _C)], idx_s.at[0])
                pltpu.sync_copy(dst_hbm.at[pl.ds(off, _C)], idx_d.at[0])
                pltpu.async_copy(x_hbm.at[idx_s.at[0]], rows_v.at[0],
                                 gsem.at[0]).wait()
                pltpu.sync_copy(rows_v.at[0], acc.at[idx_d.at[0]], add=True)

        @pl.when(c == 1)
        def _core1():
            _pipeline(_fire1, _proc1, True)
            for t in range(TAIL):
                off = pl.multiple_of(tbase + (GROUPS * NB + t) * _C, 8)
                pltpu.sync_copy(dst_hbm.at[pl.ds(off, _C)], idx_d.at[0])
                pltpu.sync_copy(ea_hbm.at[pl.ds(off, _C), :], rows_v.at[0])
                pltpu.sync_copy(rows_v.at[0], acc.at[idx_d.at[0]], add=True)
                pltpu.sync_copy(ones_v, degacc.at[idx_d.at[0]], add=True)

        plsc.subcore_barrier()

        @pl.when(jnp.logical_and(c == 0, s < 10))
        def _out0():
            pltpu.sync_copy(acc.at[pl.ds(s * RPT, RPT), :],
                            a_hbm.at[pl.ds(s * RPT, RPT), :])

        @pl.when(jnp.logical_and(c == 1, s < 10))
        def _out1():
            pltpu.sync_copy(acc.at[pl.ds(s * RPT, RPT), :],
                            b_hbm.at[pl.ds(s * RPT, RPT), :])
            pltpu.sync_copy(degacc.at[pl.ds(s * DCH, DCH)],
                            deg_hbm.at[pl.ds(s * DCH, DCH)])

    return pl.kernel(
        body,
        out_type=(jax.ShapeDtypeStruct((N, H), jnp.float32),
                  jax.ShapeDtypeStruct((N, H), jnp.float32),
                  jax.ShapeDtypeStruct((ND,), jnp.float32)),
        mesh=mesh,
        scratch_types=[
            pltpu.VMEM_SHARED((N, H), jnp.float32),
            pltpu.VMEM_SHARED((ND,), jnp.float32),
            pltpu.VMEM((NB, _C), jnp.int32),
            pltpu.VMEM((NB, _C), jnp.int32),
            pltpu.VMEM((NB, _C, H), jnp.float32),
            pltpu.VMEM((_C,), jnp.float32),
            pltpu.SemaphoreType.DMA((NB,)),
            pltpu.SemaphoreType.DMA((NB,)),
            pltpu.SemaphoreType.DMA((NB,)),
        ],
    )


def _dot_nt(lhs, w):
    return lax.dot_general(lhs, w, (((1,), (1,)), ((), ())),
                           preferred_element_type=jnp.float32)


def _tc_body(x_ref, a_ref, b_ref, deg_ref, ws_ref, wn_ref, we_ref,
             bias_ref, o_ref):
    agg = _dot_nt(a_ref[...], wn_ref[...]) + _dot_nt(b_ref[...], we_ref[...])
    agg = agg / jnp.maximum(deg_ref[...], 1.0)
    y = _dot_nt(x_ref[...], ws_ref[...]) + bias_ref[...] + agg
    o_ref[...] = jnp.maximum(y, 0.0)


def _tc_combine(N, H, x, a, b, deg, wst, wnt, wet, bias):
    BLK = 2000
    assert N % BLK == 0
    grid = (N // BLK,)
    row_spec = pl.BlockSpec((BLK, H), lambda i: (i, 0))
    w_spec = pl.BlockSpec((H, H), lambda i: (0, 0))
    return pl.pallas_call(
        _tc_body,
        grid=grid,
        in_specs=[
            row_spec,
            row_spec,
            row_spec,
            pl.BlockSpec((BLK, 1), lambda i: (i, 0)),
            w_spec, w_spec, w_spec,
            pl.BlockSpec((1, H), lambda i: (0, 0)),
        ],
        out_specs=row_spec,
        out_shape=jax.ShapeDtypeStruct((N, H), jnp.float32),
    )(x, a, b, deg, wst, wnt, wet, bias)


def kernel(x, edge_index, edge_attr, W_self, b_self, W_nei, W_edge):
    N, H = x.shape
    E = edge_index.shape[1]
    src = edge_index[0].astype(jnp.int32)
    dst = edge_index[1].astype(jnp.int32)
    ND = ((N + 1279) // 1280) * 1280
    zrows = jnp.zeros((N // 10, H), jnp.float32)
    zdeg = jnp.zeros((ND // 10,), jnp.float32)
    a_sum, b_sum, deg = _sc_segment_sums(N, H, E)(
        x, src, dst, edge_attr, zrows, zdeg)
    return _tc_combine(N, H, x, a_sum, b_sum, deg[:N].reshape(N, 1),
                       W_self, W_nei, W_edge, b_self.reshape(1, H))

# --- scband reference (transcript-rebuilt; emitter-appended) ---
"""Pipeline reference for scband-edge-sageconv-61134564491909 (READ-ONLY COPY).

The authoritative reference and input builder live on the scoring server;
editing this copy changes nothing except your own understanding.
"""

import jax, jax.numpy as jnp
import numpy as np

N = 10000
E = 320000
H = 128

def setup_inputs(seed: int = 0) -> dict:
    key = jax.random.key(seed)
    k1, k2, k3, k4, k5, k6, k7 = jax.random.split(key, 7)
    x = jax.random.normal(k1, (N, H), dtype=jnp.float32)
    edge_index = jax.random.randint(k2, (2, E), 0, N, dtype=jnp.int64)
    edge_attr = jax.random.normal(k3, (E, H), dtype=jnp.float32)
    s = 1.0 / np.sqrt(H)
    W_self = jax.random.uniform(k4, (H, H), dtype=jnp.float32, minval=-s, maxval=s)
    b_self = jax.random.uniform(k5, (H,), dtype=jnp.float32, minval=-s, maxval=s)
    W_nei = jax.random.uniform(k6, (H, H), dtype=jnp.float32, minval=-s, maxval=s)
    W_edge = jax.random.uniform(k7, (H, H), dtype=jnp.float32, minval=-s, maxval=s)
    return {"x": x, "edge_index": edge_index, "edge_attr": edge_attr,
            "W_self": W_self, "b_self": b_self, "W_nei": W_nei, "W_edge": W_edge}

def reference(x, edge_index, edge_attr, W_self, b_self, W_nei, W_edge):
    src = edge_index[0]
    dst = edge_index[1]
    # msg = w_nei(x[src]) + w_edge(edge_attr); torch Linear: y = x @ W.T (+ b)
    msg = jnp.take(x, src, axis=0) @ W_nei.T + edge_attr @ W_edge.T
    n = x.shape[0]
    out = jax.ops.segment_sum(msg, dst, num_segments=n)
    deg = jax.ops.segment_sum(jnp.ones((dst.shape[0],), dtype=x.dtype), dst, num_segments=n)
    deg = jnp.clip(deg, 1.0, None)[:, None]
    out = out / deg
    return jax.nn.relu(x @ W_self.T + b_self + out)

if __name__ == "__main__":
    import jax
    _d = setup_inputs()
    print(jax.jit(kernel)(*tuple(_d.values())))

</pallas_src>

<mosaic_0001>
#map = affine_map<(d0, d1) -> (0, 0)>
#map1 = affine_map<(d0, d1) -> (0)>
module attributes {stable_mosaic.version = 14 : i64} {
  func.func @body(%arg0: i32, %arg1: i32, %arg2: memref<10000x128xf32, #tpu.memory_space<hbm>>, %arg3: memref<320000xi32, #tpu.memory_space<hbm>>, %arg4: memref<320000xi32, #tpu.memory_space<hbm>>, %arg5: memref<320000x128xf32, #tpu.memory_space<hbm>>, %arg6: memref<1000x128xf32, #tpu.memory_space<hbm>>, %arg7: memref<1024xf32, #tpu.memory_space<hbm>>, %arg8: memref<10000x128xf32, #tpu.memory_space<hbm>>, %arg9: memref<10000x128xf32, #tpu.memory_space<hbm>>, %arg10: memref<10240xf32, #tpu.memory_space<hbm>>, %arg11: memref<10000x128xf32, #tpu.memory_space<vmem_shared>>, %arg12: memref<10240xf32, #tpu.memory_space<vmem_shared>>, %arg13: memref<4x80xi32, #tpu.memory_space<vmem>>, %arg14: memref<4x80xi32, #tpu.memory_space<vmem>>, %arg15: memref<4x80x128xf32, #tpu.memory_space<vmem>>, %arg16: memref<80xf32, #tpu.memory_space<vmem>>, %arg17: memref<4x!tpu.dma_semaphore, #tpu.memory_space<semaphore_mem>>, %arg18: memref<4x!tpu.dma_semaphore, #tpu.memory_space<semaphore_mem>>, %arg19: memref<4x!tpu.dma_semaphore, #tpu.memory_space<semaphore_mem>>) attributes {dimension_semantics = [#tpu.dimension_semantics<core_parallel>, #tpu.dimension_semantics<subcore_parallel>], iteration_bounds = array<i64: 2, 16>, scalar_prefetch = 0 : i64, scratch_operands = 9 : i64, tpu.core_type = #tpu.core_type<sc_vector_subcore>, window_params = [{transform_indices = #map}, {transform_indices = #map1}, {transform_indices = #map1}, {transform_indices = #map}, {transform_indices = #map}, {transform_indices = #map1}, {transform_indices = #map}, {transform_indices = #map}, {transform_indices = #map1}]} {
    %lt3A = arith.constant 10 : i32
    %lt3A_0 = arith.cmpi slt, %arg1, %lt3A : i32
    %convert_element_type3A = arith.extui %lt3A_0 : i1 to i32
    %cond3A = arith.constant 0 : i32
    %cond3A_1 = arith.cmpi ne, %convert_element_type3A, %cond3A : i32
    scf.if %cond3A_1 {
      %mul3A_56 = arith.constant 1000 : i32
      %mul3A_57 = arith.muli %arg1, %mul3A_56 : i32
      "tpu.region"() ({
        %run_scoped3A = tpu.sem_alloc : memref<!tpu.dma_semaphore, #tpu.memory_space<semaphore_mem>>
        %dma_start3A = arith.constant 0 : i32
        %dma_start3A_60 = tpu.memref_slice %arg11[%mul3A_57, %dma_start3A] : memref<10000x128xf32, #tpu.memory_space<vmem_shared>> -> memref<1000x128xf32, #tpu.memory_space<vmem_shared>>
        tpu.enqueue_dma source(%arg6 : memref<1000x128xf32, #tpu.memory_space<hbm>>) target(%dma_start3A_60 : memref<1000x128xf32, #tpu.memory_space<vmem_shared>>) target_semaphore(%run_scoped3A : memref<!tpu.dma_semaphore, #tpu.memory_space<semaphore_mem>>)
        %dma_wait3A = arith.constant 0 : i32
        %dma_wait3A_61 = tpu.memref_slice %arg11[%mul3A_57, %dma_wait3A] : memref<10000x128xf32, #tpu.memory_space<vmem_shared>> -> memref<1000x128xf32, #tpu.memory_space<vmem_shared>>
        tpu.wait_dma2 semaphore(%run_scoped3A : memref<!tpu.dma_semaphore, #tpu.memory_space<semaphore_mem>>) src(%arg6 : memref<1000x128xf32, #tpu.memory_space<hbm>>) dst(%dma_wait3A_61 : memref<1000x128xf32, #tpu.memory_space<vmem_shared>>)
        tpu.yield
      }) : () -> ()
      %mul3A_58 = arith.constant 1024 : i32
      %mul3A_59 = arith.muli %arg1, %mul3A_58 : i32
      "tpu.region"() ({
        %run_scoped3A = tpu.sem_alloc : memref<!tpu.dma_semaphore, #tpu.memory_space<semaphore_mem>>
        %dma_start3A = tpu.memref_slice %arg12[%mul3A_59] : memref<10240xf32, #tpu.memory_space<vmem_shared>> -> memref<1024xf32, #tpu.memory_space<vmem_shared>>
        tpu.enqueue_dma source(%arg7 : memref<1024xf32, #tpu.memory_space<hbm>>) target(%dma_start3A : memref<1024xf32, #tpu.memory_space<vmem_shared>>) target_semaphore(%run_scoped3A : memref<!tpu.dma_semaphore, #tpu.memory_space<semaphore_mem>>)
        %dma_wait3A = tpu.memref_slice %arg12[%mul3A_59] : memref<10240xf32, #tpu.memory_space<vmem_shared>> -> memref<1024xf32, #tpu.memory_space<vmem_shared>>
        tpu.wait_dma2 semaphore(%run_scoped3A : memref<!tpu.dma_semaphore, #tpu.memory_space<semaphore_mem>>) src(%arg7 : memref<1024xf32, #tpu.memory_space<hbm>>) dst(%dma_wait3A : memref<1024xf32, #tpu.memory_space<vmem_shared>>)
        tpu.yield
      }) : () -> ()
    } else {
    }
    %broadcast_in_dim3A = arith.constant 1.000000e+00 : f32
    %broadcast_in_dim3A_2 = vector.broadcast %broadcast_in_dim3A : f32 to vector<16xf32>
    %swap3A = arith.constant 0 : index
    %swap3A_3 = tpu.vector_load %arg16[%swap3A] {strides = array<i32>} : memref<80xf32, #tpu.memory_space<vmem>>, vector<16xf32>,
    %swap3A_4 = vector.shape_cast %swap3A_3 : vector<16xf32> to vector<16xf32>
    %swap3A_5 = vector.shape_cast %broadcast_in_dim3A_2 : vector<16xf32> to vector<16xf32>
    tpu.vector_store %arg16[%swap3A], %swap3A_5 {strides = array<i32>} : memref<80xf32, #tpu.memory_space<vmem>>, vector<16xf32>,
    %broadcast_in_dim3A_6 = arith.constant 1.000000e+00 : f32
    %broadcast_in_dim3A_7 = vector.broadcast %broadcast_in_dim3A_6 : f32 to vector<16xf32>
    %swap3A_8 = arith.constant 16 : index
    %swap3A_9 = tpu.vector_load %arg16[%swap3A_8] {strides = array<i32>} : memref<80xf32, #tpu.memory_space<vmem>>, vector<16xf32>,
    %swap3A_10 = vector.shape_cast %swap3A_9 : vector<16xf32> to vector<16xf32>
    %swap3A_11 = vector.shape_cast %broadcast_in_dim3A_7 : vector<16xf32> to vector<16xf32>
    tpu.vector_store %arg16[%swap3A_8], %swap3A_11 {strides = array<i32>} : memref<80xf32, #tpu.memory_space<vmem>>, vector<16xf32>,
    %broadcast_in_dim3A_12 = arith.constant 1.000000e+00 : f32
    %broadcast_in_dim3A_13 = vector.broadcast %broadcast_in_dim3A_12 : f32 to vector<16xf32>
    %swap3A_14 = arith.constant 32 : index
    %swap3A_15 = tpu.vector_load %arg16[%swap3A_14] {strides = array<i32>} : memref<80xf32, #tpu.memory_space<vmem>>, vector<16xf32>,
    %swap3A_16 = vector.shape_cast %swap3A_15 : vector<16xf32> to vector<16xf32>
    %swap3A_17 = vector.shape_cast %broadcast_in_dim3A_13 : vector<16xf32> to vector<16xf32>
    tpu.vector_store %arg16[%swap3A_14], %swap3A_17 {strides = array<i32>} : memref<80xf32, #tpu.memory_space<vmem>>, vector<16xf32>,
    %broadcast_in_dim3A_18 = arith.constant 1.000000e+00 : f32
    %broadcast_in_dim3A_19 = vector.broadcast %broadcast_in_dim3A_18 : f32 to vector<16xf32>
    %swap3A_20 = arith.constant 48 : index
    %swap3A_21 = tpu.vector_load %arg16[%swap3A_20] {strides = array<i32>} : memref<80xf32, #tpu.memory_space<vmem>>, vector<16xf32>,
    %swap3A_22 = vector.shape_cast %swap3A_21 : vector<16xf32> to vector<16xf32>
    %swap3A_23 = vector.shape_cast %broadcast_in_dim3A_19 : vector<16xf32> to vector<16xf32>
    tpu.vector_store %arg16[%swap3A_20], %swap3A_23 {strides = array<i32>} : memref<80xf32, #tpu.memory_space<vmem>>, vector<16xf32>,
    %broadcast_in_dim3A_24 = arith.constant 1.000000e+00 : f32
    %broadcast_in_dim3A_25 = vector.broadcast %broadcast_in_dim3A_24 : f32 to vector<16xf32>
    %swap3A_26 = arith.constant 64 : index
    %swap3A_27 = tpu.vector_load %arg16[%swap3A_26] {strides = array<i32>} : memref<80xf32, #tpu.memory_space<vmem>>, vector<16xf32>,
    %swap3A_28 = vector.shape_cast %swap3A_27 : vector<16xf32> to vector<16xf32>
    %swap3A_29 = vector.shape_cast %broadcast_in_dim3A_25 : vector<16xf32> to vector<16xf32>
    tpu.vector_store %arg16[%swap3A_26], %swap3A_29 {strides = array<i32>} : memref<80xf32, #tpu.memory_space<vmem>>, vector<16xf32>,
    %barrier3A = arith.constant 0 : index
    tpu.barrier barrier_id(%barrier3A)
    %mul3A = arith.constant 20000 : i32
    %mul3A_30 = arith.muli %arg1, %mul3A : i32
    %eq3A = arith.constant 0 : i32
    %eq3A_31 = arith.cmpi eq, %arg0, %eq3A : i32
    %convert_element_type3A_32 = arith.extui %eq3A_31 : i1 to i32
    %cond3A_33 = arith.constant 0 : i32
    %cond3A_34 = arith.cmpi ne, %convert_element_type3A_32, %cond3A_33 : i32
    scf.if %cond3A_34 {
      %add3A = arith.constant 0 : i32
      %add3A_56 = arith.addi %mul3A_30, %add3A : i32
      %add3A_57 = arith.constant 0 : i32
      %add3A_58 = arith.addi %add3A_56, %add3A_57 : i32
      %multiple_of3A = tpu.assume_multiple %add3A_58, 8 : i32
      %dma_start3A = arith.constant 0 : i32
      %dma_start3A_59 = arith.constant 0 : i32
      %dma_start3A_60 = arith.constant 0 : i32
      %dma_start3A_61 = tpu.memref_slice %arg13[%dma_start3A, %dma_start3A_60] : memref<4x80xi32, #tpu.memory_space<vmem>> -> memref<1x80xi32, #tpu.memory_space<vmem>>
      %dma_start3A_62 = tpu.memref_squeeze %dma_start3A_61 : memref<1x80xi32, #tpu.memory_space<vmem>> -> memref<80xi32, #tpu.memory_space<vmem>>
      %dma_start3A_63 = tpu.memref_slice %arg3[%multiple_of3A] : memref<320000xi32, #tpu.memory_space<hbm>> -> memref<80xi32, #tpu.memory_space<hbm>>
      %dma_start3A_64 = tpu.memref_slice %arg17[%dma_start3A_59] : memref<4x!tpu.dma_semaphore, #tpu.memory_space<semaphore_mem>> -> memref<1x!tpu.dma_semaphore, #tpu.memory_space<semaphore_mem>>
      %dma_start3A_65 = tpu.memref_squeeze %dma_start3A_64 : memref<1x!tpu.dma_semaphore, #tpu.memory_space<semaphore_mem>> -> memref<!tpu.dma_semaphore, #tpu.memory_space<semaphore_mem>>
      %dma_start3A_66 = arith.constant 0 : i32
      %dma_start3A_67 = tpu.memref_slice %arg13[%dma_start3A, %dma_start3A_66] : memref<4x80xi32, #tpu.memory_space<vmem>> -> memref<1x80xi32, #tpu.memory_space<vmem>>
      %dma_start3A_68 = tpu.memref_squeeze %dma_start3A_67 : memref<1x80xi32, #tpu.memory_space<vmem>> -> memref<80xi32, #tpu.memory_space<vmem>>
      %dma_start3A_69 = tpu.memref_slice %arg3[%multiple_of3A] : memref<320000xi32, #tpu.memory_space<hbm>> -> memref<80xi32, #tpu.memory_space<hbm>>
      tpu.enqueue_dma source(%dma_start3A_69 : memref<80xi32, #tpu.memory_space<hbm>>) target(%dma_start3A_68 : memref<80xi32, #tpu.memory_space<vmem>>) target_semaphore(%dma_start3A_65 : memref<!tpu.dma_semaphore, #tpu.memory_space<semaphore_mem>>)
      %dma_start3A_70 = arith.constant 0 : i32
      %dma_start3A_71 = arith.constant 0 : i32
      %dma_start3A_72 = arith.constant 0 : i32
      %dma_start3A_73 = tpu.memref_slice %arg14[%dma_start3A_70, %dma_start3A_72] : memref<4x80xi32, #tpu.memory_space<vmem>> -> memref<1x80xi32, #tpu.memory_space<vmem>>
      %dma_start3A_74 = tpu.memref_squeeze %dma_start3A_73 : memref<1x80xi32, #tpu.memory_space<vmem>> -> memref<80xi32, #tpu.memory_space<vmem>>
      %dma_start3A_75 = tpu.memref_slice %arg4[%multiple_of3A] : memref<320000xi32, #tpu.memory_space<hbm>> -> memref<80xi32, #tpu.memory_space<hbm>>
      %dma_start3A_76 = tpu.memref_slice %arg17[%dma_start3A_71] : memref<4x!tpu.dma_semaphore, #tpu.memory_space<semaphore_mem>> -> memref<1x!tpu.dma_semaphore, #tpu.memory_space<semaphore_mem>>
      %dma_start3A_77 = tpu.memref_squeeze %dma_start3A_76 : memref<1x!tpu.dma_semaphore, #tpu.memory_space<semaphore_mem>> -> memref<!tpu.dma_semaphore, #tpu.memory_space<semaphore_mem>>
      %dma_start3A_78 = arith.constant 0 : i32
      %dma_start3A_79 = tpu.memref_slice %arg14[%dma_start3A_70, %dma_start3A_78] : memref<4x80xi32, #tpu.memory_space<vmem>> -> memref<1x80xi32, #tpu.memory_space<vmem>>
      %dma_start3A_80 = tpu.memref_squeeze %dma_start3A_79 : memref<1x80xi32, #tpu.memory_space<vmem>> -> memref<80xi32, #tpu.memory_space<vmem>>
      %dma_start3A_81 = tpu.memref_slice %arg4[%multiple_of3A] : memref<320000xi32, #tpu.memory_space<hbm>> -> memref<80xi32, #tpu.memory_space<hbm>>
      tpu.enqueue_dma source(%dma_start3A_81 : memref<80xi32, #tpu.memory_space<hbm>>) target(%dma_start3A_80 : memref<80xi32, #tpu.memory_space<vmem>>) target_semaphore(%dma_start3A_77 : memref<!tpu.dma_semaphore, #tpu.memory_space<semaphore_mem>>)
      %add3A_82 = arith.constant 0 : i32
      %add3A_83 = arith.addi %mul3A_30, %add3A_82 : i32
      %add3A_84 = arith.constant 80 : i32
      %add3A_85 = arith.addi %add3A_83, %add3A_84 : i32
      %multiple_of3A_86 = tpu.assume_multiple %add3A_85, 8 : i32
      %dma_start3A_87 = arith.constant 1 : i32
      %dma_start3A_88 = arith.constant 1 : i32
      %dma_start3A_89 = arith.constant 0 : i32
      %dma_start3A_90 = tpu.memref_slice %arg13[%dma_start3A_87, %dma_start3A_89] : memref<4x80xi32, #tpu.memory_space<vmem>> -> memref<1x80xi32, #tpu.memory_space<vmem>>
      %dma_start3A_91 = tpu.memref_squeeze %dma_start3A_90 : memref<1x80xi32, #tpu.memory_space<vmem>> -> memref<80xi32, #tpu.memory_space<vmem>>
      %dma_start3A_92 = tpu.memref_slice %arg3[%multiple_of3A_86] : memref<320000xi32, #tpu.memory_space<hbm>> -> memref<80xi32, #tpu.memory_space<hbm>>
      %dma_start3A_93 = tpu.memref_slice %arg17[%dma_start3A_88] : memref<4x!tpu.dma_semaphore, #tpu.memory_space<semaphore_mem>> -> memref<1x!tpu.dma_semaphore, #tpu.memory_space<semaphore_mem>>
      %dma_start3A_94 = tpu.memref_squeeze %dma_start3A_93 : memref<1x!tpu.dma_semaphore, #tpu.memory_space<semaphore_mem>> -> memref<!tpu.dma_semaphore, #tpu.memory_space<semaphore_mem>>
      %dma_start3A_95 = arith.constant 0 : i32
      %dma_start3A_96 = tpu.memref_slice %arg13[%dma_start3A_87, %dma_start3A_95] : memref<4x80xi32, #tpu.memory_space<vmem>> -> memref<1x80xi32, #tpu.memory_space<vmem>>
      %dma_start3A_97 = tpu.memref_squeeze %dma_start3A_96 : memref<1x80xi32, #tpu.memory_space<vmem>> -> memref<80xi32, #tpu.memory_space<vmem>>
      %dma_start3A_98 = tpu.memref_slice %arg3[%multiple_of3A_86] : memref<320000xi32, #tpu.memory_space<hbm>> -> memref<80xi32, #tpu.memory_space<hbm>>
      tpu.enqueue_dma source(%dma_start3A_98 : memref<80xi32, #tpu.memory_space<hbm>>) target(%dma_start3A_97 : memref<80xi32, #tpu.memory_space<vmem>>) target_semaphore(%dma_start3A_94 : memref<!tpu.dma_semaphore, #tpu.memory_space<semaphore_mem>>)
      %dma_start3A_99 = arith.constant 1 : i32
      %dma_start3A_100 = arith.constant 1 : i32
      %dma_start3A_101 = arith.constant 0 : i32
      %dma_start3A_102 = tpu.memref_slice %arg14[%dma_start3A_99, %dma_start3A_101] : memref<4x80xi32, #tpu.memory_space<vmem>> -> memref<1x80xi32, #tpu.memory_space<vmem>>
      %dma_start3A_103 = tpu.memref_squeeze %dma_start3A_102 : memref<1x80xi32, #tpu.memory_space<vmem>> -> memref<80xi32, #tpu.memory_space<vmem>>
      %dma_start3A_104 = tpu.memref_slice %arg4[%multiple_of3A_86] : memref<320000xi32, #tpu.memory_space<hbm>> -> memref<80xi32, #tpu.memory_space<hbm>>
      %dma_start3A_105 = tpu.memref_slice %arg17[%dma_start3A_100] : memref<4x!tpu.dma_semaphore, #tpu.memory_space<semaphore_mem>> -> memref<1x!tpu.dma_semaphore, #tpu.memory_space<semaphore_mem>>
      %dma_start3A_106 = tpu.memref_squeeze %dma_start3A_105 : memref<1x!tpu.dma_semaphore, #tpu.memory_space<semaphore_mem>> -> memref<!tpu.dma_semaphore, #tpu.memory_space<semaphore_mem>>
      %dma_start3A_107 = arith.constant 0 : i32
      %dma_start3A_108 = tpu.memref_slice %arg14[%dma_start3A_99, %dma_start3A_107] : memref<4x80xi32, #tpu.memory_space<vmem>> -> memref<1x80xi32, #tpu.memory_space<vmem>>
      %dma_start3A_109 = tpu.memref_squeeze %dma_start3A_108 : memref<1x80xi32, #tpu.memory_space<vmem>> -> memref<80xi32, #tpu.memory_space<vmem>>
      %dma_start3A_110 = tpu.memref_slice %arg4[%multiple_of3A_86] : memref<320000xi32, #tpu.memory_space<hbm>> -> memref<80xi32, #tpu.memory_space<hbm>>
      tpu.enqueue_dma source(%dma_start3A_110 : memref<80xi32, #tpu.memory_space<hbm>>) target(%dma_start3A_109 : memref<80xi32, #tpu.memory_space<vmem>>) target_semaphore(%dma_start3A_106 : memref<!tpu.dma_semaphore, #tpu.memory_space<semaphore_mem>>)
      %scan3A = arith.constant 0 : i32
      %scan3A_111 = arith.constant 0 : i32
      %scan3A_112 = arith.constant 62 : i32
      %scan3A_113 = arith.addi %scan3A_111, %scan3A_112 : i32
      %scan3A_114 = arith.constant 1 : i32
      scf.for %scan3A_218 = %scan3A_111 to %scan3A_113 step %scan3A_114  : i32 {
        %mul3A_219 = arith.constant 320 : i32
        %mul3A_220 = arith.muli %scan3A_218, %mul3A_219 : i32
        %gt3A = arith.constant 0 : i32
        %gt3A_221 = arith.cmpi sgt, %scan3A_218, %gt3A : i32
        %convert_element_type3A_222 = arith.extui %gt3A_221 : i1 to i32
        %cond3A_223 = arith.constant 0 : i32
        %cond3A_224 = arith.cmpi ne, %convert_element_type3A_222, %cond3A_223 : i32
        scf.if %cond3A_224 {
          %dma_wait3A_612 = arith.constant 2 : i32
          %dma_wait3A_613 = arith.constant 2 : i32
          %dma_wait3A_614 = arith.constant 2 : i32
          %dma_wait3A_615 = arith.constant 0 : i32
          %dma_wait3A_616 = arith.constant 0 : i32
          %dma_wait3A_617 = tpu.memref_slice %arg15[%dma_wait3A_612, %dma_wait3A_615, %dma_wait3A_616] : memref<4x80x128xf32, #tpu.memory_space<vmem>> -> memref<1x80x128xf32, #tpu.memory_space<vmem>>
          %dma_wait3A_618 = tpu.memref_squeeze %dma_wait3A_617 : memref<1x80x128xf32, #tpu.memory_space<vmem>> -> memref<80x128xf32, #tpu.memory_space<vmem>>
          %dma_wait3A_619 = arith.constant 0 : i32
          %dma_wait3A_620 = tpu.memref_slice %arg14[%dma_wait3A_613, %dma_wait3A_619] : memref<4x80xi32, #tpu.memory_space<vmem>> -> memref<1x80xi32, #tpu.memory_space<vmem>>
          %dma_wait3A_621 = tpu.memref_squeeze %dma_wait3A_620 : memref<1x80xi32, #tpu.memory_space<vmem>> -> memref<80xi32, #tpu.memory_space<vmem>>
          %dma_wait3A_622 = arith.constant 0 : i32
          %dma_wait3A_623 = arith.constant 0 : i32
          %dma_wait3A_624 = tpu.memref_slice %arg11[%dma_wait3A_622, %dma_wait3A_623] : memref<10000x128xf32, #tpu.memory_space<vmem_shared>> -> memref<10000x128xf32, #tpu.memory_space<vmem_shared>>
          %dma_wait3A_625 = tpu.memref_slice %arg19[%dma_wait3A_614] : memref<4x!tpu.dma_semaphore, #tpu.memory_space<semaphore_mem>> -> memref<1x!tpu.dma_semaphore, #tpu.memory_space<semaphore_mem>>
          %dma_wait3A_626 = tpu.memref_squeeze %dma_wait3A_625 : memref<1x!tpu.dma_semaphore, #tpu.memory_space<semaphore_mem>> -> memref<!tpu.dma_semaphore, #tpu.memory_space<semaphore_mem>>
          tpu.wait_indirect_dma semaphore(%dma_wait3A_626 : memref<!tpu.dma_semaphore, #tpu.memory_space<semaphore_mem>>) src(%dma_wait3A_618 : memref<80x128xf32, #tpu.memory_space<vmem>>) dst(%dma_wait3A_624 : memref<10000x128xf32, #tpu.memory_space<vmem_shared>>)
          %dma_wait3A_627 = arith.constant 3 : i32
          %dma_wait3A_628 = arith.constant 3 : i32
          %dma_wait3A_629 = arith.constant 3 : i32
          %dma_wait3A_630 = arith.constant 0 : i32
          %dma_wait3A_631 = arith.constant 0 : i32
          %dma_wait3A_632 = tpu.memref_slice %arg15[%dma_wait3A_627, %dma_wait3A_630, %dma_wait3A_631] : memref<4x80x128xf32, #tpu.memory_space<vmem>> -> memref<1x80x128xf32, #tpu.memory_space<vmem>>
          %dma_wait3A_633 = tpu.memref_squeeze %dma_wait3A_632 : memref<1x80x128xf32, #tpu.memory_space<vmem>> -> memref<80x128xf32, #tpu.memory_space<vmem>>
          %dma_wait3A_634 = arith.constant 0 : i32
          %dma_wait3A_635 = tpu.memref_slice %arg14[%dma_wait3A_628, %dma_wait3A_634] : memref<4x80xi32, #tpu.memory_space<vmem>> -> memref<1x80xi32, #tpu.memory_space<vmem>>
          %dma_wait3A_636 = tpu.memref_squeeze %dma_wait3A_635 : memref<1x80xi32, #tpu.memory_space<vmem>> -> memref<80xi32, #tpu.memory_space<vmem>>
          %dma_wait3A_637 = arith.constant 0 : i32
          %dma_wait3A_638 = arith.constant 0 : i32
          %dma_wait3A_639 = tpu.memref_slice %arg11[%dma_wait3A_637, %dma_wait3A_638] : memref<10000x128xf32, #tpu.memory_space<vmem_shared>> -> memref<10000x128xf32, #tpu.memory_space<vmem_shared>>
          %dma_wait3A_640 = tpu.memref_slice %arg19[%dma_wait3A_629] : memref<4x!tpu.dma_semaphore, #tpu.memory_space<semaphore_mem>> -> memref<1x!tpu.dma_semaphore, #tpu.memory_space<semaphore_mem>>
          %dma_wait3A_641 = tpu.memref_squeeze %dma_wait3A_640 : memref<1x!tpu.dma_semaphore, #tpu.memory_space<semaphore_mem>> -> memref<!tpu.dma_semaphore, #tpu.memory_space<semaphore_mem>>
          tpu.wait_indirect_dma semaphore(%dma_wait3A_641 : memref<!tpu.dma_semaphore, #tpu.memory_space<semaphore_mem>>) src(%dma_wait3A_633 : memref<80x128xf32, #tpu.memory_space<vmem>>) dst(%dma_wait3A_639 : memref<10000x128xf32, #tpu.memory_space<vmem_shared>>)
        } else {
        }
        %add3A_225 = arith.constant 160 : i32
        %add3A_226 = arith.addi %mul3A_220, %add3A_225 : i32
        %add3A_227 = arith.addi %mul3A_30, %add3A_226 : i32
        %add3A_228 = arith.constant 0 : i32
        %add3A_229 = arith.addi %add3A_227, %add3A_228 : i32
        %multiple_of3A_230 = tpu.assume_multiple %add3A_229, 8 : i32
        %dma_start3A_231 = arith.constant 2 : i32
        %dma_start3A_232 = arith.constant 2 : i32
        %dma_start3A_233 = arith.constant 0 : i32
        %dma_start3A_234 = tpu.memref_slice %arg13[%dma_start3A_231, %dma_start3A_233] : memref<4x80xi32, #tpu.memory_space<vmem>> -> memref<1x80xi32, #tpu.memory_space<vmem>>
        %dma_start3A_235 = tpu.memref_squeeze %dma_start3A_234 : memref<1x80xi32, #tpu.memory_space<vmem>> -> memref<80xi32, #tpu.memory_space<vmem>>
        %dma_start3A_236 = tpu.memref_slice %arg3[%multiple_of3A_230] : memref<320000xi32, #tpu.memory_space<hbm>> -> memref<80xi32, #tpu.memory_space<hbm>>
        %dma_start3A_237 = tpu.memref_slice %arg17[%dma_start3A_232] : memref<4x!tpu.dma_semaphore, #tpu.memory_space<semaphore_mem>> -> memref<1x!tpu.dma_semaphore, #tpu.memory_space<semaphore_mem>>
        %dma_start3A_238 = tpu.memref_squeeze %dma_start3A_237 : memref<1x!tpu.dma_semaphore, #tpu.memory_space<semaphore_mem>> -> memref<!tpu.dma_semaphore, #tpu.memory_space<semaphore_mem>>
        %dma_start3A_239 = arith.constant 0 : i32
        %dma_start3A_240 = tpu.memref_slice %arg13[%dma_start3A_231, %dma_start3A_239] : memref<4x80xi32, #tpu.memory_space<vmem>> -> memref<1x80xi32, #tpu.memory_space<vmem>>
        %dma_start3A_241 = tpu.memref_squeeze %dma_start3A_240 : memref<1x80xi32, #tpu.memory_space<vmem>> -> memref<80xi32, #tpu.memory_space<vmem>>
        %dma_start3A_242 = tpu.memref_slice %arg3[%multiple_of3A_230] : memref<320000xi32, #tpu.memory_space<hbm>> -> memref<80xi32, #tpu.memory_space<hbm>>
        tpu.enqueue_dma source(%dma_start3A_242 : memref<80xi32, #tpu.memory_space<hbm>>) target(%dma_start3A_241 : memref<80xi32, #tpu.memory_space<vmem>>) target_semaphore(%dma_start3A_238 : memref<!tpu.dma_semaphore, #tpu.memory_space<semaphore_mem>>)
        %dma_start3A_243 = arith.constant 2 : i32
        %dma_start3A_244 = arith.constant 2 : i32
        %dma_start3A_245 = arith.constant 0 : i32
        %dma_start3A_246 = tpu.memref_slice %arg14[%dma_start3A_243, %dma_start3A_245] : memref<4x80xi32, #tpu.memory_space<vmem>> -> memref<1x80xi32, #tpu.memory_space<vmem>>
        %dma_start3A_247 = tpu.memref_squeeze %dma_start3A_246 : memref<1x80xi32, #tpu.memory_space<vmem>> -> memref<80xi32, #tpu.memory_space<vmem>>
        %dma_start3A_248 = tpu.memref_slice %arg4[%multiple_of3A_230] : memref<320000xi32, #tpu.memory_space<hbm>> -> memref<80xi32, #tpu.memory_space<hbm>>
        %dma_start3A_249 = tpu.memref_slice %arg17[%dma_start3A_244] : memref<4x!tpu.dma_semaphore, #tpu.memory_space<semaphore_mem>> -> memref<1x!tpu.dma_semaphore, #tpu.memory_space<semaphore_mem>>
        %dma_start3A_250 = tpu.memref_squeeze %dma_start3A_249 : memref<1x!tpu.dma_semaphore, #tpu.memory_space<semaphore_mem>> -> memref<!tpu.dma_semaphore, #tpu.memory_space<semaphore_mem>>
        %dma_start3A_251 = arith.constant 0 : i32
        %dma_start3A_252 = tpu.memref_slice %arg14[%dma_start3A_243, %dma_start3A_251] : memref<4x80xi32, #tpu.memory_space<vmem>> -> memref<1x80xi32, #tpu.memory_space<vmem>>
        %dma_start3A_253 = tpu.memref_squeeze %dma_start3A_252 : memref<1x80xi32, #tpu.memory_space<vmem>> -> memref<80xi32, #tpu.memory_space<vmem>>
        %dma_start3A_254 = tpu.memref_slice %arg4[%multiple_of3A_230] : memref<320000xi32, #tpu.memory_space<hbm>> -> memref<80xi32, #tpu.memory_space<hbm>>
        tpu.enqueue_dma source(%dma_start3A_254 : memref<80xi32, #tpu.memory_space<hbm>>) target(%dma_start3A_253 : memref<80xi32, #tpu.memory_space<vmem>>) target_semaphore(%dma_start3A_250 : memref<!tpu.dma_semaphore, #tpu.memory_space<semaphore_mem>>)
        %add3A_255 = arith.addi %mul3A_30, %add3A_226 : i32
        %add3A_256 = arith.constant 80 : i32
        %add3A_257 = arith.addi %add3A_255, %add3A_256 : i32
        %multiple_of3A_258 = tpu.assume_multiple %add3A_257, 8 : i32
        %dma_start3A_259 = arith.constant 3 : i32
        %dma_start3A_260 = arith.constant 3 : i32
        %dma_start3A_261 = arith.constant 0 : i32
        %dma_start3A_262 = tpu.memref_slice %arg13[%dma_start3A_259, %dma_start3A_261] : memref<4x80xi32, #tpu.memory_space<vmem>> -> memref<1x80xi32, #tpu.memory_space<vmem>>
        %dma_start3A_263 = tpu.memref_squeeze %dma_start3A_262 : memref<1x80xi32, #tpu.memory_space<vmem>> -> memref<80xi32, #tpu.memory_space<vmem>>
        %dma_start3A_264 = tpu.memref_slice %arg3[%multiple_of3A_258] : memref<320000xi32, #tpu.memory_space<hbm>> -> memref<80xi32, #tpu.memory_space<hbm>>
        %dma_start3A_265 = tpu.memref_slice %arg17[%dma_start3A_260] : memref<4x!tpu.dma_semaphore, #tpu.memory_space<semaphore_mem>> -> memref<1x!tpu.dma_semaphore, #tpu.memory_space<semaphore_mem>>
        %dma_start3A_266 = tpu.memref_squeeze %dma_start3A_265 : memref<1x!tpu.dma_semaphore, #tpu.memory_space<semaphore_mem>> -> memref<!tpu.dma_semaphore, #tpu.memory_space<semaphore_mem>>
        %dma_start3A_267 = arith.constant 0 : i32
        %dma_start3A_268 = tpu.memref_slice %arg13[%dma_start3A_259, %dma_start3A_267] : memref<4x80xi32, #tpu.memory_space<vmem>> -> memref<1x80xi32, #tpu.memory_space<vmem>>
        %dma_start3A_269 = tpu.memref_squeeze %dma_start3A_268 : memref<1x80xi32, #tpu.memory_space<vmem>> -> memref<80xi32, #tpu.memory_space<vmem>>
        %dma_start3A_270 = tpu.memref_slice %arg3[%multiple_of3A_258] : memref<320000xi32, #tpu.memory_space<hbm>> -> memref<80xi32, #tpu.memory_space<hbm>>
        tpu.enqueue_dma source(%dma_start3A_270 : memref<80xi32, #tpu.memory_space<hbm>>) target(%dma_start3A_269 : memref<80xi32, #tpu.memory_space<vmem>>) target_semaphore(%dma_start3A_266 : memref<!tpu.dma_semaphore, #tpu.memory_space<semaphore_mem>>)
        %dma_start3A_271 = arith.constant 3 : i32
        %dma_start3A_272 = arith.constant 3 : i32
        %dma_start3A_273 = arith.constant 0 : i32
        %dma_start3A_274 = tpu.memref_slice %arg14[%dma_start3A_271, %dma_start3A_273] : memref<4x80xi32, #tpu.memory_space<vmem>> -> memref<1x80xi32, #tpu.memory_space<vmem>>
        %dma_start3A_275 = tpu.memref_squeeze %dma_start3A_274 : memref<1x80xi32, #tpu.memory_space<vmem>> -> memref<80xi32, #tpu.memory_space<vmem>>
        %dma_start3A_276 = tpu.memref_slice %arg4[%multiple_of3A_258] : memref<320000xi32, #tpu.memory_space<hbm>> -> memref<80xi32, #tpu.memory_space<hbm>>
        %dma_start3A_277 = tpu.memref_slice %arg17[%dma_start3A_272] : memref<4x!tpu.dma_semaphore, #tpu.memory_space<semaphore_mem>> -> memref<1x!tpu.dma_semaphore, #tpu.memory_space<semaphore_mem>>
        %dma_start3A_278 = tpu.memref_squeeze %dma_start3A_277 : memref<1x!tpu.dma_semaphore, #tpu.memory_space<semaphore_mem>> -> memref<!tpu.dma_semaphore, #tpu.memory_space<semaphore_mem>>
        %dma_start3A_279 = arith.constant 0 : i32
        %dma_start3A_280 = tpu.memref_slice %arg14[%dma_start3A_271, %dma_start3A_279] : memref<4x80xi32, #tpu.memory_space<vmem>> -> memref<1x80xi32, #tpu.memory_space<vmem>>
        %dma_start3A_281 = tpu.memref_squeeze %dma_start3A_280 : memref<1x80xi32, #tpu.memory_space<vmem>> -> memref<80xi32, #tpu.memory_space<vmem>>
        %dma_start3A_282 = tpu.memref_slice %arg4[%multiple_of3A_258] : memref<320000xi32, #tpu.memory_space<hbm>> -> memref<80xi32, #tpu.memory_space<hbm>>
        tpu.enqueue_dma source(%dma_start3A_282 : memref<80xi32, #tpu.memory_space<hbm>>) target(%dma_start3A_281 : memref<80xi32, #tpu.memory_space<vmem>>) target_semaphore(%dma_start3A_278 : memref<!tpu.dma_semaphore, #tpu.memory_space<semaphore_mem>>)
        %dma_wait3A_283 = arith.constant 0 : i32
        %dma_wait3A_284 = arith.constant 0 : i32
        %dma_wait3A_285 = arith.constant 0 : i32
        %dma_wait3A_286 = tpu.memref_slice %arg13[%dma_wait3A_283, %dma_wait3A_285] : memref<4x80xi32, #tpu.memory_space<vmem>> -> memref<1x80xi32, #tpu.memory_space<vmem>>
        %dma_wait3A_287 = tpu.memref_squeeze %dma_wait3A_286 : memref<1x80xi32, #tpu.memory_space<vmem>> -> memref<80xi32, #tpu.memory_space<vmem>>
        %dma_wait3A_288 = arith.constant 0 : i32
        %dma_wait3A_289 = tpu.memref_slice %arg3[%dma_wait3A_288] : memref<320000xi32, #tpu.memory_space<hbm>> -> memref<80xi32, #tpu.memory_space<hbm>>
        %dma_wait3A_290 = tpu.memref_slice %arg17[%dma_wait3A_284] : memref<4x!tpu.dma_semaphore, #tpu.memory_space<semaphore_mem>> -> memref<1x!tpu.dma_semaphore, #tpu.memory_space<semaphore_mem>>
        %dma_wait3A_291 = tpu.memref_squeeze %dma_wait3A_290 : memref<1x!tpu.dma_semaphore, #tpu.memory_space<semaphore_mem>> -> memref<!tpu.dma_semaphore, #tpu.memory_space<semaphore_mem>>
        %dma_wait3A_292 = arith.constant 0 : i32
        %dma_wait3A_293 = tpu.memref_slice %arg13[%dma_wait3A_283, %dma_wait3A_292] : memref<4x80xi32, #tpu.memory_space<vmem>> -> memref<1x80xi32, #tpu.memory_space<vmem>>
        %dma_wait3A_294 = tpu.memref_squeeze %dma_wait3A_293 : memref<1x80xi32, #tpu.memory_space<vmem>> -> memref<80xi32, #tpu.memory_space<vmem>>
        %dma_wait3A_295 = arith.constant 0 : i32
        %dma_wait3A_296 = tpu.memref_slice %arg3[%dma_wait3A_295] : memref<320000xi32, #tpu.memory_space<hbm>> -> memref<80xi32, #tpu.memory_space<hbm>>
        tpu.wait_dma2 semaphore(%dma_wait3A_291 : memref<!tpu.dma_semaphore, #tpu.memory_space<semaphore_mem>>) src(%dma_wait3A_296 : memref<80xi32, #tpu.memory_space<hbm>>) dst(%dma_wait3A_294 : memref<80xi32, #tpu.memory_space<vmem>>)
        %dma_wait3A_297 = arith.constant 0 : i32
        %dma_wait3A_298 = arith.constant 0 : i32
        %dma_wait3A_299 = arith.constant 0 : i32
        %dma_wait3A_300 = tpu.memref_slice %arg14[%dma_wait3A_297, %dma_wait3A_299] : memref<4x80xi32, #tpu.memory_space<vmem>> -> memref<1x80xi32, #tpu.memory_space<vmem>>
        %dma_wait3A_301 = tpu.memref_squeeze %dma_wait3A_300 : memref<1x80xi32, #tpu.memory_space<vmem>> -> memref<80xi32, #tpu.memory_space<vmem>>
        %dma_wait3A_302 = arith.constant 0 : i32
        %dma_wait3A_303 = tpu.memref_slice %arg4[%dma_wait3A_302] : memref<320000xi32, #tpu.memory_space<hbm>> -> memref<80xi32, #tpu.memory_space<hbm>>
        %dma_wait3A_304 = tpu.memref_slice %arg17[%dma_wait3A_298] : memref<4x!tpu.dma_semaphore, #tpu.memory_space<semaphore_mem>> -> memref<1x!tpu.dma_semaphore, #tpu.memory_space<semaphore_mem>>
        %dma_wait3A_305 = tpu.memref_squeeze %dma_wait3A_304 : memref<1x!tpu.dma_semaphore, #tpu.memory_space<semaphore_mem>> -> memref<!tpu.dma_semaphore, #tpu.memory_space<semaphore_mem>>
        %dma_wait3A_306 = arith.constant 0 : i32
        %dma_wait3A_307 = tpu.memref_slice %arg14[%dma_wait3A_297, %dma_wait3A_306] : memref<4x80xi32, #tpu.memory_space<vmem>> -> memref<1x80xi32, #tpu.memory_space<vmem>>
        %dma_wait3A_308 = tpu.memref_squeeze %dma_wait3A_307 : memref<1x80xi32, #tpu.memory_space<vmem>> -> memref<80xi32, #tpu.memory_space<vmem>>
        %dma_wait3A_309 = arith.constant 0 : i32
        %dma_wait3A_310 = tpu.memref_slice %arg4[%dma_wait3A_309] : memref<320000xi32, #tpu.memory_space<hbm>> -> memref<80xi32, #tpu.memory_space<hbm>>
        tpu.wait_dma2 semaphore(%dma_wait3A_305 : memref<!tpu.dma_semaphore, #tpu.memory_space<semaphore_mem>>) src(%dma_wait3A_310 : memref<80xi32, #tpu.memory_space<hbm>>) dst(%dma_wait3A_308 : memref<80xi32, #tpu.memory_space<vmem>>)
        %dma_start3A_311 = arith.constant 0 : i32
        %dma_start3A_312 = arith.constant 0 : i32
        %dma_start3A_313 = arith.constant 0 : i32
        %dma_start3A_314 = arith.constant 0 : i32
        %dma_start3A_315 = arith.constant 0 : i32
        %dma_start3A_316 = tpu.memref_slice %arg15[%dma_start3A_312, %dma_start3A_314, %dma_start3A_315] : memref<4x80x128xf32, #tpu.memory_space<vmem>> -> memref<1x80x128xf32, #tpu.memory_space<vmem>>
        %dma_start3A_317 = tpu.memref_squeeze %dma_start3A_316 : memref<1x80x128xf32, #tpu.memory_space<vmem>> -> memref<80x128xf32, #tpu.memory_space<vmem>>
        %dma_start3A_318 = arith.constant 0 : i32
        %dma_start3A_319 = tpu.memref_slice %arg13[%dma_start3A_311, %dma_start3A_318] : memref<4x80xi32, #tpu.memory_space<vmem>> -> memref<1x80xi32, #tpu.memory_space<vmem>>
        %dma_start3A_320 = tpu.memref_squeeze %dma_start3A_319 : memref<1x80xi32, #tpu.memory_space<vmem>> -> memref<80xi32, #tpu.memory_space<vmem>>
        %dma_start3A_321 = arith.constant 0 : i32
        %dma_start3A_322 = arith.constant 0 : i32
        %dma_start3A_323 = tpu.memref_slice %arg2[%dma_start3A_321, %dma_start3A_322] : memref<10000x128xf32, #tpu.memory_space<hbm>> -> memref<10000x128xf32, #tpu.memory_space<hbm>>
        %dma_start3A_324 = tpu.memref_slice %arg18[%dma_start3A_313] : memref<4x!tpu.dma_semaphore, #tpu.memory_space<semaphore_mem>> -> memref<1x!tpu.dma_semaphore, #tpu.memory_space<semaphore_mem>>
        %dma_start3A_325 = tpu.memref_squeeze %dma_start3A_324 : memref<1x!tpu.dma_semaphore, #tpu.memory_space<semaphore_mem>> -> memref<!tpu.dma_semaphore, #tpu.memory_space<semaphore_mem>>
        tpu.enqueue_indirect_dma source(%dma_start3A_323 : memref<10000x128xf32, #tpu.memory_space<hbm>>) target(%dma_start3A_317 : memref<80x128xf32, #tpu.memory_space<vmem>>) offsets(%dma_start3A_320 : memref<80xi32, #tpu.memory_space<vmem>>) semaphore(%dma_start3A_325 : memref<!tpu.dma_semaphore, #tpu.memory_space<semaphore_mem>>)
        %dma_wait3A_326 = arith.constant 1 : i32
        %dma_wait3A_327 = arith.constant 1 : i32
        %dma_wait3A_328 = arith.constant 0 : i32
        %dma_wait3A_329 = tpu.memref_slice %arg13[%dma_wait3A_326, %dma_wait3A_328] : memref<4x80xi32, #tpu.memory_space<vmem>> -> memref<1x80xi32, #tpu.memory_space<vmem>>
        %dma_wait3A_330 = tpu.memref_squeeze %dma_wait3A_329 : memref<1x80xi32, #tpu.memory_space<vmem>> -> memref<80xi32, #tpu.memory_space<vmem>>
        %dma_wait3A_331 = arith.constant 0 : i32
        %dma_wait3A_332 = tpu.memref_slice %arg3[%dma_wait3A_331] : memref<320000xi32, #tpu.memory_space<hbm>> -> memref<80xi32, #tpu.memory_space<hbm>>
        %dma_wait3A_333 = tpu.memref_slice %arg17[%dma_wait3A_327] : memref<4x!tpu.dma_semaphore, #tpu.memory_space<semaphore_mem>> -> memref<1x!tpu.dma_semaphore, #tpu.memory_space<semaphore_mem>>
        %dma_wait3A_334 = tpu.memref_squeeze %dma_wait3A_333 : memref<1x!tpu.dma_semaphore, #tpu.memory_space<semaphore_mem>> -> memref<!tpu.dma_semaphore, #tpu.memory_space<semaphore_mem>>
        %dma_wait3A_335 = arith.constant 0 : i32
        %dma_wait3A_336 = tpu.memref_slice %arg13[%dma_wait3A_326, %dma_wait3A_335] : memref<4x80xi32, #tpu.memory_space<vmem>> -> memref<1x80xi32, #tpu.memory_space<vmem>>
        %dma_wait3A_337 = tpu.memref_squeeze %dma_wait3A_336 : memref<1x80xi32, #tpu.memory_space<vmem>> -> memref<80xi32, #tpu.memory_space<vmem>>
        %dma_wait3A_338 = arith.constant 0 : i32
        %dma_wait3A_339 = tpu.memref_slice %arg3[%dma_wait3A_338] : memref<320000xi32, #tpu.memory_space<hbm>> -> memref<80xi32, #tpu.memory_space<hbm>>
        tpu.wait_dma2 semaphore(%dma_wait3A_334 : memref<!tpu.dma_semaphore, #tpu.memory_space<semaphore_mem>>) src(%dma_wait3A_339 : memref<80xi32, #tpu.memory_space<hbm>>) dst(%dma_wait3A_337 : memref<80xi32, #tpu.memory_space<vmem>>)
        %dma_wait3A_340 = arith.constant 1 : i32
        %dma_wait3A_341 = arith.constant 1 : i32
        %dma_wait3A_342 = arith.constant 0 : i32
        %dma_wait3A_343 = tpu.memref_slice %arg14[%dma_wait3A_340, %dma_wait3A_342] : memref<4x80xi32, #tpu.memory_space<vmem>> -> memref<1x80xi32, #tpu.memory_space<vmem>>
        %dma_wait3A_344 = tpu.memref_squeeze %dma_wait3A_343 : memref<1x80xi32, #tpu.memory_space<vmem>> -> memref<80xi32, #tpu.memory_space<vmem>>
        %dma_wait3A_345 = arith.constant 0 : i32
        %dma_wait3A_346 = tpu.memref_slice %arg4[%dma_wait3A_345] : memref<320000xi32, #tpu.memory_space<hbm>> -> memref<80xi32, #tpu.memory_space<hbm>>
        %dma_wait3A_347 = tpu.memref_slice %arg17[%dma_wait3A_341] : memref<4x!tpu.dma_semaphore, #tpu.memory_space<semaphore_mem>> -> memref<1x!tpu.dma_semaphore, #tpu.memory_space<semaphore_mem>>
        %dma_wait3A_348 = tpu.memref_squeeze %dma_wait3A_347 : memref<1x!tpu.dma_semaphore, #tpu.memory_space<semaphore_mem>> -> memref<!tpu.dma_semaphore, #tpu.memory_space<semaphore_mem>>
        %dma_wait3A_349 = arith.constant 0 : i32
        %dma_wait3A_350 = tpu.memref_slice %arg14[%dma_wait3A_340, %dma_wait3A_349] : memref<4x80xi32, #tpu.memory_space<vmem>> -> memref<1x80xi32, #tpu.memory_space<vmem>>
        %dma_wait3A_351 = tpu.memref_squeeze %dma_wait3A_350 : memref<1x80xi32, #tpu.memory_space<vmem>> -> memref<80xi32, #tpu.memory_space<vmem>>
        %dma_wait3A_352 = arith.constant 0 : i32
        %dma_wait3A_353 = tpu.memref_slice %arg4[%dma_wait3A_352] : memref<320000xi32, #tpu.memory_space<hbm>> -> memref<80xi32, #tpu.memory_space<hbm>>
        tpu.wait_dma2 semaphore(%dma_wait3A_348 : memref<!tpu.dma_semaphore, #tpu.memory_space<semaphore_mem>>) src(%dma_wait3A_353 : memref<80xi32, #tpu.memory_space<hbm>>) dst(%dma_wait3A_351 : memref<80xi32, #tpu.memory_space<vmem>>)
        %dma_start3A_354 = arith.constant 1 : i32
        %dma_start3A_355 = arith.constant 1 : i32
        %dma_start3A_356 = arith.constant 1 : i32
        %dma_start3A_357 = arith.constant 0 : i32
        %dma_start3A_358 = arith.constant 0 : i32
        %dma_start3A_359 = tpu.memref_slice %arg15[%dma_start3A_355, %dma_start3A_357, %dma_start3A_358] : memref<4x80x128xf32, #tpu.memory_space<vmem>> -> memref<1x80x128xf32, #tpu.memory_space<vmem>>
        %dma_start3A_360 = tpu.memref_squeeze %dma_start3A_359 : memref<1x80x128xf32, #tpu.memory_space<vmem>> -> memref<80x128xf32, #tpu.memory_space<vmem>>
        %dma_start3A_361 = arith.constant 0 : i32
        %dma_start3A_362 = tpu.memref_slice %arg13[%dma_start3A_354, %dma_start3A_361] : memref<4x80xi32, #tpu.memory_space<vmem>> -> memref<1x80xi32, #tpu.memory_space<vmem>>
        %dma_start3A_363 = tpu.memref_squeeze %dma_start3A_362 : memref<1x80xi32, #tpu.memory_space<vmem>> -> memref<80xi32, #tpu.memory_space<vmem>>
        %dma_start3A_364 = arith.constant 0 : i32
        %dma_start3A_365 = arith.constant 0 : i32
        %dma_start3A_366 = tpu.memref_slice %arg2[%dma_start3A_364, %dma_start3A_365] : memref<10000x128xf32, #tpu.memory_space<hbm>> -> memref<10000x128xf32, #tpu.memory_space<hbm>>
        %dma_start3A_367 = tpu.memref_slice %arg18[%dma_start3A_356] : memref<4x!tpu.dma_semaphore, #tpu.memory_space<semaphore_mem>> -> memref<1x!tpu.dma_semaphore, #tpu.memory_space<semaphore_mem>>
        %dma_start3A_368 = tpu.memref_squeeze %dma_start3A_367 : memref<1x!tpu.dma_semaphore, #tpu.memory_space<semaphore_mem>> -> memref<!tpu.dma_semaphore, #tpu.memory_space<semaphore_mem>>
        tpu.enqueue_indirect_dma source(%dma_start3A_366 : memref<10000x128xf32, #tpu.memory_space<hbm>>) target(%dma_start3A_360 : memref<80x128xf32, #tpu.memory_space<vmem>>) offsets(%dma_start3A_363 : memref<80xi32, #tpu.memory_space<vmem>>) semaphore(%dma_start3A_368 : memref<!tpu.dma_semaphore, #tpu.memory_space<semaphore_mem>>)
        %dma_wait3A_369 = arith.constant 2 : i32
        %dma_wait3A_370 = arith.constant 2 : i32
        %dma_wait3A_371 = arith.constant 0 : i32
        %dma_wait3A_372 = tpu.memref_slice %arg13[%dma_wait3A_369, %dma_wait3A_371] : memref<4x80xi32, #tpu.memory_space<vmem>> -> memref<1x80xi32, #tpu.memory_space<vmem>>
        %dma_wait3A_373 = tpu.memref_squeeze %dma_wait3A_372 : memref<1x80xi32, #tpu.memory_space<vmem>> -> memref<80xi32, #tpu.memory_space<vmem>>
        %dma_wait3A_374 = arith.constant 0 : i32
        %dma_wait3A_375 = tpu.memref_slice %arg3[%dma_wait3A_374] : memref<320000xi32, #tpu.memory_space<hbm>> -> memref<80xi32, #tpu.memory_space<hbm>>
        %dma_wait3A_376 = tpu.memref_slice %arg17[%dma_wait3A_370] : memref<4x!tpu.dma_semaphore, #tpu.memory_space<semaphore_mem>> -> memref<1x!tpu.dma_semaphore, #tpu.memory_space<semaphore_mem>>
        %dma_wait3A_377 = tpu.memref_squeeze %dma_wait3A_376 : memref<1x!tpu.dma_semaphore, #tpu.memory_space<semaphore_mem>> -> memref<!tpu.dma_semaphore, #tpu.memory_space<semaphore_mem>>
        %dma_wait3A_378 = arith.constant 0 : i32
        %dma_wait3A_379 = tpu.memref_slice %arg13[%dma_wait3A_369, %dma_wait3A_378] : memref<4x80xi32, #tpu.memory_space<vmem>> -> memref<1x80xi32, #tpu.memory_space<vmem>>
        %dma_wait3A_380 = tpu.memref_squeeze %dma_wait3A_379 : memref<1x80xi32, #tpu.memory_space<vmem>> -> memref<80xi32, #tpu.memory_space<vmem>>
        %dma_wait3A_381 = arith.constant 0 : i32
        %dma_wait3A_382 = tpu.memref_slice %arg3[%dma_wait3A_381] : memref<320000xi32, #tpu.memory_space<hbm>> -> memref<80xi32, #tpu.memory_space<hbm>>
        tpu.wait_dma2 semaphore(%dma_wait3A_377 : memref<!tpu.dma_semaphore, #tpu.memory_space<semaphore_mem>>) src(%dma_wait3A_382 : memref<80xi32, #tpu.memory_space<hbm>>) dst(%dma_wait3A_380 : memref<80xi32, #tpu.memory_space<vmem>>)
        %dma_wait3A_383 = arith.constant 2 : i32
        %dma_wait3A_384 = arith.constant 2 : i32
        %dma_wait3A_385 = arith.constant 0 : i32
        %dma_wait3A_386 = tpu.memref_slice %arg14[%dma_wait3A_383, %dma_wait3A_385] : memref<4x80xi32, #tpu.memory_space<vmem>> -> memref<1x80xi32, #tpu.memory_space<vmem>>
        %dma_wait3A_387 = tpu.memref_squeeze %dma_wait3A_386 : memref<1x80xi32, #tpu.memory_space<vmem>> -> memref<80xi32, #tpu.memory_space<vmem>>
        %dma_wait3A_388 = arith.constant 0 : i32
        %dma_wait3A_389 = tpu.memref_slice %arg4[%dma_wait3A_388] : memref<320000xi32, #tpu.memory_space<hbm>> -> memref<80xi32, #tpu.memory_space<hbm>>
        %dma_wait3A_390 = tpu.memref_slice %arg17[%dma_wait3A_384] : memref<4x!tpu.dma_semaphore, #tpu.memory_space<semaphore_mem>> -> memref<1x!tpu.dma_semaphore, #tpu.memory_space<semaphore_mem>>
        %dma_wait3A_391 = tpu.memref_squeeze %dma_wait3A_390 : memref<1x!tpu.dma_semaphore, #tpu.memory_space<semaphore_mem>> -> memref<!tpu.dma_semaphore, #tpu.memory_space<semaphore_mem>>
        %dma_wait3A_392 = arith.constant 0 : i32
        %dma_wait3A_393 = tpu.memref_slice %arg14[%dma_wait3A_383, %dma_wait3A_392] : memref<4x80xi32, #tpu.memory_space<vmem>> -> memref<1x80xi32, #tpu.memory_space<vmem>>
        %dma_wait3A_394 = tpu.memref_squeeze %dma_wait3A_393 : memref<1x80xi32, #tpu.memory_space<vmem>> -> memref<80xi32, #tpu.memory_space<vmem>>
        %dma_wait3A_395 = arith.constant 0 : i32
        %dma_wait3A_396 = tpu.memref_slice %arg4[%dma_wait3A_395] : memref<320000xi32, #tpu.memory_space<hbm>> -> memref<80xi32, #tpu.memory_space<hbm>>
        tpu.wait_dma2 semaphore(%dma_wait3A_391 : memref<!tpu.dma_semaphore, #tpu.memory_space<semaphore_mem>>) src(%dma_wait3A_396 : memref<80xi32, #tpu.memory_space<hbm>>) dst(%dma_wait3A_394 : memref<80xi32, #tpu.memory_space<vmem>>)
        %dma_start3A_397 = arith.constant 2 : i32
        %dma_start3A_398 = arith.constant 2 : i32
        %dma_start3A_399 = arith.constant 2 : i32
        %dma_start3A_400 = arith.constant 0 : i32
        %dma_start3A_401 = arith.constant 0 : i32
        %dma_start3A_402 = tpu.memref_slice %arg15[%dma_start3A_398, %dma_start3A_400, %dma_start3A_401] : memref<4x80x128xf32, #tpu.memory_space<vmem>> -> memref<1x80x128xf32, #tpu.memory_space<vmem>>
        %dma_start3A_403 = tpu.memref_squeeze %dma_start3A_402 : memref<1x80x128xf32, #tpu.memory_space<vmem>> -> memref<80x128xf32, #tpu.memory_space<vmem>>
        %dma_start3A_404 = arith.constant 0 : i32
        %dma_start3A_405 = tpu.memref_slice %arg13[%dma_start3A_397, %dma_start3A_404] : memref<4x80xi32, #tpu.memory_space<vmem>> -> memref<1x80xi32, #tpu.memory_space<vmem>>
        %dma_start3A_406 = tpu.memref_squeeze %dma_start3A_405 : memref<1x80xi32, #tpu.memory_space<vmem>> -> memref<80xi32, #tpu.memory_space<vmem>>
        %dma_start3A_407 = arith.constant 0 : i32
        %dma_start3A_408 = arith.constant 0 : i32
        %dma_start3A_409 = tpu.memref_slice %arg2[%dma_start3A_407, %dma_start3A_408] : memref<10000x128xf32, #tpu.memory_space<hbm>> -> memref<10000x128xf32, #tpu.memory_space<hbm>>
        %dma_start3A_410 = tpu.memref_slice %arg18[%dma_start3A_399] : memref<4x!tpu.dma_semaphore, #tpu.memory_space<semaphore_mem>> -> memref<1x!tpu.dma_semaphore, #tpu.memory_space<semaphore_mem>>
        %dma_start3A_411 = tpu.memref_squeeze %dma_start3A_410 : memref<1x!tpu.dma_semaphore, #tpu.memory_space<semaphore_mem>> -> memref<!tpu.dma_semaphore, #tpu.memory_space<semaphore_mem>>
        tpu.enqueue_indirect_dma source(%dma_start3A_409 : memref<10000x128xf32, #tpu.memory_space<hbm>>) target(%dma_start3A_403 : memref<80x128xf32, #tpu.memory_space<vmem>>) offsets(%dma_start3A_406 : memref<80xi32, #tpu.memory_space<vmem>>) semaphore(%dma_start3A_411 : memref<!tpu.dma_semaphore, #tpu.memory_space<semaphore_mem>>)
        %dma_wait3A_412 = arith.constant 3 : i32
        %dma_wait3A_413 = arith.constant 3 : i32
        %dma_wait3A_414 = arith.constant 0 : i32
        %dma_wait3A_415 = tpu.memref_slice %arg13[%dma_wait3A_412, %dma_wait3A_414] : memref<4x80xi32, #tpu.memory_space<vmem>> -> memref<1x80xi32, #tpu.memory_space<vmem>>
        %dma_wait3A_416 = tpu.memref_squeeze %dma_wait3A_415 : memref<1x80xi32, #tpu.memory_space<vmem>> -> memref<80xi32, #tpu.memory_space<vmem>>
        %dma_wait3A_417 = arith.constant 0 : i32
        %dma_wait3A_418 = tpu.memref_slice %arg3[%dma_wait3A_417] : memref<320000xi32, #tpu.memory_space<hbm>> -> memref<80xi32, #tpu.memory_space<hbm>>
        %dma_wait3A_419 = tpu.memref_slice %arg17[%dma_wait3A_413] : memref<4x!tpu.dma_semaphore, #tpu.memory_space<semaphore_mem>> -> memref<1x!tpu.dma_semaphore, #tpu.memory_space<semaphore_mem>>
        %dma_wait3A_420 = tpu.memref_squeeze %dma_wait3A_419 : memref<1x!tpu.dma_semaphore, #tpu.memory_space<semaphore_mem>> -> memref<!tpu.dma_semaphore, #tpu.memory_space<semaphore_mem>>
        %dma_wait3A_421 = arith.constant 0 : i32
        %dma_wait3A_422 = tpu.memref_slice %arg13[%dma_wait3A_412, %dma_wait3A_421] : memref<4x80xi32, #tpu.memory_space<vmem>> -> memref<1x80xi32, #tpu.memory_space<vmem>>
        %dma_wait3A_423 = tpu.memref_squeeze %dma_wait3A_422 : memref<1x80xi32, #tpu.memory_space<vmem>> -> memref<80xi32, #tpu.memory_space<vmem>>
        %dma_wait3A_424 = arith.constant 0 : i32
        %dma_wait3A_425 = tpu.memref_slice %arg3[%dma_wait3A_424] : memref<320000xi32, #tpu.memory_space<hbm>> -> memref<80xi32, #tpu.memory_space<hbm>>
        tpu.wait_dma2 semaphore(%dma_wait3A_420 : memref<!tpu.dma_semaphore, #tpu.memory_space<semaphore_mem>>) src(%dma_wait3A_425 : memref<80xi32, #tpu.memory_space<hbm>>) dst(%dma_wait3A_423 : memref<80xi32, #tpu.memory_space<vmem>>)
        %dma_wait3A_426 = arith.constant 3 : i32
        %dma_wait3A_427 = arith.constant 3 : i32
        %dma_wait3A_428 = arith.constant 0 : i32
        %dma_wait3A_429 = tpu.memref_slice %arg14[%dma_wait3A_426, %dma_wait3A_428] : memref<4x80xi32, #tpu.memory_space<vmem>> -> memref<1x80xi32, #tpu.memory_space<vmem>>
        %dma_wait3A_430 = tpu.memref_squeeze %dma_wait3A_429 : memref<1x80xi32, #tpu.memory_space<vmem>> -> memref<80xi32, #tpu.memory_space<vmem>>
        %dma_wait3A_431 = arith.constant 0 : i32
        %dma_wait3A_432 = tpu.memref_slice %arg4[%dma_wait3A_431] : memref<320000xi32, #tpu.memory_space<hbm>> -> memref<80xi32, #tpu.memory_space<hbm>>
        %dma_wait3A_433 = tpu.memref_slice %arg17[%dma_wait3A_427] : memref<4x!tpu.dma_semaphore, #tpu.memory_space<semaphore_mem>> -> memref<1x!tpu.dma_semaphore, #tpu.memory_space<semaphore_mem>>
        %dma_wait3A_434 = tpu.memref_squeeze %dma_wait3A_433 : memref<1x!tpu.dma_semaphore, #tpu.memory_space<semaphore_mem>> -> memref<!tpu.dma_semaphore, #tpu.memory_space<semaphore_mem>>
        %dma_wait3A_435 = arith.constant 0 : i32
        %dma_wait3A_436 = tpu.memref_slice %arg14[%dma_wait3A_426, %dma_wait3A_435] : memref<4x80xi32, #tpu.memory_space<vmem>> -> memref<1x80xi32, #tpu.memory_space<vmem>>
        %dma_wait3A_437 = tpu.memref_squeeze %dma_wait3A_436 : memref<1x80xi32, #tpu.memory_space<vmem>> -> memref<80xi32, #tpu.memory_space<vmem>>
        %dma_wait3A_438 = arith.constant 0 : i32
        %dma_wait3A_439 = tpu.memref_slice %arg4[%dma_wait3A_438] : memref<320000xi32, #tpu.memory_space<hbm>> -> memref<80xi32, #tpu.memory_space<hbm>>
        tpu.wait_dma2 semaphore(%dma_wait3A_434 : memref<!tpu.dma_semaphore, #tpu.memory_space<semaphore_mem>>) src(%dma_wait3A_439 : memref<80xi32, #tpu.memory_space<hbm>>) dst(%dma_wait3A_437 : memref<80xi32, #tpu.memory_space<vmem>>)
        %dma_start3A_440 = arith.constant 3 : i32
        %dma_start3A_441 = arith.constant 3 : i32
        %dma_start3A_442 = arith.constant 3 : i32
        %dma_start3A_443 = arith.constant 0 : i32
        %dma_start3A_444 = arith.constant 0 : i32
        %dma_start3A_445 = tpu.memref_slice %arg15[%dma_start3A_441, %dma_start3A_443, %dma_start3A_444] : memref<4x80x128xf32, #tpu.memory_space<vmem>> -> memref<1x80x128xf32, #tpu.memory_space<vmem>>
        %dma_start3A_446 = tpu.memref_squeeze %dma_start3A_445 : memref<1x80x128xf32, #tpu.memory_space<vmem>> -> memref<80x128xf32, #tpu.memory_space<vmem>>
        %dma_start3A_447 = arith.constant 0 : i32
        %dma_start3A_448 = tpu.memref_slice %arg13[%dma_start3A_440, %dma_start3A_447] : memref<4x80xi32, #tpu.memory_space<vmem>> -> memref<1x80xi32, #tpu.memory_space<vmem>>
        %dma_start3A_449 = tpu.memref_squeeze %dma_start3A_448 : memref<1x80xi32, #tpu.memory_space<vmem>> -> memref<80xi32, #tpu.memory_space<vmem>>
        %dma_start3A_450 = arith.constant 0 : i32
        %dma_start3A_451 = arith.constant 0 : i32
        %dma_start3A_452 = tpu.memref_slice %arg2[%dma_start3A_450, %dma_start3A_451] : memref<10000x128xf32, #tpu.memory_space<hbm>> -> memref<10000x128xf32, #tpu.memory_space<hbm>>
        %dma_start3A_453 = tpu.memref_slice %arg18[%dma_start3A_442] : memref<4x!tpu.dma_semaphore, #tpu.memory_space<semaphore_mem>> -> memref<1x!tpu.dma_semaphore, #tpu.memory_space<semaphore_mem>>
        %dma_start3A_454 = tpu.memref_squeeze %dma_start3A_453 : memref<1x!tpu.dma_semaphore, #tpu.memory_space<semaphore_mem>> -> memref<!tpu.dma_semaphore, #tpu.memory_space<semaphore_mem>>
        tpu.enqueue_indirect_dma source(%dma_start3A_452 : memref<10000x128xf32, #tpu.memory_space<hbm>>) target(%dma_start3A_446 : memref<80x128xf32, #tpu.memory_space<vmem>>) offsets(%dma_start3A_449 : memref<80xi32, #tpu.memory_space<vmem>>) semaphore(%dma_start3A_454 : memref<!tpu.dma_semaphore, #tpu.memory_space<semaphore_mem>>)
        %dma_wait3A_455 = arith.constant 0 : i32
        %dma_wait3A_456 = arith.constant 0 : i32
        %dma_wait3A_457 = arith.constant 0 : i32
        %dma_wait3A_458 = arith.constant 0 : i32
        %dma_wait3A_459 = arith.constant 0 : i32
        %dma_wait3A_460 = tpu.memref_slice %arg15[%dma_wait3A_456, %dma_wait3A_458, %dma_wait3A_459] : memref<4x80x128xf32, #tpu.memory_space<vmem>> -> memref<1x80x128xf32, #tpu.memory_space<vmem>>
        %dma_wait3A_461 = tpu.memref_squeeze %dma_wait3A_460 : memref<1x80x128xf32, #tpu.memory_space<vmem>> -> memref<80x128xf32, #tpu.memory_space<vmem>>
        %dma_wait3A_462 = arith.constant 0 : i32
        %dma_wait3A_463 = tpu.memref_slice %arg13[%dma_wait3A_455, %dma_wait3A_462] : memref<4x80xi32, #tpu.memory_space<vmem>> -> memref<1x80xi32, #tpu.memory_space<vmem>>
        %dma_wait3A_464 = tpu.memref_squeeze %dma_wait3A_463 : memref<1x80xi32, #tpu.memory_space<vmem>> -> memref<80xi32, #tpu.memory_space<vmem>>
        %dma_wait3A_465 = arith.constant 0 : i32
        %dma_wait3A_466 = arith.constant 0 : i32
        %dma_wait3A_467 = tpu.memref_slice %arg2[%dma_wait3A_465, %dma_wait3A_466] : memref<10000x128xf32, #tpu.memory_space<hbm>> -> memref<10000x128xf32, #tpu.memory_space<hbm>>
        %dma_wait3A_468 = tpu.memref_slice %arg18[%dma_wait3A_457] : memref<4x!tpu.dma_semaphore, #tpu.memory_space<semaphore_mem>> -> memref<1x!tpu.dma_semaphore, #tpu.memory_space<semaphore_mem>>
        %dma_wait3A_469 = tpu.memref_squeeze %dma_wait3A_468 : memref<1x!tpu.dma_semaphore, #tpu.memory_space<semaphore_mem>> -> memref<!tpu.dma_semaphore, #tpu.memory_space<semaphore_mem>>
        tpu.wait_indirect_dma semaphore(%dma_wait3A_469 : memref<!tpu.dma_semaphore, #tpu.memory_space<semaphore_mem>>) src(%dma_wait3A_467 : memref<10000x128xf32, #tpu.memory_space<hbm>>) dst(%dma_wait3A_461 : memref<80x128xf32, #tpu.memory_space<vmem>>)
        %dma_start3A_470 = arith.constant 0 : i32
        %dma_start3A_471 = arith.constant 0 : i32
        %dma_start3A_472 = arith.constant 0 : i32
        %dma_start3A_473 = arith.constant 0 : i32
        %dma_start3A_474 = arith.constant 0 : i32
        %dma_start3A_475 = tpu.memref_slice %arg15[%dma_start3A_470, %dma_start3A_473, %dma_start3A_474] : memref<4x80x128xf32, #tpu.memory_space<vmem>> -> memref<1x80x128xf32, #tpu.memory_space<vmem>>
        %dma_start3A_476 = tpu.memref_squeeze %dma_start3A_475 : memref<1x80x128xf32, #tpu.memory_space<vmem>> -> memref<80x128xf32, #tpu.memory_space<vmem>>
        %dma_start3A_477 = arith.constant 0 : i32
        %dma_start3A_478 = tpu.memref_slice %arg14[%dma_start3A_471, %dma_start3A_477] : memref<4x80xi32, #tpu.memory_space<vmem>> -> memref<1x80xi32, #tpu.memory_space<vmem>>
        %dma_start3A_479 = tpu.memref_squeeze %dma_start3A_478 : memref<1x80xi32, #tpu.memory_space<vmem>> -> memref<80xi32, #tpu.memory_space<vmem>>
        %dma_start3A_480 = arith.constant 0 : i32
        %dma_start3A_481 = arith.constant 0 : i32
        %dma_start3A_482 = tpu.memref_slice %arg11[%dma_start3A_480, %dma_start3A_481] : memref<10000x128xf32, #tpu.memory_space<vmem_shared>> -> memref<10000x128xf32, #tpu.memory_space<vmem_shared>>
        %dma_start3A_483 = tpu.memref_slice %arg19[%dma_start3A_472] : memref<4x!tpu.dma_semaphore, #tpu.memory_space<semaphore_mem>> -> memref<1x!tpu.dma_semaphore, #tpu.memory_space<semaphore_mem>>
        %dma_start3A_484 = tpu.memref_squeeze %dma_start3A_483 : memref<1x!tpu.dma_semaphore, #tpu.memory_space<semaphore_mem>> -> memref<!tpu.dma_semaphore, #tpu.memory_space<semaphore_mem>>
        tpu.enqueue_indirect_dma source(%dma_start3A_476 : memref<80x128xf32, #tpu.memory_space<vmem>>) target(%dma_start3A_482 : memref<10000x128xf32, #tpu.memory_space<vmem_shared>>) offsets(%dma_start3A_479 : memref<80xi32, #tpu.memory_space<vmem>>) semaphore(%dma_start3A_484 : memref<!tpu.dma_semaphore, #tpu.memory_space<semaphore_mem>>) {add = true}
        %dma_wait3A_485 = arith.constant 1 : i32
        %dma_wait3A_486 = arith.constant 1 : i32
        %dma_wait3A_487 = arith.constant 1 : i32
        %dma_wait3A_488 = arith.constant 0 : i32
        %dma_wait3A_489 = arith.constant 0 : i32
        %dma_wait3A_490 = tpu.memref_slice %arg15[%dma_wait3A_486, %dma_wait3A_488, %dma_wait3A_489] : memref<4x80x128xf32, #tpu.memory_space<vmem>> -> memref<1x80x128xf32, #tpu.memory_space<vmem>>
        %dma_wait3A_491 = tpu.memref_squeeze %dma_wait3A_490 : memref<1x80x128xf32, #tpu.memory_space<vmem>> -> memref<80x128xf32, #tpu.memory_space<vmem>>
        %dma_wait3A_492 = arith.constant 0 : i32
        %dma_wait3A_493 = tpu.memref_slice %arg13[%dma_wait3A_485, %dma_wait3A_492] : memref<4x80xi32, #tpu.memory_space<vmem>> -> memref<1x80xi32, #tpu.memory_space<vmem>>
        %dma_wait3A_494 = tpu.memref_squeeze %dma_wait3A_493 : memref<1x80xi32, #tpu.memory_space<vmem>> -> memref<80xi32, #tpu.memory_space<vmem>>
        %dma_wait3A_495 = arith.constant 0 : i32
        %dma_wait3A_496 = arith.constant 0 : i32
        %dma_wait3A_497 = tpu.memref_slice %arg2[%dma_wait3A_495, %dma_wait3A_496] : memref<10000x128xf32, #tpu.memory_space<hbm>> -> memref<10000x128xf32, #tpu.memory_space<hbm>>
        %dma_wait3A_498 = tpu.memref_slice %arg18[%dma_wait3A_487] : memref<4x!tpu.dma_semaphore, #tpu.memory_space<semaphore_mem>> -> memref<1x!tpu.dma_semaphore, #tpu.memory_space<semaphore_mem>>
        %dma_wait3A_499 = tpu.memref_squeeze %dma_wait3A_498 : memref<1x!tpu.dma_semaphore, #tpu.memory_space<semaphore_mem>> -> memref<!tpu.dma_semaphore, #tpu.memory_space<semaphore_mem>>
        tpu.wait_indirect_dma semaphore(%dma_wait3A_499 : memref<!tpu.dma_semaphore, #tpu.memory_space<semaphore_mem>>) src(%dma_wait3A_497 : memref<10000x128xf32, #tpu.memory_space<hbm>>) dst(%dma_wait3A_491 : memref<80x128xf32, #tpu.memory_space<vmem>>)
        %dma_start3A_500 = arith.constant 1 : i32
        %dma_start3A_501 = arith.constant 1 : i32
        %dma_start3A_502 = arith.constant 1 : i32
        %dma_start3A_503 = arith.constant 0 : i32
        %dma_start3A_504 = arith.constant 0 : i32
        %dma_start3A_505 = tpu.memref_slice %arg15[%dma_start3A_500, %dma_start3A_503, %dma_start3A_504] : memref<4x80x128xf32, #tpu.memory_space<vmem>> -> memref<1x80x128xf32, #tpu.memory_space<vmem>>
        %dma_start3A_506 = tpu.memref_squeeze %dma_start3A_505 : memref<1x80x128xf32, #tpu.memory_space<vmem>> -> memref<80x128xf32, #tpu.memory_space<vmem>>
        %dma_start3A_507 = arith.constant 0 : i32
        %dma_start3A_508 = tpu.memref_slice %arg14[%dma_start3A_501, %dma_start3A_507] : memref<4x80xi32, #tpu.memory_space<vmem>> -> memref<1x80xi32, #tpu.memory_space<vmem>>
        %dma_start3A_509 = tpu.memref_squeeze %dma_start3A_508 : memref<1x80xi32, #tpu.memory_space<vmem>> -> memref<80xi32, #tpu.memory_space<vmem>>
        %dma_start3A_510 = arith.constant 0 : i32
        %dma_start3A_511 = arith.constant 0 : i32
        %dma_start3A_512 = tpu.memref_slice %arg11[%dma_start3A_510, %dma_start3A_511] : memref<10000x128xf32, #tpu.memory_space<vmem_shared>> -> memref<10000x128xf32, #tpu.memory_space<vmem_shared>>
        %dma_start3A_513 = tpu.memref_slice %arg19[%dma_start3A_502] : memref<4x!tpu.dma_semaphore, #tpu.memory_space<semaphore_mem>> -> memref<1x!tpu.dma_semaphore, #tpu.memory_space<semaphore_mem>>
        %dma_start3A_514 = tpu.memref_squeeze %dma_start3A_513 : memref<1x!tpu.dma_semaphore, #tpu.memory_space<semaphore_mem>> -> memref<!tpu.dma_semaphore, #tpu.memory_space<semaphore_mem>>
        tpu.enqueue_indirect_dma source(%dma_start3A_506 : memref<80x128xf32, #tpu.memory_space<vmem>>) target(%dma_start3A_512 : memref<10000x128xf32, #tpu.memory_space<vmem_shared>>) offsets(%dma_start3A_509 : memref<80xi32, #tpu.memory_space<vmem>>) semaphore(%dma_start3A_514 : memref<!tpu.dma_semaphore, #tpu.memory_space<semaphore_mem>>) {add = true}
        %dma_wait3A_515 = arith.constant 0 : i32
        %dma_wait3A_516 = arith.constant 0 : i32
        %dma_wait3A_517 = arith.constant 0 : i32
        %dma_wait3A_518 = arith.constant 0 : i32
        %dma_wait3A_519 = arith.constant 0 : i32
        %dma_wait3A_520 = tpu.memref_slice %arg15[%dma_wait3A_515, %dma_wait3A_518, %dma_wait3A_519] : memref<4x80x128xf32, #tpu.memory_space<vmem>> -> memref<1x80x128xf32, #tpu.memory_space<vmem>>
        %dma_wait3A_521 = tpu.memref_squeeze %dma_wait3A_520 : memref<1x80x128xf32, #tpu.memory_space<vmem>> -> memref<80x128xf32, #tpu.memory_space<vmem>>
        %dma_wait3A_522 = arith.constant 0 : i32
        %dma_wait3A_523 = tpu.memref_slice %arg14[%dma_wait3A_516, %dma_wait3A_522] : memref<4x80xi32, #tpu.memory_space<vmem>> -> memref<1x80xi32, #tpu.memory_space<vmem>>
        %dma_wait3A_524 = tpu.memref_squeeze %dma_wait3A_523 : memref<1x80xi32, #tpu.memory_space<vmem>> -> memref<80xi32, #tpu.memory_space<vmem>>
        %dma_wait3A_525 = arith.constant 0 : i32
        %dma_wait3A_526 = arith.constant 0 : i32
        %dma_wait3A_527 = tpu.memref_slice %arg11[%dma_wait3A_525, %dma_wait3A_526] : memref<10000x128xf32, #tpu.memory_space<vmem_shared>> -> memref<10000x128xf32, #tpu.memory_space<vmem_shared>>
        %dma_wait3A_528 = tpu.memref_slice %arg19[%dma_wait3A_517] : memref<4x!tpu.dma_semaphore, #tpu.memory_space<semaphore_mem>> -> memref<1x!tpu.dma_semaphore, #tpu.memory_space<semaphore_mem>>
        %dma_wait3A_529 = tpu.memref_squeeze %dma_wait3A_528 : memref<1x!tpu.dma_semaphore, #tpu.memory_space<semaphore_mem>> -> memref<!tpu.dma_semaphore, #tpu.memory_space<semaphore_mem>>
        tpu.wait_indirect_dma semaphore(%dma_wait3A_529 : memref<!tpu.dma_semaphore, #tpu.memory_space<semaphore_mem>>) src(%dma_wait3A_521 : memref<80x128xf32, #tpu.memory_space<vmem>>) dst(%dma_wait3A_527 : memref<10000x128xf32, #tpu.memory_space<vmem_shared>>)
        %dma_wait3A_530 = arith.constant 1 : i32
        %dma_wait3A_531 = arith.constant 1 : i32
        %dma_wait3A_532 = arith.constant 1 : i32
        %dma_wait3A_533 = arith.constant 0 : i32
        %dma_wait3A_534 = arith.constant 0 : i32
        %dma_wait3A_535 = tpu.memref_slice %arg15[%dma_wait3A_530, %dma_wait3A_533, %dma_wait3A_534] : memref<4x80x128xf32, #tpu.memory_space<vmem>> -> memref<1x80x128xf32, #tpu.memory_space<vmem>>
        %dma_wait3A_536 = tpu.memref_squeeze %dma_wait3A_535 : memref<1x80x128xf32, #tpu.memory_space<vmem>> -> memref<80x128xf32, #tpu.memory_space<vmem>>
        %dma_wait3A_537 = arith.constant 0 : i32
        %dma_wait3A_538 = tpu.memref_slice %arg14[%dma_wait3A_531, %dma_wait3A_537] : memref<4x80xi32, #tpu.memory_space<vmem>> -> memref<1x80xi32, #tpu.memory_space<vmem>>
        %dma_wait3A_539 = tpu.memref_squeeze %dma_wait3A_538 : memref<1x80xi32, #tpu.memory_space<vmem>> -> memref<80xi32, #tpu.memory_space<vmem>>
        %dma_wait3A_540 = arith.constant 0 : i32
        %dma_wait3A_541 = arith.constant 0 : i32
        %dma_wait3A_542 = tpu.memref_slice %arg11[%dma_wait3A_540, %dma_wait3A_541] : memref<10000x128xf32, #tpu.memory_space<vmem_shared>> -> memref<10000x128xf32, #tpu.memory_space<vmem_shared>>
        %dma_wait3A_543 = tpu.memref_slice %arg19[%dma_wait3A_532] : memref<4x!tpu.dma_semaphore, #tpu.memory_space<semaphore_mem>> -> memref<1x!tpu.dma_semaphore, #tpu.memory_space<semaphore_mem>>
        %dma_wait3A_544 = tpu.memref_squeeze %dma_wait3A_543 : memref<1x!tpu.dma_semaphore, #tpu.memory_space<semaphore_mem>> -> memref<!tpu.dma_semaphore, #tpu.memory_space<semaphore_mem>>
        tpu.wait_indirect_dma semaphore(%dma_wait3A_544 : memref<!tpu.dma_semaphore, #tpu.memory_space<semaphore_mem>>) src(%dma_wait3A_536 : memref<80x128xf32, #tpu.memory_space<vmem>>) dst(%dma_wait3A_542 : memref<10000x128xf32, #tpu.memory_space<vmem_shared>>)
        %add3A_545 = arith.constant 1 : i32
        %add3A_546 = arith.addi %scan3A_218, %add3A_545 : i32
        %lt3A_547 = arith.constant 62 : i32
        %lt3A_548 = arith.cmpi slt, %add3A_546, %lt3A_547 : i32
        %convert_element_type3A_549 = arith.extui %lt3A_548 : i1 to i32
        %cond3A_550 = arith.constant 0 : i32
        %cond3A_551 = arith.cmpi ne, %convert_element_type3A_549, %cond3A_550 : i32
        scf.if %cond3A_551 {
          %add3A_612 = arith.constant 320 : i32
          %add3A_613 = arith.addi %mul3A_220, %add3A_612 : i32
          %add3A_614 = arith.addi %mul3A_30, %add3A_613 : i32
          %add3A_615 = arith.constant 0 : i32
          %add3A_616 = arith.addi %add3A_614, %add3A_615 : i32
          %multiple_of3A_617 = tpu.assume_multiple %add3A_616, 8 : i32
          %dma_start3A_618 = arith.constant 0 : i32
          %dma_start3A_619 = arith.constant 0 : i32
          %dma_start3A_620 = arith.constant 0 : i32
          %dma_start3A_621 = tpu.memref_slice %arg13[%dma_start3A_618, %dma_start3A_620] : memref<4x80xi32, #tpu.memory_space<vmem>> -> memref<1x80xi32, #tpu.memory_space<vmem>>
          %dma_start3A_622 = tpu.memref_squeeze %dma_start3A_621 : memref<1x80xi32, #tpu.memory_space<vmem>> -> memref<80xi32, #tpu.memory_space<vmem>>
          %dma_start3A_623 = tpu.memref_slice %arg3[%multiple_of3A_617] : memref<320000xi32, #tpu.memory_space<hbm>> -> memref<80xi32, #tpu.memory_space<hbm>>
          %dma_start3A_624 = tpu.memref_slice %arg17[%dma_start3A_619] : memref<4x!tpu.dma_semaphore, #tpu.memory_space<semaphore_mem>> -> memref<1x!tpu.dma_semaphore, #tpu.memory_space<semaphore_mem>>
          %dma_start3A_625 = tpu.memref_squeeze %dma_start3A_624 : memref<1x!tpu.dma_semaphore, #tpu.memory_space<semaphore_mem>> -> memref<!tpu.dma_semaphore, #tpu.memory_space<semaphore_mem>>
          %dma_start3A_626 = arith.constant 0 : i32
          %dma_start3A_627 = tpu.memref_slice %arg13[%dma_start3A_618, %dma_start3A_626] : memref<4x80xi32, #tpu.memory_space<vmem>> -> memref<1x80xi32, #tpu.memory_space<vmem>>
          %dma_start3A_628 = tpu.memref_squeeze %dma_start3A_627 : memref<1x80xi32, #tpu.memory_space<vmem>> -> memref<80xi32, #tpu.memory_space<vmem>>
          %dma_start3A_629 = tpu.memref_slice %arg3[%multiple_of3A_617] : memref<320000xi32, #tpu.memory_space<hbm>> -> memref<80xi32, #tpu.memory_space<hbm>>
          tpu.enqueue_dma source(%dma_start3A_629 : memref<80xi32, #tpu.memory_space<hbm>>) target(%dma_start3A_628 : memref<80xi32, #tpu.memory_space<vmem>>) target_semaphore(%dma_start3A_625 : memref<!tpu.dma_semaphore, #tpu.memory_space<semaphore_mem>>)
          %dma_start3A_630 = arith.constant 0 : i32
          %dma_start3A_631 = arith.constant 0 : i32
          %dma_start3A_632 = arith.constant 0 : i32
          %dma_start3A_633 = tpu.memref_slice %arg14[%dma_start3A_630, %dma_start3A_632] : memref<4x80xi32, #tpu.memory_space<vmem>> -> memref<1x80xi32, #tpu.memory_space<vmem>>
          %dma_start3A_634 = tpu.memref_squeeze %dma_start3A_633 : memref<1x80xi32, #tpu.memory_space<vmem>> -> memref<80xi32, #tpu.memory_space<vmem>>
          %dma_start3A_635 = tpu.memref_slice %arg4[%multiple_of3A_617] : memref<320000xi32, #tpu.memory_space<hbm>> -> memref<80xi32, #tpu.memory_space<hbm>>
          %dma_start3A_636 = tpu.memref_slice %arg17[%dma_start3A_631] : memref<4x!tpu.dma_semaphore, #tpu.memory_space<semaphore_mem>> -> memref<1x!tpu.dma_semaphore, #tpu.memory_space<semaphore_mem>>
          %dma_start3A_637 = tpu.memref_squeeze %dma_start3A_636 : memref<1x!tpu.dma_semaphore, #tpu.memory_space<semaphore_mem>> -> memref<!tpu.dma_semaphore, #tpu.memory_space<semaphore_mem>>
          %dma_start3A_638 = arith.constant 0 : i32
          %dma_start3A_639 = tpu.memref_slice %arg14[%dma_start3A_630, %dma_start3A_638] : memref<4x80xi32, #tpu.memory_space<vmem>> -> memref<1x80xi32, #tpu.memory_space<vmem>>
          %dma_start3A_640 = tpu.memref_squeeze %dma_start3A_639 : memref<1x80xi32, #tpu.memory_space<vmem>> -> memref<80xi32, #tpu.memory_space<vmem>>
          %dma_start3A_641 = tpu.memref_slice %arg4[%multiple_of3A_617] : memref<320000xi32, #tpu.memory_space<hbm>> -> memref<80xi32, #tpu.memory_space<hbm>>
          tpu.enqueue_dma source(%dma_start3A_641 : memref<80xi32, #tpu.memory_space<hbm>>) target(%dma_start3A_640 : memref<80xi32, #tpu.memory_space<vmem>>) target_semaphore(%dma_start3A_637 : memref<!tpu.dma_semaphore, #tpu.memory_space<semaphore_mem>>)
          %add3A_642 = arith.addi %mul3A_30, %add3A_613 : i32
          %add3A_643 = arith.constant 80 : i32
          %add3A_644 = arith.addi %add3A_642, %add3A_643 : i32
          %multiple_of3A_645 = tpu.assume_multiple %add3A_644, 8 : i32
          %dma_start3A_646 = arith.constant 1 : i32
          %dma_start3A_647 = arith.constant 1 : i32
          %dma_start3A_648 = arith.constant 0 : i32
          %dma_start3A_649 = tpu.memref_slice %arg13[%dma_start3A_646, %dma_start3A_648] : memref<4x80xi32, #tpu.memory_space<vmem>> -> memref<1x80xi32, #tpu.memory_space<vmem>>
          %dma_start3A_650 = tpu.memref_squeeze %dma_start3A_649 : memref<1x80xi32, #tpu.memory_space<vmem>> -> memref<80xi32, #tpu.memory_space<vmem>>
          %dma_start3A_651 = tpu.memref_slice %arg3[%multiple_of3A_645] : memref<320000xi32, #tpu.memory_space<hbm>> -> memref<80xi32, #tpu.memory_space<hbm>>
          %dma_start3A_652 = tpu.memref_slice %arg17[%dma_start3A_647] : memref<4x!tpu.dma_semaphore, #tpu.memory_space<semaphore_mem>> -> memref<1x!tpu.dma_semaphore, #tpu.memory_space<semaphore_mem>>
          %dma_start3A_653 = tpu.memref_squeeze %dma_start3A_652 : memref<1x!tpu.dma_semaphore, #tpu.memory_space<semaphore_mem>> -> memref<!tpu.dma_semaphore, #tpu.memory_space<semaphore_mem>>
          %dma_start3A_654 = arith.constant 0 : i32
          %dma_start3A_655 = tpu.memref_slice %arg13[%dma_start3A_646, %dma_start3A_654] : memref<4x80xi32, #tpu.memory_space<vmem>> -> memref<1x80xi32, #tpu.memory_space<vmem>>
          %dma_start3A_656 = tpu.memref_squeeze %dma_start3A_655 : memref<1x80xi32, #tpu.memory_space<vmem>> -> memref<80xi32, #tpu.memory_space<vmem>>
          %dma_start3A_657 = tpu.memref_slice %arg3[%multiple_of3A_645] : memref<320000xi32, #tpu.memory_space<hbm>> -> memref<80xi32, #tpu.memory_space<hbm>>
          tpu.enqueue_dma source(%dma_start3A_657 : memref<80xi32, #tpu.memory_space<hbm>>) target(%dma_start3A_656 : memref<80xi32, #tpu.memory_space<vmem>>) target_semaphore(%dma_start3A_653 : memref<!tpu.dma_semaphore, #tpu.memory_space<semaphore_mem>>)
          %dma_start3A_658 = arith.constant 1 : i32
          %dma_start3A_659 = arith.constant 1 : i32
          %dma_start3A_660 = arith.constant 0 : i32
          %dma_start3A_661 = tpu.memref_slice %arg14[%dma_start3A_658, %dma_start3A_660] : memref<4x80xi32, #tpu.memory_space<vmem>> -> memref<1x80xi32, #tpu.memory_space<vmem>>
          %dma_start3A_662 = tpu.memref_squeeze %dma_start3A_661 : memref<1x80xi32, #tpu.memory_space<vmem>> -> memref<80xi32, #tpu.memory_space<vmem>>
          %dma_start3A_663 = tpu.memref_slice %arg4[%multiple_of3A_645] : memref<320000xi32, #tpu.memory_space<hbm>> -> memref<80xi32, #tpu.memory_space<hbm>>
          %dma_start3A_664 = tpu.memref_slice %arg17[%dma_start3A_659] : memref<4x!tpu.dma_semaphore, #tpu.memory_space<semaphore_mem>> -> memref<1x!tpu.dma_semaphore, #tpu.memory_space<semaphore_mem>>
          %dma_start3A_665 = tpu.memref_squeeze %dma_start3A_664 : memref<1x!tpu.dma_semaphore, #tpu.memory_space<semaphore_mem>> -> memref<!tpu.dma_semaphore, #tpu.memory_space<semaphore_mem>>
          %dma_start3A_666 = arith.constant 0 : i32
          %dma_start3A_667 = tpu.memref_slice %arg14[%dma_start3A_658, %dma_start3A_666] : memref<4x80xi32, #tpu.memory_space<vmem>> -> memref<1x80xi32, #tpu.memory_space<vmem>>
          %dma_start3A_668 = tpu.memref_squeeze %dma_start3A_667 : memref<1x80xi32, #tpu.memory_space<vmem>> -> memref<80xi32, #tpu.memory_space<vmem>>
          %dma_start3A_669 = tpu.memref_slice %arg4[%multiple_of3A_645] : memref<320000xi32, #tpu.memory_space<hbm>> -> memref<80xi32, #tpu.memory_space<hbm>>
          tpu.enqueue_dma source(%dma_start3A_669 : memref<80xi32, #tpu.memory_space<hbm>>) target(%dma_start3A_668 : memref<80xi32, #tpu.memory_space<vmem>>) target_semaphore(%dma_start3A_665 : memref<!tpu.dma_semaphore, #tpu.memory_space<semaphore_mem>>)
        } else {
        }
        %dma_wait3A_552 = arith.constant 2 : i32
        %dma_wait3A_553 = arith.constant 2 : i32
        %dma_wait3A_554 = arith.constant 2 : i32
        %dma_wait3A_555 = arith.constant 0 : i32
        %dma_wait3A_556 = arith.constant 0 : i32
        %dma_wait3A_557 = tpu.memref_slice %arg15[%dma_wait3A_553, %dma_wait3A_555, %dma_wait3A_556] : memref<4x80x128xf32, #tpu.memory_space<vmem>> -> memref<1x80x128xf32, #tpu.memory_space<vmem>>
        %dma_wait3A_558 = tpu.memref_squeeze %dma_wait3A_557 : memref<1x80x128xf32, #tpu.memory_space<vmem>> -> memref<80x128xf32, #tpu.memory_space<vmem>>
        %dma_wait3A_559 = arith.constant 0 : i32
        %dma_wait3A_560 = tpu.memref_slice %arg13[%dma_wait3A_552, %dma_wait3A_559] : memref<4x80xi32, #tpu.memory_space<vmem>> -> memref<1x80xi32, #tpu.memory_space<vmem>>
        %dma_wait3A_561 = tpu.memref_squeeze %dma_wait3A_560 : memref<1x80xi32, #tpu.memory_space<vmem>> -> memref<80xi32, #tpu.memory_space<vmem>>
        %dma_wait3A_562 = arith.constant 0 : i32
        %dma_wait3A_563 = arith.constant 0 : i32
        %dma_wait3A_564 = tpu.memref_slice %arg2[%dma_wait3A_562, %dma_wait3A_563] : memref<10000x128xf32, #tpu.memory_space<hbm>> -> memref<10000x128xf32, #tpu.memory_space<hbm>>
        %dma_wait3A_565 = tpu.memref_slice %arg18[%dma_wait3A_554] : memref<4x!tpu.dma_semaphore, #tpu.memory_space<semaphore_mem>> -> memref<1x!tpu.dma_semaphore, #tpu.memory_space<semaphore_mem>>
        %dma_wait3A_566 = tpu.memref_squeeze %dma_wait3A_565 : memref<1x!tpu.dma_semaphore, #tpu.memory_space<semaphore_mem>> -> memref<!tpu.dma_semaphore, #tpu.memory_space<semaphore_mem>>
        tpu.wait_indirect_dma semaphore(%dma_wait3A_566 : memref<!tpu.dma_semaphore, #tpu.memory_space<semaphore_mem>>) src(%dma_wait3A_564 : memref<10000x128xf32, #tpu.memory_space<hbm>>) dst(%dma_wait3A_558 : memref<80x128xf32, #tpu.memory_space<vmem>>)
        %dma_start3A_567 = arith.constant 2 : i32
        %dma_start3A_568 = arith.constant 2 : i32
        %dma_start3A_569 = arith.constant 2 : i32
        %dma_start3A_570 = arith.constant 0 : i32
        %dma_start3A_571 = arith.constant 0 : i32
        %dma_start3A_572 = tpu.memref_slice %arg15[%dma_start3A_567, %dma_start3A_570, %dma_start3A_571] : memref<4x80x128xf32, #tpu.memory_space<vmem>> -> memref<1x80x128xf32, #tpu.memory_space<vmem>>
        %dma_start3A_573 = tpu.memref_squeeze %dma_start3A_572 : memref<1x80x128xf32, #tpu.memory_space<vmem>> -> memref<80x128xf32, #tpu.memory_space<vmem>>
        %dma_start3A_574 = arith.constant 0 : i32
        %dma_start3A_575 = tpu.memref_slice %arg14[%dma_start3A_568, %dma_start3A_574] : memref<4x80xi32, #tpu.memory_space<vmem>> -> memref<1x80xi32, #tpu.memory_space<vmem>>
        %dma_start3A_576 = tpu.memref_squeeze %dma_start3A_575 : memref<1x80xi32, #tpu.memory_space<vmem>> -> memref<80xi32, #tpu.memory_space<vmem>>
        %dma_start3A_577 = arith.constant 0 : i32
        %dma_start3A_578 = arith.constant 0 : i32
        %dma_start3A_579 = tpu.memref_slice %arg11[%dma_start3A_577, %dma_start3A_578] : memref<10000x128xf32, #tpu.memory_space<vmem_shared>> -> memref<10000x128xf32, #tpu.memory_space<vmem_shared>>
        %dma_start3A_580 = tpu.memref_slice %arg19[%dma_start3A_569] : memref<4x!tpu.dma_semaphore, #tpu.memory_space<semaphore_mem>> -> memref<1x!tpu.dma_semaphore, #tpu.memory_space<semaphore_mem>>
        %dma_start3A_581 = tpu.memref_squeeze %dma_start3A_580 : memref<1x!tpu.dma_semaphore, #tpu.memory_space<semaphore_mem>> -> memref<!tpu.dma_semaphore, #tpu.memory_space<semaphore_mem>>
        tpu.enqueue_indirect_dma source(%dma_start3A_573 : memref<80x128xf32, #tpu.memory_space<vmem>>) target(%dma_start3A_579 : memref<10000x128xf32, #tpu.memory_space<vmem_shared>>) offsets(%dma_start3A_576 : memref<80xi32, #tpu.memory_space<vmem>>) semaphore(%dma_start3A_581 : memref<!tpu.dma_semaphore, #tpu.memory_space<semaphore_mem>>) {add = true}
        %dma_wait3A_582 = arith.constant 3 : i32
        %dma_wait3A_583 = arith.constant 3 : i32
        %dma_wait3A_584 = arith.constant 3 : i32
        %dma_wait3A_585 = arith.constant 0 : i32
        %dma_wait3A_586 = arith.constant 0 : i32
        %dma_wait3A_587 = tpu.memref_slice %arg15[%dma_wait3A_583, %dma_wait3A_585, %dma_wait3A_586] : memref<4x80x128xf32, #tpu.memory_space<vmem>> -> memref<1x80x128xf32, #tpu.memory_space<vmem>>
        %dma_wait3A_588 = tpu.memref_squeeze %dma_wait3A_587 : memref<1x80x128xf32, #tpu.memory_space<vmem>> -> memref<80x128xf32, #tpu.memory_space<vmem>>
        %dma_wait3A_589 = arith.constant 0 : i32
        %dma_wait3A_590 = tpu.memref_slice %arg13[%dma_wait3A_582, %dma_wait3A_589] : memref<4x80xi32, #tpu.memory_space<vmem>> -> memref<1x80xi32, #tpu.memory_space<vmem>>
        %dma_wait3A_591 = tpu.memref_squeeze %dma_wait3A_590 : memref<1x80xi32, #tpu.memory_space<vmem>> -> memref<80xi32, #tpu.memory_space<vmem>>
        %dma_wait3A_592 = arith.constant 0 : i32
        %dma_wait3A_593 = arith.constant 0 : i32
        %dma_wait3A_594 = tpu.memref_slice %arg2[%dma_wait3A_592, %dma_wait3A_593] : memref<10000x128xf32, #tpu.memory_space<hbm>> -> memref<10000x128xf32, #tpu.memory_space<hbm>>
        %dma_wait3A_595 = tpu.memref_slice %arg18[%dma_wait3A_584] : memref<4x!tpu.dma_semaphore, #tpu.memory_space<semaphore_mem>> -> memref<1x!tpu.dma_semaphore, #tpu.memory_space<semaphore_mem>>
        %dma_wait3A_596 = tpu.memref_squeeze %dma_wait3A_595 : memref<1x!tpu.dma_semaphore, #tpu.memory_space<semaphore_mem>> -> memref<!tpu.dma_semaphore, #tpu.memory_space<semaphore_mem>>
        tpu.wait_indirect_dma semaphore(%dma_wait3A_596 : memref<!tpu.dma_semaphore, #tpu.memory_space<semaphore_mem>>) src(%dma_wait3A_594 : memref<10000x128xf32, #tpu.memory_space<hbm>>) dst(%dma_wait3A_588 : memref<80x128xf32, #tpu.memory_space<vmem>>)
        %dma_start3A_597 = arith.constant 3 : i32
        %dma_start3A_598 = arith.constant 3 : i32
        %dma_start3A_599 = arith.constant 3 : i32
        %dma_start3A_600 = arith.constant 0 : i32
        %dma_start3A_601 = arith.constant 0 : i32
        %dma_start3A_602 = tpu.memref_slice %arg15[%dma_start3A_597, %dma_start3A_600, %dma_start3A_601] : memref<4x80x128xf32, #tpu.memory_space<vmem>> -> memref<1x80x128xf32, #tpu.memory_space<vmem>>
        %dma_start3A_603 = tpu.memref_squeeze %dma_start3A_602 : memref<1x80x128xf32, #tpu.memory_space<vmem>> -> memref<80x128xf32, #tpu.memory_space<vmem>>
        %dma_start3A_604 = arith.constant 0 : i32
        %dma_start3A_605 = tpu.memref_slice %arg14[%dma_start3A_598, %dma_start3A_604] : memref<4x80xi32, #tpu.memory_space<vmem>> -> memref<1x80xi32, #tpu.memory_space<vmem>>
        %dma_start3A_606 = tpu.memref_squeeze %dma_start3A_605 : memref<1x80xi32, #tpu.memory_space<vmem>> -> memref<80xi32, #tpu.memory_space<vmem>>
        %dma_start3A_607 = arith.constant 0 : i32
        %dma_start3A_608 = arith.constant 0 : i32
        %dma_start3A_609 = tpu.memref_slice %arg11[%dma_start3A_607, %dma_start3A_608] : memref<10000x128xf32, #tpu.memory_space<vmem_shared>> -> memref<10000x128xf32, #tpu.memory_space<vmem_shared>>
        %dma_start3A_610 = tpu.memref_slice %arg19[%dma_start3A_599] : memref<4x!tpu.dma_semaphore, #tpu.memory_space<semaphore_mem>> -> memref<1x!tpu.dma_semaphore, #tpu.memory_space<semaphore_mem>>
        %dma_start3A_611 = tpu.memref_squeeze %dma_start3A_610 : memref<1x!tpu.dma_semaphore, #tpu.memory_space<semaphore_mem>> -> memref<!tpu.dma_semaphore, #tpu.memory_space<semaphore_mem>>
        tpu.enqueue_indirect_dma source(%dma_start3A_603 : memref<80x128xf32, #tpu.memory_space<vmem>>) target(%dma_start3A_609 : memref<10000x128xf32, #tpu.memory_space<vmem_shared>>) offsets(%dma_start3A_606 : memref<80xi32, #tpu.memory_space<vmem>>) semaphore(%dma_start3A_611 : memref<!tpu.dma_semaphore, #tpu.memory_space<semaphore_mem>>) {add = true}
      }
      %scan3A_115 = arith.constant 62 : i32
      %dma_wait3A = arith.constant 2 : i32
      %dma_wait3A_116 = arith.constant 2 : i32
      %dma_wait3A_117 = arith.constant 2 : i32
      %dma_wait3A_118 = arith.constant 0 : i32
      %dma_wait3A_119 = arith.constant 0 : i32
      %dma_wait3A_120 = tpu.memref_slice %arg15[%dma_wait3A, %dma_wait3A_118, %dma_wait3A_119] : memref<4x80x128xf32, #tpu.memory_space<vmem>> -> memref<1x80x128xf32, #tpu.memory_space<vmem>>
      %dma_wait3A_121 = tpu.memref_squeeze %dma_wait3A_120 : memref<1x80x128xf32, #tpu.memory_space<vmem>> -> memref<80x128xf32, #tpu.memory_space<vmem>>
      %dma_wait3A_122 = arith.constant 0 : i32
      %dma_wait3A_123 = tpu.memref_slice %arg14[%dma_wait3A_116, %dma_wait3A_122] : memref<4x80xi32, #tpu.memory_space<vmem>> -> memref<1x80xi32, #tpu.memory_space<vmem>>
      %dma_wait3A_124 = tpu.memref_squeeze %dma_wait3A_123 : memref<1x80xi32, #tpu.memory_space<vmem>> -> memref<80xi32, #tpu.memory_space<vmem>>
      %dma_wait3A_125 = arith.constant 0 : i32
      %dma_wait3A_126 = arith.constant 0 : i32
      %dma_wait3A_127 = tpu.memref_slice %arg11[%dma_wait3A_125, %dma_wait3A_126] : memref<10000x128xf32, #tpu.memory_space<vmem_shared>> -> memref<10000x128xf32, #tpu.memory_space<vmem_shared>>
      %dma_wait3A_128 = tpu.memref_slice %arg19[%dma_wait3A_117] : memref<4x!tpu.dma_semaphore, #tpu.memory_space<semaphore_mem>> -> memref<1x!tpu.dma_semaphore, #tpu.memory_space<semaphore_mem>>
      %dma_wait3A_129 = tpu.memref_squeeze %dma_wait3A_128 : memref<1x!tpu.dma_semaphore, #tpu.memory_space<semaphore_mem>> -> memref<!tpu.dma_semaphore, #tpu.memory_space<semaphore_mem>>
      tpu.wait_indirect_dma semaphore(%dma_wait3A_129 : memref<!tpu.dma_semaphore, #tpu.memory_space<semaphore_mem>>) src(%dma_wait3A_121 : memref<80x128xf32, #tpu.memory_space<vmem>>) dst(%dma_wait3A_127 : memref<10000x128xf32, #tpu.memory_space<vmem_shared>>)
      %dma_wait3A_130 = arith.constant 3 : i32
      %dma_wait3A_131 = arith.constant 3 : i32
      %dma_wait3A_132 = arith.constant 3 : i32
      %dma_wait3A_133 = arith.constant 0 : i32
      %dma_wait3A_134 = arith.constant 0 : i32
      %dma_wait3A_135 = tpu.memref_slice %arg15[%dma_wait3A_130, %dma_wait3A_133, %dma_wait3A_134] : memref<4x80x128xf32, #tpu.memory_space<vmem>> -> memref<1x80x128xf32, #tpu.memory_space<vmem>>
      %dma_wait3A_136 = tpu.memref_squeeze %dma_wait3A_135 : memref<1x80x128xf32, #tpu.memory_space<vmem>> -> memref<80x128xf32, #tpu.memory_space<vmem>>
      %dma_wait3A_137 = arith.constant 0 : i32
      %dma_wait3A_138 = tpu.memref_slice %arg14[%dma_wait3A_131, %dma_wait3A_137] : memref<4x80xi32, #tpu.memory_space<vmem>> -> memref<1x80xi32, #tpu.memory_space<vmem>>
      %dma_wait3A_139 = tpu.memref_squeeze %dma_wait3A_138 : memref<1x80xi32, #tpu.memory_space<vmem>> -> memref<80xi32, #tpu.memory_space<vmem>>
      %dma_wait3A_140 = arith.constant 0 : i32
      %dma_wait3A_141 = arith.constant 0 : i32
      %dma_wait3A_142 = tpu.memref_slice %arg11[%dma_wait3A_140, %dma_wait3A_141] : memref<10000x128xf32, #tpu.memory_space<vmem_shared>> -> memref<10000x128xf32, #tpu.memory_space<vmem_shared>>
      %dma_wait3A_143 = tpu.memref_slice %arg19[%dma_wait3A_132] : memref<4x!tpu.dma_semaphore, #tpu.memory_space<semaphore_mem>> -> memref<1x!tpu.dma_semaphore, #tpu.memory_space<semaphore_mem>>
      %dma_wait3A_144 = tpu.memref_squeeze %dma_wait3A_143 : memref<1x!tpu.dma_semaphore, #tpu.memory_space<semaphore_mem>> -> memref<!tpu.dma_semaphore, #tpu.memory_space<semaphore_mem>>
      tpu.wait_indirect_dma semaphore(%dma_wait3A_144 : memref<!tpu.dma_semaphore, #tpu.memory_space<semaphore_mem>>) src(%dma_wait3A_136 : memref<80x128xf32, #tpu.memory_space<vmem>>) dst(%dma_wait3A_142 : memref<10000x128xf32, #tpu.memory_space<vmem_shared>>)
      %add3A_145 = arith.constant 19840 : i32
      %add3A_146 = arith.addi %mul3A_30, %add3A_145 : i32
      %multiple_of3A_147 = tpu.assume_multiple %add3A_146, 8 : i32
      %run_scoped3A = arith.constant 0 : i32
      "tpu.region"() ({
        %run_scoped3A_218 = tpu.sem_alloc : memref<!tpu.dma_semaphore, #tpu.memory_space<semaphore_mem>>
        %dma_start3A_219 = arith.constant 0 : i32
        %dma_start3A_220 = tpu.memref_slice %arg13[%run_scoped3A, %dma_start3A_219] : memref<4x80xi32, #tpu.memory_space<vmem>> -> memref<1x80xi32, #tpu.memory_space<vmem>>
        %dma_start3A_221 = tpu.memref_squeeze %dma_start3A_220 : memref<1x80xi32, #tpu.memory_space<vmem>> -> memref<80xi32, #tpu.memory_space<vmem>>
        %dma_start3A_222 = tpu.memref_slice %arg3[%multiple_of3A_147] : memref<320000xi32, #tpu.memory_space<hbm>> -> memref<80xi32, #tpu.memory_space<hbm>>
        %dma_start3A_223 = arith.constant 0 : i32
        %dma_start3A_224 = tpu.memref_slice %arg13[%run_scoped3A, %dma_start3A_223] : memref<4x80xi32, #tpu.memory_space<vmem>> -> memref<1x80xi32, #tpu.memory_space<vmem>>
        %dma_start3A_225 = tpu.memref_squeeze %dma_start3A_224 : memref<1x80xi32, #tpu.memory_space<vmem>> -> memref<80xi32, #tpu.memory_space<vmem>>
        %dma_start3A_226 = tpu.memref_slice %arg3[%multiple_of3A_147] : memref<320000xi32, #tpu.memory_space<hbm>> -> memref<80xi32, #tpu.memory_space<hbm>>
        tpu.enqueue_dma source(%dma_start3A_226 : memref<80xi32, #tpu.memory_space<hbm>>) target(%dma_start3A_225 : memref<80xi32, #tpu.memory_space<vmem>>) target_semaphore(%run_scoped3A_218 : memref<!tpu.dma_semaphore, #tpu.memory_space<semaphore_mem>>)
        %dma_wait3A_227 = arith.constant 0 : i32
        %dma_wait3A_228 = tpu.memref_slice %arg13[%run_scoped3A, %dma_wait3A_227] : memref<4x80xi32, #tpu.memory_space<vmem>> -> memref<1x80xi32, #tpu.memory_space<vmem>>
        %dma_wait3A_229 = tpu.memref_squeeze %dma_wait3A_228 : memref<1x80xi32, #tpu.memory_space<vmem>> -> memref<80xi32, #tpu.memory_space<vmem>>
        %dma_wait3A_230 = tpu.memref_slice %arg3[%multiple_of3A_147] : memref<320000xi32, #tpu.memory_space<hbm>> -> memref<80xi32, #tpu.memory_space<hbm>>
        %dma_wait3A_231 = arith.constant 0 : i32
        %dma_wait3A_232 = tpu.memref_slice %arg13[%run_scoped3A, %dma_wait3A_231] : memref<4x80xi32, #tpu.memory_space<vmem>> -> memref<1x80xi32, #tpu.memory_space<vmem>>
        %dma_wait3A_233 = tpu.memref_squeeze %dma_wait3A_232 : memref<1x80xi32, #tpu.memory_space<vmem>> -> memref<80xi32, #tpu.memory_space<vmem>>
        %dma_wait3A_234 = tpu.memref_slice %arg3[%multiple_of3A_147] : memref<320000xi32, #tpu.memory_space<hbm>> -> memref<80xi32, #tpu.memory_space<hbm>>
        tpu.wait_dma2 semaphore(%run_scoped3A_218 : memref<!tpu.dma_semaphore, #tpu.memory_space<semaphore_mem>>) src(%dma_wait3A_234 : memref<80xi32, #tpu.memory_space<hbm>>) dst(%dma_wait3A_233 : memref<80xi32, #tpu.memory_space<vmem>>)
        tpu.yield
      }) : () -> ()
      %run_scoped3A_148 = arith.constant 0 : i32
      "tpu.region"() ({
        %run_scoped3A_218 = tpu.sem_alloc : memref<!tpu.dma_semaphore, #tpu.memory_space<semaphore_mem>>
        %dma_start3A_219 = arith.constant 0 : i32
        %dma_start3A_220 = tpu.memref_slice %arg14[%run_scoped3A_148, %dma_start3A_219] : memref<4x80xi32, #tpu.memory_space<vmem>> -> memref<1x80xi32, #tpu.memory_space<vmem>>
        %dma_start3A_221 = tpu.memref_squeeze %dma_start3A_220 : memref<1x80xi32, #tpu.memory_space<vmem>> -> memref<80xi32, #tpu.memory_space<vmem>>
        %dma_start3A_222 = tpu.memref_slice %arg4[%multiple_of3A_147] : memref<320000xi32, #tpu.memory_space<hbm>> -> memref<80xi32, #tpu.memory_space<hbm>>
        %dma_start3A_223 = arith.constant 0 : i32
        %dma_start3A_224 = tpu.memref_slice %arg14[%run_scoped3A_148, %dma_start3A_223] : memref<4x80xi32, #tpu.memory_space<vmem>> -> memref<1x80xi32, #tpu.memory_space<vmem>>
        %dma_start3A_225 = tpu.memref_squeeze %dma_start3A_224 : memref<1x80xi32, #tpu.memory_space<vmem>> -> memref<80xi32, #tpu.memory_space<vmem>>
        %dma_start3A_226 = tpu.memref_slice %arg4[%multiple_of3A_147] : memref<320000xi32, #tpu.memory_space<hbm>> -> memref<80xi32, #tpu.memory_space<hbm>>
        tpu.enqueue_dma source(%dma_start3A_226 : memref<80xi32, #tpu.memory_space<hbm>>) target(%dma_start3A_225 : memref<80xi32, #tpu.memory_space<vmem>>) target_semaphore(%run_scoped3A_218 : memref<!tpu.dma_semaphore, #tpu.memory_space<semaphore_mem>>)
        %dma_wait3A_227 = arith.constant 0 : i32
        %dma_wait3A_228 = tpu.memref_slice %arg14[%run_scoped3A_148, %dma_wait3A_227] : memref<4x80xi32, #tpu.memory_space<vmem>> -> memref<1x80xi32, #tpu.memory_space<vmem>>
        %dma_wait3A_229 = tpu.memref_squeeze %dma_wait3A_228 : memref<1x80xi32, #tpu.memory_space<vmem>> -> memref<80xi32, #tpu.memory_space<vmem>>
        %dma_wait3A_230 = tpu.memref_slice %arg4[%multiple_of3A_147] : memref<320000xi32, #tpu.memory_space<hbm>> -> memref<80xi32, #tpu.memory_space<hbm>>
        %dma_wait3A_231 = arith.constant 0 : i32
        %dma_wait3A_232 = tpu.memref_slice %arg14[%run_scoped3A_148, %dma_wait3A_231] : memref<4x80xi32, #tpu.memory_space<vmem>> -> memref<1x80xi32, #tpu.memory_space<vmem>>
        %dma_wait3A_233 = tpu.memref_squeeze %dma_wait3A_232 : memref<1x80xi32, #tpu.memory_space<vmem>> -> memref<80xi32, #tpu.memory_space<vmem>>
        %dma_wait3A_234 = tpu.memref_slice %arg4[%multiple_of3A_147] : memref<320000xi32, #tpu.memory_space<hbm>> -> memref<80xi32, #tpu.memory_space<hbm>>
        tpu.wait_dma2 semaphore(%run_scoped3A_218 : memref<!tpu.dma_semaphore, #tpu.memory_space<semaphore_mem>>) src(%dma_wait3A_234 : memref<80xi32, #tpu.memory_space<hbm>>) dst(%dma_wait3A_233 : memref<80xi32, #tpu.memory_space<vmem>>)
        tpu.yield
      }) : () -> ()
      %dma_start3A_149 = arith.constant 0 : i32
      %dma_start3A_150 = arith.constant 0 : i32
      %dma_start3A_151 = arith.constant 0 : i32
      %dma_start3A_152 = arith.constant 0 : i32
      %dma_start3A_153 = arith.constant 0 : i32
      %dma_start3A_154 = tpu.memref_slice %arg15[%dma_start3A_150, %dma_start3A_152, %dma_start3A_153] : memref<4x80x128xf32, #tpu.memory_space<vmem>> -> memref<1x80x128xf32, #tpu.memory_space<vmem>>
      %dma_start3A_155 = tpu.memref_squeeze %dma_start3A_154 : memref<1x80x128xf32, #tpu.memory_space<vmem>> -> memref<80x128xf32, #tpu.memory_space<vmem>>
      %dma_start3A_156 = arith.constant 0 : i32
      %dma_start3A_157 = tpu.memref_slice %arg13[%dma_start3A_149, %dma_start3A_156] : memref<4x80xi32, #tpu.memory_space<vmem>> -> memref<1x80xi32, #tpu.memory_space<vmem>>
      %dma_start3A_158 = tpu.memref_squeeze %dma_start3A_157 : memref<1x80xi32, #tpu.memory_space<vmem>> -> memref<80xi32, #tpu.memory_space<vmem>>
      %dma_start3A_159 = arith.constant 0 : i32
      %dma_start3A_160 = arith.constant 0 : i32
      %dma_start3A_161 = tpu.memref_slice %arg2[%dma_start3A_159, %dma_start3A_160] : memref<10000x128xf32, #tpu.memory_space<hbm>> -> memref<10000x128xf32, #tpu.memory_space<hbm>>
      %dma_start3A_162 = tpu.memref_slice %arg18[%dma_start3A_151] : memref<4x!tpu.dma_semaphore, #tpu.memory_space<semaphore_mem>> -> memref<1x!tpu.dma_semaphore, #tpu.memory_space<semaphore_mem>>
      %dma_start3A_163 = tpu.memref_squeeze %dma_start3A_162 : memref<1x!tpu.dma_semaphore, #tpu.memory_space<semaphore_mem>> -> memref<!tpu.dma_semaphore, #tpu.memory_space<semaphore_mem>>
      tpu.enqueue_indirect_dma source(%dma_start3A_161 : memref<10000x128xf32, #tpu.memory_space<hbm>>) target(%dma_start3A_155 : memref<80x128xf32, #tpu.memory_space<vmem>>) offsets(%dma_start3A_158 : memref<80xi32, #tpu.memory_space<vmem>>) semaphore(%dma_start3A_163 : memref<!tpu.dma_semaphore, #tpu.memory_space<semaphore_mem>>)
      %dma_wait3A_164 = arith.constant 0 : i32
      %dma_wait3A_165 = arith.constant 0 : i32
      %dma_wait3A_166 = arith.constant 0 : i32
      %dma_wait3A_167 = arith.constant 0 : i32
      %dma_wait3A_168 = arith.constant 0 : i32
      %dma_wait3A_169 = tpu.memref_slice %arg15[%dma_wait3A_165, %dma_wait3A_167, %dma_wait3A_168] : memref<4x80x128xf32, #tpu.memory_space<vmem>> -> memref<1x80x128xf32, #tpu.memory_space<vmem>>
      %dma_wait3A_170 = tpu.memref_squeeze %dma_wait3A_169 : memref<1x80x128xf32, #tpu.memory_space<vmem>> -> memref<80x128xf32, #tpu.memory_space<vmem>>
      %dma_wait3A_171 = arith.constant 0 : i32
      %dma_wait3A_172 = tpu.memref_slice %arg13[%dma_wait3A_164, %dma_wait3A_171] : memref<4x80xi32, #tpu.memory_space<vmem>> -> memref<1x80xi32, #tpu.memory_space<vmem>>
      %dma_wait3A_173 = tpu.memref_squeeze %dma_wait3A_172 : memref<1x80xi32, #tpu.memory_space<vmem>> -> memref<80xi32, #tpu.memory_space<vmem>>
      %dma_wait3A_174 = arith.constant 0 : i32
      %dma_wait3A_175 = arith.constant 0 : i32
      %dma_wait3A_176 = tpu.memref_slice %arg2[%dma_wait3A_174, %dma_wait3A_175] : memref<10000x128xf32, #tpu.memory_space<hbm>> -> memref<10000x128xf32, #tpu.memory_space<hbm>>
      %dma_wait3A_177 = tpu.memref_slice %arg18[%dma_wait3A_166] : memref<4x!tpu.dma_semaphore, #tpu.memory_space<semaphore_mem>> -> memref<1x!tpu.dma_semaphore, #tpu.memory_space<semaphore_mem>>
      %dma_wait3A_178 = tpu.memref_squeeze %dma_wait3A_177 : memref<1x!tpu.dma_semaphore, #tpu.memory_space<semaphore_mem>> -> memref<!tpu.dma_semaphore, #tpu.memory_space<semaphore_mem>>
      tpu.wait_indirect_dma semaphore(%dma_wait3A_178 : memref<!tpu.dma_semaphore, #tpu.memory_space<semaphore_mem>>) src(%dma_wait3A_176 : memref<10000x128xf32, #tpu.memory_space<hbm>>) dst(%dma_wait3A_170 : memref<80x128xf32, #tpu.memory_space<vmem>>)
      %run_scoped3A_179 = arith.constant 0 : i32
      %run_scoped3A_180 = arith.constant 0 : i32
      "tpu.region"() ({
        %run_scoped3A_218 = tpu.sem_alloc : memref<!tpu.dma_semaphore, #tpu.memory_space<semaphore_mem>>
        %dma_start3A_219 = arith.constant 0 : i32
        %dma_start3A_220 = arith.constant 0 : i32
        %dma_start3A_221 = tpu.memref_slice %arg15[%run_scoped3A_179, %dma_start3A_219, %dma_start3A_220] : memref<4x80x128xf32, #tpu.memory_space<vmem>> -> memref<1x80x128xf32, #tpu.memory_space<vmem>>
        %dma_start3A_222 = tpu.memref_squeeze %dma_start3A_221 : memref<1x80x128xf32, #tpu.memory_space<vmem>> -> memref<80x128xf32, #tpu.memory_space<vmem>>
        %dma_start3A_223 = arith.constant 0 : i32
        %dma_start3A_224 = tpu.memref_slice %arg14[%run_scoped3A_180, %dma_start3A_223] : memref<4x80xi32, #tpu.memory_space<vmem>> -> memref<1x80xi32, #tpu.memory_space<vmem>>
        %dma_start3A_225 = tpu.memref_squeeze %dma_start3A_224 : memref<1x80xi32, #tpu.memory_space<vmem>> -> memref<80xi32, #tpu.memory_space<vmem>>
        %dma_start3A_226 = arith.constant 0 : i32
        %dma_start3A_227 = arith.constant 0 : i32
        %dma_start3A_228 = tpu.memref_slice %arg11[%dma_start3A_226, %dma_start3A_227] : memref<10000x128xf32, #tpu.memory_space<vmem_shared>> -> memref<10000x128xf32, #tpu.memory_space<vmem_shared>>
        tpu.enqueue_indirect_dma source(%dma_start3A_222 : memref<80x128xf32, #tpu.memory_space<vmem>>) target(%dma_start3A_228 : memref<10000x128xf32, #tpu.memory_space<vmem_shared>>) offsets(%dma_start3A_225 : memref<80xi32, #tpu.memory_space<vmem>>) semaphore(%run_scoped3A_218 : memref<!tpu.dma_semaphore, #tpu.memory_space<semaphore_mem>>) {add = true}
        %dma_wait3A_229 = arith.constant 0 : i32
        %dma_wait3A_230 = arith.constant 0 : i32
        %dma_wait3A_231 = tpu.memref_slice %arg15[%run_scoped3A_179, %dma_wait3A_229, %dma_wait3A_230] : memref<4x80x128xf32, #tpu.memory_space<vmem>> -> memref<1x80x128xf32, #tpu.memory_space<vmem>>
        %dma_wait3A_232 = tpu.memref_squeeze %dma_wait3A_231 : memref<1x80x128xf32, #tpu.memory_space<vmem>> -> memref<80x128xf32, #tpu.memory_space<vmem>>
        %dma_wait3A_233 = arith.constant 0 : i32
        %dma_wait3A_234 = tpu.memref_slice %arg14[%run_scoped3A_180, %dma_wait3A_233] : memref<4x80xi32, #tpu.memory_space<vmem>> -> memref<1x80xi32, #tpu.memory_space<vmem>>
        %dma_wait3A_235 = tpu.memref_squeeze %dma_wait3A_234 : memref<1x80xi32, #tpu.memory_space<vmem>> -> memref<80xi32, #tpu.memory_space<vmem>>
        %dma_wait3A_236 = arith.constant 0 : i32
        %dma_wait3A_237 = arith.constant 0 : i32
        %dma_wait3A_238 = tpu.memref_slice %arg11[%dma_wait3A_236, %dma_wait3A_237] : memref<10000x128xf32, #tpu.memory_space<vmem_shared>> -> memref<10000x128xf32, #tpu.memory_space<vmem_shared>>
        tpu.wait_indirect_dma semaphore(%run_scoped3A_218 : memref<!tpu.dma_semaphore, #tpu.memory_space<semaphore_mem>>) src(%dma_wait3A_232 : memref<80x128xf32, #tpu.memory_space<vmem>>) dst(%dma_wait3A_238 : memref<10000x128xf32, #tpu.memory_space<vmem_shared>>)
        tpu.yield
      }) : () -> ()
      %add3A_181 = arith.constant 19920 : i32
      %add3A_182 = arith.addi %mul3A_30, %add3A_181 : i32
      %multiple_of3A_183 = tpu.assume_multiple %add3A_182, 8 : i32
      %run_scoped3A_184 = arith.constant 0 : i32
      "tpu.region"() ({
        %run_scoped3A_218 = tpu.sem_alloc : memref<!tpu.dma_semaphore, #tpu.memory_space<semaphore_mem>>
        %dma_start3A_219 = arith.constant 0 : i32
        %dma_start3A_220 = tpu.memref_slice %arg13[%run_scoped3A_184, %dma_start3A_219] : memref<4x80xi32, #tpu.memory_space<vmem>> -> memref<1x80xi32, #tpu.memory_space<vmem>>
        %dma_start3A_221 = tpu.memref_squeeze %dma_start3A_220 : memref<1x80xi32, #tpu.memory_space<vmem>> -> memref<80xi32, #tpu.memory_space<vmem>>
        %dma_start3A_222 = tpu.memref_slice %arg3[%multiple_of3A_183] : memref<320000xi32, #tpu.memory_space<hbm>> -> memref<80xi32, #tpu.memory_space<hbm>>
        %dma_start3A_223 = arith.constant 0 : i32
        %dma_start3A_224 = tpu.memref_slice %arg13[%run_scoped3A_184, %dma_start3A_223] : memref<4x80xi32, #tpu.memory_space<vmem>> -> memref<1x80xi32, #tpu.memory_space<vmem>>
        %dma_start3A_225 = tpu.memref_squeeze %dma_start3A_224 : memref<1x80xi32, #tpu.memory_space<vmem>> -> memref<80xi32, #tpu.memory_space<vmem>>
        %dma_start3A_226 = tpu.memref_slice %arg3[%multiple_of3A_183] : memref<320000xi32, #tpu.memory_space<hbm>> -> memref<80xi32, #tpu.memory_space<hbm>>
        tpu.enqueue_dma source(%dma_start3A_226 : memref<80xi32, #tpu.memory_space<hbm>>) target(%dma_start3A_225 : memref<80xi32, #tpu.memory_space<vmem>>) target_semaphore(%run_scoped3A_218 : memref<!tpu.dma_semaphore, #tpu.memory_space<semaphore_mem>>)
        %dma_wait3A_227 = arith.constant 0 : i32
        %dma_wait3A_228 = tpu.memref_slice %arg13[%run_scoped3A_184, %dma_wait3A_227] : memref<4x80xi32, #tpu.memory_space<vmem>> -> memref<1x80xi32, #tpu.memory_space<vmem>>
        %dma_wait3A_229 = tpu.memref_squeeze %dma_wait3A_228 : memref<1x80xi32, #tpu.memory_space<vmem>> -> memref<80xi32, #tpu.memory_space<vmem>>
        %dma_wait3A_230 = tpu.memref_slice %arg3[%multiple_of3A_183] : memref<320000xi32, #tpu.memory_space<hbm>> -> memref<80xi32, #tpu.memory_space<hbm>>
        %dma_wait3A_231 = arith.constant 0 : i32
        %dma_wait3A_232 = tpu.memref_slice %arg13[%run_scoped3A_184, %dma_wait3A_231] : memref<4x80xi32, #tpu.memory_space<vmem>> -> memref<1x80xi32, #tpu.memory_space<vmem>>
        %dma_wait3A_233 = tpu.memref_squeeze %dma_wait3A_232 : memref<1x80xi32, #tpu.memory_space<vmem>> -> memref<80xi32, #tpu.memory_space<vmem>>
        %dma_wait3A_234 = tpu.memref_slice %arg3[%multiple_of3A_183] : memref<320000xi32, #tpu.memory_space<hbm>> -> memref<80xi32, #tpu.memory_space<hbm>>
        tpu.wait_dma2 semaphore(%run_scoped3A_218 : memref<!tpu.dma_semaphore, #tpu.memory_space<semaphore_mem>>) src(%dma_wait3A_234 : memref<80xi32, #tpu.memory_space<hbm>>) dst(%dma_wait3A_233 : memref<80xi32, #tpu.memory_space<vmem>>)
        tpu.yield
      }) : () -> ()
      %run_scoped3A_185 = arith.constant 0 : i32
      "tpu.region"() ({
        %run_scoped3A_218 = tpu.sem_alloc : memref<!tpu.dma_semaphore, #tpu.memory_space<semaphore_mem>>
        %dma_start3A_219 = arith.constant 0 : i32
        %dma_start3A_220 = tpu.memref_slice %arg14[%run_scoped3A_185, %dma_start3A_219] : memref<4x80xi32, #tpu.memory_space<vmem>> -> memref<1x80xi32, #tpu.memory_space<vmem>>
        %dma_start3A_221 = tpu.memref_squeeze %dma_start3A_220 : memref<1x80xi32, #tpu.memory_space<vmem>> -> memref<80xi32, #tpu.memory_space<vmem>>
        %dma_start3A_222 = tpu.memref_slice %arg4[%multiple_of3A_183] : memref<320000xi32, #tpu.memory_space<hbm>> -> memref<80xi32, #tpu.memory_space<hbm>>
        %dma_start3A_223 = arith.constant 0 : i32
        %dma_start3A_224 = tpu.memref_slice %arg14[%run_scoped3A_185, %dma_start3A_223] : memref<4x80xi32, #tpu.memory_space<vmem>> -> memref<1x80xi32, #tpu.memory_space<vmem>>
        %dma_start3A_225 = tpu.memref_squeeze %dma_start3A_224 : memref<1x80xi32, #tpu.memory_space<vmem>> -> memref<80xi32, #tpu.memory_space<vmem>>
        %dma_start3A_226 = tpu.memref_slice %arg4[%multiple_of3A_183] : memref<320000xi32, #tpu.memory_space<hbm>> -> memref<80xi32, #tpu.memory_space<hbm>>
        tpu.enqueue_dma source(%dma_start3A_226 : memref<80xi32, #tpu.memory_space<hbm>>) target(%dma_start3A_225 : memref<80xi32, #tpu.memory_space<vmem>>) target_semaphore(%run_scoped3A_218 : memref<!tpu.dma_semaphore, #tpu.memory_space<semaphore_mem>>)
        %dma_wait3A_227 = arith.constant 0 : i32
        %dma_wait3A_228 = tpu.memref_slice %arg14[%run_scoped3A_185, %dma_wait3A_227] : memref<4x80xi32, #tpu.memory_space<vmem>> -> memref<1x80xi32, #tpu.memory_space<vmem>>
        %dma_wait3A_229 = tpu.memref_squeeze %dma_wait3A_228 : memref<1x80xi32, #tpu.memory_space<vmem>> -> memref<80xi32, #tpu.memory_space<vmem>>
        %dma_wait3A_230 = tpu.memref_slice %arg4[%multiple_of3A_183] : memref<320000xi32, #tpu.memory_space<hbm>> -> memref<80xi32, #tpu.memory_space<hbm>>
        %dma_wait3A_231 = arith.constant 0 : i32
        %dma_wait3A_232 = tpu.memref_slice %arg14[%run_scoped3A_185, %dma_wait3A_231] : memref<4x80xi32, #tpu.memory_space<vmem>> -> memref<1x80xi32, #tpu.memory_space<vmem>>
        %dma_wait3A_233 = tpu.memref_squeeze %dma_wait3A_232 : memref<1x80xi32, #tpu.memory_space<vmem>> -> memref<80xi32, #tpu.memory_space<vmem>>
        %dma_wait3A_234 = tpu.memref_slice %arg4[%multiple_of3A_183] : memref<320000xi32, #tpu.memory_space<hbm>> -> memref<80xi32, #tpu.memory_space<hbm>>
        tpu.wait_dma2 semaphore(%run_scoped3A_218 : memref<!tpu.dma_semaphore, #tpu.memory_space<semaphore_mem>>) src(%dma_wait3A_234 : memref<80xi32, #tpu.memory_space<hbm>>) dst(%dma_wait3A_233 : memref<80xi32, #tpu.memory_space<vmem>>)
        tpu.yield
      }) : () -> ()
      %dma_start3A_186 = arith.constant 0 : i32
      %dma_start3A_187 = arith.constant 0 : i32
      %dma_start3A_188 = arith.constant 0 : i32
      %dma_start3A_189 = arith.constant 0 : i32
      %dma_start3A_190 = arith.constant 0 : i32
      %dma_start3A_191 = tpu.memref_slice %arg15[%dma_start3A_187, %dma_start3A_189, %dma_start3A_190] : memref<4x80x128xf32, #tpu.memory_space<vmem>> -> memref<1x80x128xf32, #tpu.memory_space<vmem>>
      %dma_start3A_192 = tpu.memref_squeeze %dma_start3A_191 : memref<1x80x128xf32, #tpu.memory_space<vmem>> -> memref<80x128xf32, #tpu.memory_space<vmem>>
      %dma_start3A_193 = arith.constant 0 : i32
      %dma_start3A_194 = tpu.memref_slice %arg13[%dma_start3A_186, %dma_start3A_193] : memref<4x80xi32, #tpu.memory_space<vmem>> -> memref<1x80xi32, #tpu.memory_space<vmem>>
      %dma_start3A_195 = tpu.memref_squeeze %dma_start3A_194 : memref<1x80xi32, #tpu.memory_space<vmem>> -> memref<80xi32, #tpu.memory_space<vmem>>
      %dma_start3A_196 = arith.constant 0 : i32
      %dma_start3A_197 = arith.constant 0 : i32
      %dma_start3A_198 = tpu.memref_slice %arg2[%dma_start3A_196, %dma_start3A_197] : memref<10000x128xf32, #tpu.memory_space<hbm>> -> memref<10000x128xf32, #tpu.memory_space<hbm>>
      %dma_start3A_199 = tpu.memref_slice %arg18[%dma_start3A_188] : memref<4x!tpu.dma_semaphore, #tpu.memory_space<semaphore_mem>> -> memref<1x!tpu.dma_semaphore, #tpu.memory_space<semaphore_mem>>
      %dma_start3A_200 = tpu.memref_squeeze %dma_start3A_199 : memref<1x!tpu.dma_semaphore, #tpu.memory_space<semaphore_mem>> -> memref<!tpu.dma_semaphore, #tpu.memory_space<semaphore_mem>>
      tpu.enqueue_indirect_dma source(%dma_start3A_198 : memref<10000x128xf32, #tpu.memory_space<hbm>>) target(%dma_start3A_192 : memref<80x128xf32, #tpu.memory_space<vmem>>) offsets(%dma_start3A_195 : memref<80xi32, #tpu.memory_space<vmem>>) semaphore(%dma_start3A_200 : memref<!tpu.dma_semaphore, #tpu.memory_space<semaphore_mem>>)
      %dma_wait3A_201 = arith.constant 0 : i32
      %dma_wait3A_202 = arith.constant 0 : i32
      %dma_wait3A_203 = arith.constant 0 : i32
      %dma_wait3A_204 = arith.constant 0 : i32
      %dma_wait3A_205 = arith.constant 0 : i32
      %dma_wait3A_206 = tpu.memref_slice %arg15[%dma_wait3A_202, %dma_wait3A_204, %dma_wait3A_205] : memref<4x80x128xf32, #tpu.memory_space<vmem>> -> memref<1x80x128xf32, #tpu.memory_space<vmem>>
      %dma_wait3A_207 = tpu.memref_squeeze %dma_wait3A_206 : memref<1x80x128xf32, #tpu.memory_space<vmem>> -> memref<80x128xf32, #tpu.memory_space<vmem>>
      %dma_wait3A_208 = arith.constant 0 : i32
      %dma_wait3A_209 = tpu.memref_slice %arg13[%dma_wait3A_201, %dma_wait3A_208] : memref<4x80xi32, #tpu.memory_space<vmem>> -> memref<1x80xi32, #tpu.memory_space<vmem>>
      %dma_wait3A_210 = tpu.memref_squeeze %dma_wait3A_209 : memref<1x80xi32, #tpu.memory_space<vmem>> -> memref<80xi32, #tpu.memory_space<vmem>>
      %dma_wait3A_211 = arith.constant 0 : i32
      %dma_wait3A_212 = arith.constant 0 : i32
      %dma_wait3A_213 = tpu.memref_slice %arg2[%dma_wait3A_211, %dma_wait3A_212] : memref<10000x128xf32, #tpu.memory_space<hbm>> -> memref<10000x128xf32, #tpu.memory_space<hbm>>
      %dma_wait3A_214 = tpu.memref_slice %arg18[%dma_wait3A_203] : memref<4x!tpu.dma_semaphore, #tpu.memory_space<semaphore_mem>> -> memref<1x!tpu.dma_semaphore, #tpu.memory_space<semaphore_mem>>
      %dma_wait3A_215 = tpu.memref_squeeze %dma_wait3A_214 : memref<1x!tpu.dma_semaphore, #tpu.memory_space<semaphore_mem>> -> memref<!tpu.dma_semaphore, #tpu.memory_space<semaphore_mem>>
      tpu.wait_indirect_dma semaphore(%dma_wait3A_215 : memref<!tpu.dma_semaphore, #tpu.memory_space<semaphore_mem>>) src(%dma_wait3A_213 : memref<10000x128xf32, #tpu.memory_space<hbm>>) dst(%dma_wait3A_207 : memref<80x128xf32, #tpu.memory_space<vmem>>)
      %run_scoped3A_216 = arith.constant 0 : i32
      %run_scoped3A_217 = arith.constant 0 : i32
      "tpu.region"() ({
        %run_scoped3A_218 = tpu.sem_alloc : memref<!tpu.dma_semaphore, #tpu.memory_space<semaphore_mem>>
        %dma_start3A_219 = arith.constant 0 : i32
        %dma_start3A_220 = arith.constant 0 : i32
        %dma_start3A_221 = tpu.memref_slice %arg15[%run_scoped3A_216, %dma_start3A_219, %dma_start3A_220] : memref<4x80x128xf32, #tpu.memory_space<vmem>> -> memref<1x80x128xf32, #tpu.memory_space<vmem>>
        %dma_start3A_222 = tpu.memref_squeeze %dma_start3A_221 : memref<1x80x128xf32, #tpu.memory_space<vmem>> -> memref<80x128xf32, #tpu.memory_space<vmem>>
        %dma_start3A_223 = arith.constant 0 : i32
        %dma_start3A_224 = tpu.memref_slice %arg14[%run_scoped3A_217, %dma_start3A_223] : memref<4x80xi32, #tpu.memory_space<vmem>> -> memref<1x80xi32, #tpu.memory_space<vmem>>
        %dma_start3A_225 = tpu.memref_squeeze %dma_start3A_224 : memref<1x80xi32, #tpu.memory_space<vmem>> -> memref<80xi32, #tpu.memory_space<vmem>>
        %dma_start3A_226 = arith.constant 0 : i32
        %dma_start3A_227 = arith.constant 0 : i32
        %dma_start3A_228 = tpu.memref_slice %arg11[%dma_start3A_226, %dma_start3A_227] : memref<10000x128xf32, #tpu.memory_space<vmem_shared>> -> memref<10000x128xf32, #tpu.memory_space<vmem_shared>>
        tpu.enqueue_indirect_dma source(%dma_start3A_222 : memref<80x128xf32, #tpu.memory_space<vmem>>) target(%dma_start3A_228 : memref<10000x128xf32, #tpu.memory_space<vmem_shared>>) offsets(%dma_start3A_225 : memref<80xi32, #tpu.memory_space<vmem>>) semaphore(%run_scoped3A_218 : memref<!tpu.dma_semaphore, #tpu.memory_space<semaphore_mem>>) {add = true}
        %dma_wait3A_229 = arith.constant 0 : i32
        %dma_wait3A_230 = arith.constant 0 : i32
        %dma_wait3A_231 = tpu.memref_slice %arg15[%run_scoped3A_216, %dma_wait3A_229, %dma_wait3A_230] : memref<4x80x128xf32, #tpu.memory_space<vmem>> -> memref<1x80x128xf32, #tpu.memory_space<vmem>>
        %dma_wait3A_232 = tpu.memref_squeeze %dma_wait3A_231 : memref<1x80x128xf32, #tpu.memory_space<vmem>> -> memref<80x128xf32, #tpu.memory_space<vmem>>
        %dma_wait3A_233 = arith.constant 0 : i32
        %dma_wait3A_234 = tpu.memref_slice %arg14[%run_scoped3A_217, %dma_wait3A_233] : memref<4x80xi32, #tpu.memory_space<vmem>> -> memref<1x80xi32, #tpu.memory_space<vmem>>
        %dma_wait3A_235 = tpu.memref_squeeze %dma_wait3A_234 : memref<1x80xi32, #tpu.memory_space<vmem>> -> memref<80xi32, #tpu.memory_space<vmem>>
        %dma_wait3A_236 = arith.constant 0 : i32
        %dma_wait3A_237 = arith.constant 0 : i32
        %dma_wait3A_238 = tpu.memref_slice %arg11[%dma_wait3A_236, %dma_wait3A_237] : memref<10000x128xf32, #tpu.memory_space<vmem_shared>> -> memref<10000x128xf32, #tpu.memory_space<vmem_shared>>
        tpu.wait_indirect_dma semaphore(%run_scoped3A_218 : memref<!tpu.dma_semaphore, #tpu.memory_space<semaphore_mem>>) src(%dma_wait3A_232 : memref<80x128xf32, #tpu.memory_space<vmem>>) dst(%dma_wait3A_238 : memref<10000x128xf32, #tpu.memory_space<vmem_shared>>)
        tpu.yield
      }) : () -> ()
    } else {
    }
    %eq3A_35 = arith.constant 1 : i32
    %eq3A_36 = arith.cmpi eq, %arg0, %eq3A_35 : i32
    %convert_element_type3A_37 = arith.extui %eq3A_36 : i1 to i32
    %cond3A_38 = arith.constant 0 : i32
    %cond3A_39 = arith.cmpi ne, %convert_element_type3A_37, %cond3A_38 : i32
    scf.if %cond3A_39 {
      %add3A = arith.constant 0 : i32
      %add3A_56 = arith.addi %mul3A_30, %add3A : i32
      %add3A_57 = arith.constant 0 : i32
      %add3A_58 = arith.addi %add3A_56, %add3A_57 : i32
      %multiple_of3A = tpu.assume_multiple %add3A_58, 8 : i32
      %dma_start3A = arith.constant 0 : i32
      %dma_start3A_59 = arith.constant 0 : i32
      %dma_start3A_60 = arith.constant 0 : i32
      %dma_start3A_61 = tpu.memref_slice %arg14[%dma_start3A, %dma_start3A_60] : memref<4x80xi32, #tpu.memory_space<vmem>> -> memref<1x80xi32, #tpu.memory_space<vmem>>
      %dma_start3A_62 = tpu.memref_squeeze %dma_start3A_61 : memref<1x80xi32, #tpu.memory_space<vmem>> -> memref<80xi32, #tpu.memory_space<vmem>>
      %dma_start3A_63 = tpu.memref_slice %arg4[%multiple_of3A] : memref<320000xi32, #tpu.memory_space<hbm>> -> memref<80xi32, #tpu.memory_space<hbm>>
      %dma_start3A_64 = tpu.memref_slice %arg17[%dma_start3A_59] : memref<4x!tpu.dma_semaphore, #tpu.memory_space<semaphore_mem>> -> memref<1x!tpu.dma_semaphore, #tpu.memory_space<semaphore_mem>>
      %dma_start3A_65 = tpu.memref_squeeze %dma_start3A_64 : memref<1x!tpu.dma_semaphore, #tpu.memory_space<semaphore_mem>> -> memref<!tpu.dma_semaphore, #tpu.memory_space<semaphore_mem>>
      %dma_start3A_66 = arith.constant 0 : i32
      %dma_start3A_67 = tpu.memref_slice %arg14[%dma_start3A, %dma_start3A_66] : memref<4x80xi32, #tpu.memory_space<vmem>> -> memref<1x80xi32, #tpu.memory_space<vmem>>
      %dma_start3A_68 = tpu.memref_squeeze %dma_start3A_67 : memref<1x80xi32, #tpu.memory_space<vmem>> -> memref<80xi32, #tpu.memory_space<vmem>>
      %dma_start3A_69 = tpu.memref_slice %arg4[%multiple_of3A] : memref<320000xi32, #tpu.memory_space<hbm>> -> memref<80xi32, #tpu.memory_space<hbm>>
      tpu.enqueue_dma source(%dma_start3A_69 : memref<80xi32, #tpu.memory_space<hbm>>) target(%dma_start3A_68 : memref<80xi32, #tpu.memory_space<vmem>>) target_semaphore(%dma_start3A_65 : memref<!tpu.dma_semaphore, #tpu.memory_space<semaphore_mem>>)
      %dma_start3A_70 = arith.constant 0 : i32
      %dma_start3A_71 = arith.constant 0 : i32
      %dma_start3A_72 = arith.constant 0 : i32
      %dma_start3A_73 = arith.constant 0 : i32
      %dma_start3A_74 = tpu.memref_slice %arg15[%dma_start3A_70, %dma_start3A_72, %dma_start3A_73] : memref<4x80x128xf32, #tpu.memory_space<vmem>> -> memref<1x80x128xf32, #tpu.memory_space<vmem>>
      %dma_start3A_75 = tpu.memref_squeeze %dma_start3A_74 : memref<1x80x128xf32, #tpu.memory_space<vmem>> -> memref<80x128xf32, #tpu.memory_space<vmem>>
      %dma_start3A_76 = arith.constant 0 : i32
      %dma_start3A_77 = tpu.memref_slice %arg5[%multiple_of3A, %dma_start3A_76] : memref<320000x128xf32, #tpu.memory_space<hbm>> -> memref<80x128xf32, #tpu.memory_space<hbm>>
      %dma_start3A_78 = tpu.memref_slice %arg18[%dma_start3A_71] : memref<4x!tpu.dma_semaphore, #tpu.memory_space<semaphore_mem>> -> memref<1x!tpu.dma_semaphore, #tpu.memory_space<semaphore_mem>>
      %dma_start3A_79 = tpu.memref_squeeze %dma_start3A_78 : memref<1x!tpu.dma_semaphore, #tpu.memory_space<semaphore_mem>> -> memref<!tpu.dma_semaphore, #tpu.memory_space<semaphore_mem>>
      %dma_start3A_80 = arith.constant 0 : i32
      %dma_start3A_81 = arith.constant 0 : i32
      %dma_start3A_82 = tpu.memref_slice %arg15[%dma_start3A_70, %dma_start3A_80, %dma_start3A_81] : memref<4x80x128xf32, #tpu.memory_space<vmem>> -> memref<1x80x128xf32, #tpu.memory_space<vmem>>
      %dma_start3A_83 = tpu.memref_squeeze %dma_start3A_82 : memref<1x80x128xf32, #tpu.memory_space<vmem>> -> memref<80x128xf32, #tpu.memory_space<vmem>>
      %dma_start3A_84 = arith.constant 0 : i32
      %dma_start3A_85 = tpu.memref_slice %arg5[%multiple_of3A, %dma_start3A_84] : memref<320000x128xf32, #tpu.memory_space<hbm>> -> memref<80x128xf32, #tpu.memory_space<hbm>>
      tpu.enqueue_dma source(%dma_start3A_85 : memref<80x128xf32, #tpu.memory_space<hbm>>) target(%dma_start3A_83 : memref<80x128xf32, #tpu.memory_space<vmem>>) target_semaphore(%dma_start3A_79 : memref<!tpu.dma_semaphore, #tpu.memory_space<semaphore_mem>>)
      %add3A_86 = arith.constant 0 : i32
      %add3A_87 = arith.addi %mul3A_30, %add3A_86 : i32
      %add3A_88 = arith.constant 80 : i32
      %add3A_89 = arith.addi %add3A_87, %add3A_88 : i32
      %multiple_of3A_90 = tpu.assume_multiple %add3A_89, 8 : i32
      %dma_start3A_91 = arith.constant 1 : i32
      %dma_start3A_92 = arith.constant 1 : i32
      %dma_start3A_93 = arith.constant 0 : i32
      %dma_start3A_94 = tpu.memref_slice %arg14[%dma_start3A_91, %dma_start3A_93] : memref<4x80xi32, #tpu.memory_space<vmem>> -> memref<1x80xi32, #tpu.memory_space<vmem>>
      %dma_start3A_95 = tpu.memref_squeeze %dma_start3A_94 : memref<1x80xi32, #tpu.memory_space<vmem>> -> memref<80xi32, #tpu.memory_space<vmem>>
      %dma_start3A_96 = tpu.memref_slice %arg4[%multiple_of3A_90] : memref<320000xi32, #tpu.memory_space<hbm>> -> memref<80xi32, #tpu.memory_space<hbm>>
      %dma_start3A_97 = tpu.memref_slice %arg17[%dma_start3A_92] : memref<4x!tpu.dma_semaphore, #tpu.memory_space<semaphore_mem>> -> memref<1x!tpu.dma_semaphore, #tpu.memory_space<semaphore_mem>>
      %dma_start3A_98 = tpu.memref_squeeze %dma_start3A_97 : memref<1x!tpu.dma_semaphore, #tpu.memory_space<semaphore_mem>> -> memref<!tpu.dma_semaphore, #tpu.memory_space<semaphore_mem>>
      %dma_start3A_99 = arith.constant 0 : i32
      %dma_start3A_100 = tpu.memref_slice %arg14[%dma_start3A_91, %dma_start3A_99] : memref<4x80xi32, #tpu.memory_space<vmem>> -> memref<1x80xi32, #tpu.memory_space<vmem>>
      %dma_start3A_101 = tpu.memref_squeeze %dma_start3A_100 : memref<1x80xi32, #tpu.memory_space<vmem>> -> memref<80xi32, #tpu.memory_space<vmem>>
      %dma_start3A_102 = tpu.memref_slice %arg4[%multiple_of3A_90] : memref<320000xi32, #tpu.memory_space<hbm>> -> memref<80xi32, #tpu.memory_space<hbm>>
      tpu.enqueue_dma source(%dma_start3A_102 : memref<80xi32, #tpu.memory_space<hbm>>) target(%dma_start3A_101 : memref<80xi32, #tpu.memory_space<vmem>>) target_semaphore(%dma_start3A_98 : memref<!tpu.dma_semaphore, #tpu.memory_space<semaphore_mem>>)
      %dma_start3A_103 = arith.constant 1 : i32
      %dma_start3A_104 = arith.constant 1 : i32
      %dma_start3A_105 = arith.constant 0 : i32
      %dma_start3A_106 = arith.constant 0 : i32
      %dma_start3A_107 = tpu.memref_slice %arg15[%dma_start3A_103, %dma_start3A_105, %dma_start3A_106] : memref<4x80x128xf32, #tpu.memory_space<vmem>> -> memref<1x80x128xf32, #tpu.memory_space<vmem>>
      %dma_start3A_108 = tpu.memref_squeeze %dma_start3A_107 : memref<1x80x128xf32, #tpu.memory_space<vmem>> -> memref<80x128xf32, #tpu.memory_space<vmem>>
      %dma_start3A_109 = arith.constant 0 : i32
      %dma_start3A_110 = tpu.memref_slice %arg5[%multiple_of3A_90, %dma_start3A_109] : memref<320000x128xf32, #tpu.memory_space<hbm>> -> memref<80x128xf32, #tpu.memory_space<hbm>>
      %dma_start3A_111 = tpu.memref_slice %arg18[%dma_start3A_104] : memref<4x!tpu.dma_semaphore, #tpu.memory_space<semaphore_mem>> -> memref<1x!tpu.dma_semaphore, #tpu.memory_space<semaphore_mem>>
      %dma_start3A_112 = tpu.memref_squeeze %dma_start3A_111 : memref<1x!tpu.dma_semaphore, #tpu.memory_space<semaphore_mem>> -> memref<!tpu.dma_semaphore, #tpu.memory_space<semaphore_mem>>
      %dma_start3A_113 = arith.constant 0 : i32
      %dma_start3A_114 = arith.constant 0 : i32
      %dma_start3A_115 = tpu.memref_slice %arg15[%dma_start3A_103, %dma_start3A_113, %dma_start3A_114] : memref<4x80x128xf32, #tpu.memory_space<vmem>> -> memref<1x80x128xf32, #tpu.memory_space<vmem>>
      %dma_start3A_116 = tpu.memref_squeeze %dma_start3A_115 : memref<1x80x128xf32, #tpu.memory_space<vmem>> -> memref<80x128xf32, #tpu.memory_space<vmem>>
      %dma_start3A_117 = arith.constant 0 : i32
      %dma_start3A_118 = tpu.memref_slice %arg5[%multiple_of3A_90, %dma_start3A_117] : memref<320000x128xf32, #tpu.memory_space<hbm>> -> memref<80x128xf32, #tpu.memory_space<hbm>>
      tpu.enqueue_dma source(%dma_start3A_118 : memref<80x128xf32, #tpu.memory_space<hbm>>) target(%dma_start3A_116 : memref<80x128xf32, #tpu.memory_space<vmem>>) target_semaphore(%dma_start3A_112 : memref<!tpu.dma_semaphore, #tpu.memory_space<semaphore_mem>>)
      %scan3A = arith.constant 0 : i32
      %scan3A_119 = arith.constant 0 : i32
      %scan3A_120 = arith.constant 62 : i32
      %scan3A_121 = arith.addi %scan3A_119, %scan3A_120 : i32
      %scan3A_122 = arith.constant 1 : i32
      scf.for %scan3A_186 = %scan3A_119 to %scan3A_121 step %scan3A_122  : i32 {
        %mul3A_187 = arith.constant 320 : i32
        %mul3A_188 = arith.muli %scan3A_186, %mul3A_187 : i32
        %gt3A = arith.constant 0 : i32
        %gt3A_189 = arith.cmpi sgt, %scan3A_186, %gt3A : i32
        %convert_element_type3A_190 = arith.extui %gt3A_189 : i1 to i32
        %cond3A_191 = arith.constant 0 : i32
        %cond3A_192 = arith.cmpi ne, %convert_element_type3A_190, %cond3A_191 : i32
        scf.if %cond3A_192 {
          %dma_wait3A_538 = arith.constant 2 : i32
          %dma_wait3A_539 = arith.constant 2 : i32
          %dma_wait3A_540 = arith.constant 2 : i32
          %dma_wait3A_541 = arith.constant 0 : i32
          %dma_wait3A_542 = arith.constant 0 : i32
          %dma_wait3A_543 = tpu.memref_slice %arg15[%dma_wait3A_538, %dma_wait3A_541, %dma_wait3A_542] : memref<4x80x128xf32, #tpu.memory_space<vmem>> -> memref<1x80x128xf32, #tpu.memory_space<vmem>>
          %dma_wait3A_544 = tpu.memref_squeeze %dma_wait3A_543 : memref<1x80x128xf32, #tpu.memory_space<vmem>> -> memref<80x128xf32, #tpu.memory_space<vmem>>
          %dma_wait3A_545 = arith.constant 0 : i32
          %dma_wait3A_546 = tpu.memref_slice %arg14[%dma_wait3A_539, %dma_wait3A_545] : memref<4x80xi32, #tpu.memory_space<vmem>> -> memref<1x80xi32, #tpu.memory_space<vmem>>
          %dma_wait3A_547 = tpu.memref_squeeze %dma_wait3A_546 : memref<1x80xi32, #tpu.memory_space<vmem>> -> memref<80xi32, #tpu.memory_space<vmem>>
          %dma_wait3A_548 = arith.constant 0 : i32
          %dma_wait3A_549 = arith.constant 0 : i32
          %dma_wait3A_550 = tpu.memref_slice %arg11[%dma_wait3A_548, %dma_wait3A_549] : memref<10000x128xf32, #tpu.memory_space<vmem_shared>> -> memref<10000x128xf32, #tpu.memory_space<vmem_shared>>
          %dma_wait3A_551 = tpu.memref_slice %arg19[%dma_wait3A_540] : memref<4x!tpu.dma_semaphore, #tpu.memory_space<semaphore_mem>> -> memref<1x!tpu.dma_semaphore, #tpu.memory_space<semaphore_mem>>
          %dma_wait3A_552 = tpu.memref_squeeze %dma_wait3A_551 : memref<1x!tpu.dma_semaphore, #tpu.memory_space<semaphore_mem>> -> memref<!tpu.dma_semaphore, #tpu.memory_space<semaphore_mem>>
          tpu.wait_indirect_dma semaphore(%dma_wait3A_552 : memref<!tpu.dma_semaphore, #tpu.memory_space<semaphore_mem>>) src(%dma_wait3A_544 : memref<80x128xf32, #tpu.memory_space<vmem>>) dst(%dma_wait3A_550 : memref<10000x128xf32, #tpu.memory_space<vmem_shared>>)
          %dma_wait3A_553 = arith.constant 2 : i32
          %dma_wait3A_554 = arith.constant 2 : i32
          %dma_wait3A_555 = arith.constant 0 : i32
          %dma_wait3A_556 = tpu.memref_slice %arg14[%dma_wait3A_553, %dma_wait3A_555] : memref<4x80xi32, #tpu.memory_space<vmem>> -> memref<1x80xi32, #tpu.memory_space<vmem>>
          %dma_wait3A_557 = tpu.memref_squeeze %dma_wait3A_556 : memref<1x80xi32, #tpu.memory_space<vmem>> -> memref<80xi32, #tpu.memory_space<vmem>>
          %dma_wait3A_558 = arith.constant 0 : i32
          %dma_wait3A_559 = tpu.memref_slice %arg12[%dma_wait3A_558] : memref<10240xf32, #tpu.memory_space<vmem_shared>> -> memref<10240xf32, #tpu.memory_space<vmem_shared>>
          %dma_wait3A_560 = tpu.memref_slice %arg19[%dma_wait3A_554] : memref<4x!tpu.dma_semaphore, #tpu.memory_space<semaphore_mem>> -> memref<1x!tpu.dma_semaphore, #tpu.memory_space<semaphore_mem>>
          %dma_wait3A_561 = tpu.memref_squeeze %dma_wait3A_560 : memref<1x!tpu.dma_semaphore, #tpu.memory_space<semaphore_mem>> -> memref<!tpu.dma_semaphore, #tpu.memory_space<semaphore_mem>>
          tpu.wait_indirect_dma semaphore(%dma_wait3A_561 : memref<!tpu.dma_semaphore, #tpu.memory_space<semaphore_mem>>) src(%arg16 : memref<80xf32, #tpu.memory_space<vmem>>) dst(%dma_wait3A_559 : memref<10240xf32, #tpu.memory_space<vmem_shared>>)
          %dma_wait3A_562 = arith.constant 3 : i32
          %dma_wait3A_563 = arith.constant 3 : i32
          %dma_wait3A_564 = arith.constant 3 : i32
          %dma_wait3A_565 = arith.constant 0 : i32
          %dma_wait3A_566 = arith.constant 0 : i32
          %dma_wait3A_567 = tpu.memref_slice %arg15[%dma_wait3A_562, %dma_wait3A_565, %dma_wait3A_566] : memref<4x80x128xf32, #tpu.memory_space<vmem>> -> memref<1x80x128xf32, #tpu.memory_space<vmem>>
          %dma_wait3A_568 = tpu.memref_squeeze %dma_wait3A_567 : memref<1x80x128xf32, #tpu.memory_space<vmem>> -> memref<80x128xf32, #tpu.memory_space<vmem>>
          %dma_wait3A_569 = arith.constant 0 : i32
          %dma_wait3A_570 = tpu.memref_slice %arg14[%dma_wait3A_563, %dma_wait3A_569] : memref<4x80xi32, #tpu.memory_space<vmem>> -> memref<1x80xi32, #tpu.memory_space<vmem>>
          %dma_wait3A_571 = tpu.memref_squeeze %dma_wait3A_570 : memref<1x80xi32, #tpu.memory_space<vmem>> -> memref<80xi32, #tpu.memory_space<vmem>>
          %dma_wait3A_572 = arith.constant 0 : i32
          %dma_wait3A_573 = arith.constant 0 : i32
          %dma_wait3A_574 = tpu.memref_slice %arg11[%dma_wait3A_572, %dma_wait3A_573] : memref<10000x128xf32, #tpu.memory_space<vmem_shared>> -> memref<10000x128xf32, #tpu.memory_space<vmem_shared>>
          %dma_wait3A_575 = tpu.memref_slice %arg19[%dma_wait3A_564] : memref<4x!tpu.dma_semaphore, #tpu.memory_space<semaphore_mem>> -> memref<1x!tpu.dma_semaphore, #tpu.memory_space<semaphore_mem>>
          %dma_wait3A_576 = tpu.memref_squeeze %dma_wait3A_575 : memref<1x!tpu.dma_semaphore, #tpu.memory_space<semaphore_mem>> -> memref<!tpu.dma_semaphore, #tpu.memory_space<semaphore_mem>>
          tpu.wait_indirect_dma semaphore(%dma_wait3A_576 : memref<!tpu.dma_semaphore, #tpu.memory_space<semaphore_mem>>) src(%dma_wait3A_568 : memref<80x128xf32, #tpu.memory_space<vmem>>) dst(%dma_wait3A_574 : memref<10000x128xf32, #tpu.memory_space<vmem_shared>>)
          %dma_wait3A_577 = arith.constant 3 : i32
          %dma_wait3A_578 = arith.constant 3 : i32
          %dma_wait3A_579 = arith.constant 0 : i32
          %dma_wait3A_580 = tpu.memref_slice %arg14[%dma_wait3A_577, %dma_wait3A_579] : memref<4x80xi32, #tpu.memory_space<vmem>> -> memref<1x80xi32, #tpu.memory_space<vmem>>
          %dma_wait3A_581 = tpu.memref_squeeze %dma_wait3A_580 : memref<1x80xi32, #tpu.memory_space<vmem>> -> memref<80xi32, #tpu.memory_space<vmem>>
          %dma_wait3A_582 = arith.constant 0 : i32
          %dma_wait3A_583 = tpu.memref_slice %arg12[%dma_wait3A_582] : memref<10240xf32, #tpu.memory_space<vmem_shared>> -> memref<10240xf32, #tpu.memory_space<vmem_shared>>
          %dma_wait3A_584 = tpu.memref_slice %arg19[%dma_wait3A_578] : memref<4x!tpu.dma_semaphore, #tpu.memory_space<semaphore_mem>> -> memref<1x!tpu.dma_semaphore, #tpu.memory_space<semaphore_mem>>
          %dma_wait3A_585 = tpu.memref_squeeze %dma_wait3A_584 : memref<1x!tpu.dma_semaphore, #tpu.memory_space<semaphore_mem>> -> memref<!tpu.dma_semaphore, #tpu.memory_space<semaphore_mem>>
          tpu.wait_indirect_dma semaphore(%dma_wait3A_585 : memref<!tpu.dma_semaphore, #tpu.memory_space<semaphore_mem>>) src(%arg16 : memref<80xf32, #tpu.memory_space<vmem>>) dst(%dma_wait3A_583 : memref<10240xf32, #tpu.memory_space<vmem_shared>>)
        } else {
        }
        %add3A_193 = arith.constant 160 : i32
        %add3A_194 = arith.addi %mul3A_188, %add3A_193 : i32
        %add3A_195 = arith.addi %mul3A_30, %add3A_194 : i32
        %add3A_196 = arith.constant 0 : i32
        %add3A_197 = arith.addi %add3A_195, %add3A_196 : i32
        %multiple_of3A_198 = tpu.assume_multiple %add3A_197, 8 : i32
        %dma_start3A_199 = arith.constant 2 : i32
        %dma_start3A_200 = arith.constant 2 : i32
        %dma_start3A_201 = arith.constant 0 : i32
        %dma_start3A_202 = tpu.memref_slice %arg14[%dma_start3A_199, %dma_start3A_201] : memref<4x80xi32, #tpu.memory_space<vmem>> -> memref<1x80xi32, #tpu.memory_space<vmem>>
        %dma_start3A_203 = tpu.memref_squeeze %dma_start3A_202 : memref<1x80xi32, #tpu.memory_space<vmem>> -> memref<80xi32, #tpu.memory_space<vmem>>
        %dma_start3A_204 = tpu.memref_slice %arg4[%multiple_of3A_198] : memref<320000xi32, #tpu.memory_space<hbm>> -> memref<80xi32, #tpu.memory_space<hbm>>
        %dma_start3A_205 = tpu.memref_slice %arg17[%dma_start3A_200] : memref<4x!tpu.dma_semaphore, #tpu.memory_space<semaphore_mem>> -> memref<1x!tpu.dma_semaphore, #tpu.memory_space<semaphore_mem>>
        %dma_start3A_206 = tpu.memref_squeeze %dma_start3A_205 : memref<1x!tpu.dma_semaphore, #tpu.memory_space<semaphore_mem>> -> memref<!tpu.dma_semaphore, #tpu.memory_space<semaphore_mem>>
        %dma_start3A_207 = arith.constant 0 : i32
        %dma_start3A_208 = tpu.memref_slice %arg14[%dma_start3A_199, %dma_start3A_207] : memref<4x80xi32, #tpu.memory_space<vmem>> -> memref<1x80xi32, #tpu.memory_space<vmem>>
        %dma_start3A_209 = tpu.memref_squeeze %dma_start3A_208 : memref<1x80xi32, #tpu.memory_space<vmem>> -> memref<80xi32, #tpu.memory_space<vmem>>
        %dma_start3A_210 = tpu.memref_slice %arg4[%multiple_of3A_198] : memref<320000xi32, #tpu.memory_space<hbm>> -> memref<80xi32, #tpu.memory_space<hbm>>
        tpu.enqueue_dma source(%dma_start3A_210 : memref<80xi32, #tpu.memory_space<hbm>>) target(%dma_start3A_209 : memref<80xi32, #tpu.memory_space<vmem>>) target_semaphore(%dma_start3A_206 : memref<!tpu.dma_semaphore, #tpu.memory_space<semaphore_mem>>)
        %dma_start3A_211 = arith.constant 2 : i32
        %dma_start3A_212 = arith.constant 2 : i32
        %dma_start3A_213 = arith.constant 0 : i32
        %dma_start3A_214 = arith.constant 0 : i32
        %dma_start3A_215 = tpu.memref_slice %arg15[%dma_start3A_211, %dma_start3A_213, %dma_start3A_214] : memref<4x80x128xf32, #tpu.memory_space<vmem>> -> memref<1x80x128xf32, #tpu.memory_space<vmem>>
        %dma_start3A_216 = tpu.memref_squeeze %dma_start3A_215 : memref<1x80x128xf32, #tpu.memory_space<vmem>> -> memref<80x128xf32, #tpu.memory_space<vmem>>
        %dma_start3A_217 = arith.constant 0 : i32
        %dma_start3A_218 = tpu.memref_slice %arg5[%multiple_of3A_198, %dma_start3A_217] : memref<320000x128xf32, #tpu.memory_space<hbm>> -> memref<80x128xf32, #tpu.memory_space<hbm>>
        %dma_start3A_219 = tpu.memref_slice %arg18[%dma_start3A_212] : memref<4x!tpu.dma_semaphore, #tpu.memory_space<semaphore_mem>> -> memref<1x!tpu.dma_semaphore, #tpu.memory_space<semaphore_mem>>
        %dma_start3A_220 = tpu.memref_squeeze %dma_start3A_219 : memref<1x!tpu.dma_semaphore, #tpu.memory_space<semaphore_mem>> -> memref<!tpu.dma_semaphore, #tpu.memory_space<semaphore_mem>>
        %dma_start3A_221 = arith.constant 0 : i32
        %dma_start3A_222 = arith.constant 0 : i32
        %dma_start3A_223 = tpu.memref_slice %arg15[%dma_start3A_211, %dma_start3A_221, %dma_start3A_222] : memref<4x80x128xf32, #tpu.memory_space<vmem>> -> memref<1x80x128xf32, #tpu.memory_space<vmem>>
        %dma_start3A_224 = tpu.memref_squeeze %dma_start3A_223 : memref<1x80x128xf32, #tpu.memory_space<vmem>> -> memref<80x128xf32, #tpu.memory_space<vmem>>
        %dma_start3A_225 = arith.constant 0 : i32
        %dma_start3A_226 = tpu.memref_slice %arg5[%multiple_of3A_198, %dma_start3A_225] : memref<320000x128xf32, #tpu.memory_space<hbm>> -> memref<80x128xf32, #tpu.memory_space<hbm>>
        tpu.enqueue_dma source(%dma_start3A_226 : memref<80x128xf32, #tpu.memory_space<hbm>>) target(%dma_start3A_224 : memref<80x128xf32, #tpu.memory_space<vmem>>) target_semaphore(%dma_start3A_220 : memref<!tpu.dma_semaphore, #tpu.memory_space<semaphore_mem>>)
        %add3A_227 = arith.addi %mul3A_30, %add3A_194 : i32
        %add3A_228 = arith.constant 80 : i32
        %add3A_229 = arith.addi %add3A_227, %add3A_228 : i32
        %multiple_of3A_230 = tpu.assume_multiple %add3A_229, 8 : i32
        %dma_start3A_231 = arith.constant 3 : i32
        %dma_start3A_232 = arith.constant 3 : i32
        %dma_start3A_233 = arith.constant 0 : i32
        %dma_start3A_234 = tpu.memref_slice %arg14[%dma_start3A_231, %dma_start3A_233] : memref<4x80xi32, #tpu.memory_space<vmem>> -> memref<1x80xi32, #tpu.memory_space<vmem>>
        %dma_start3A_235 = tpu.memref_squeeze %dma_start3A_234 : memref<1x80xi32, #tpu.memory_space<vmem>> -> memref<80xi32, #tpu.memory_space<vmem>>
        %dma_start3A_236 = tpu.memref_slice %arg4[%multiple_of3A_230] : memref<320000xi32, #tpu.memory_space<hbm>> -> memref<80xi32, #tpu.memory_space<hbm>>
        %dma_start3A_237 = tpu.memref_slice %arg17[%dma_start3A_232] : memref<4x!tpu.dma_semaphore, #tpu.memory_space<semaphore_mem>> -> memref<1x!tpu.dma_semaphore, #tpu.memory_space<semaphore_mem>>
        %dma_start3A_238 = tpu.memref_squeeze %dma_start3A_237 : memref<1x!tpu.dma_semaphore, #tpu.memory_space<semaphore_mem>> -> memref<!tpu.dma_semaphore, #tpu.memory_space<semaphore_mem>>
        %dma_start3A_239 = arith.constant 0 : i32
        %dma_start3A_240 = tpu.memref_slice %arg14[%dma_start3A_231, %dma_start3A_239] : memref<4x80xi32, #tpu.memory_space<vmem>> -> memref<1x80xi32, #tpu.memory_space<vmem>>
        %dma_start3A_241 = tpu.memref_squeeze %dma_start3A_240 : memref<1x80xi32, #tpu.memory_space<vmem>> -> memref<80xi32, #tpu.memory_space<vmem>>
        %dma_start3A_242 = tpu.memref_slice %arg4[%multiple_of3A_230] : memref<320000xi32, #tpu.memory_space<hbm>> -> memref<80xi32, #tpu.memory_space<hbm>>
        tpu.enqueue_dma source(%dma_start3A_242 : memref<80xi32, #tpu.memory_space<hbm>>) target(%dma_start3A_241 : memref<80xi32, #tpu.memory_space<vmem>>) target_semaphore(%dma_start3A_238 : memref<!tpu.dma_semaphore, #tpu.memory_space<semaphore_mem>>)
        %dma_start3A_243 = arith.constant 3 : i32
        %dma_start3A_244 = arith.constant 3 : i32
        %dma_start3A_245 = arith.constant 0 : i32
        %dma_start3A_246 = arith.constant 0 : i32
        %dma_start3A_247 = tpu.memref_slice %arg15[%dma_start3A_243, %dma_start3A_245, %dma_start3A_246] : memref<4x80x128xf32, #tpu.memory_space<vmem>> -> memref<1x80x128xf32, #tpu.memory_space<vmem>>
        %dma_start3A_248 = tpu.memref_squeeze %dma_start3A_247 : memref<1x80x128xf32, #tpu.memory_space<vmem>> -> memref<80x128xf32, #tpu.memory_space<vmem>>
        %dma_start3A_249 = arith.constant 0 : i32
        %dma_start3A_250 = tpu.memref_slice %arg5[%multiple_of3A_230, %dma_start3A_249] : memref<320000x128xf32, #tpu.memory_space<hbm>> -> memref<80x128xf32, #tpu.memory_space<hbm>>
        %dma_start3A_251 = tpu.memref_slice %arg18[%dma_start3A_244] : memref<4x!tpu.dma_semaphore, #tpu.memory_space<semaphore_mem>> -> memref<1x!tpu.dma_semaphore, #tpu.memory_space<semaphore_mem>>
        %dma_start3A_252 = tpu.memref_squeeze %dma_start3A_251 : memref<1x!tpu.dma_semaphore, #tpu.memory_space<semaphore_mem>> -> memref<!tpu.dma_semaphore, #tpu.memory_space<semaphore_mem>>
        %dma_start3A_253 = arith.constant 0 : i32
        %dma_start3A_254 = arith.constant 0 : i32
        %dma_start3A_255 = tpu.memref_slice %arg15[%dma_start3A_243, %dma_start3A_253, %dma_start3A_254] : memref<4x80x128xf32, #tpu.memory_space<vmem>> -> memref<1x80x128xf32, #tpu.memory_space<vmem>>
        %dma_start3A_256 = tpu.memref_squeeze %dma_start3A_255 : memref<1x80x128xf32, #tpu.memory_space<vmem>> -> memref<80x128xf32, #tpu.memory_space<vmem>>
        %dma_start3A_257 = arith.constant 0 : i32
        %dma_start3A_258 = tpu.memref_slice %arg5[%multiple_of3A_230, %dma_start3A_257] : memref<320000x128xf32, #tpu.memory_space<hbm>> -> memref<80x128xf32, #tpu.memory_space<hbm>>
        tpu.enqueue_dma source(%dma_start3A_258 : memref<80x128xf32, #tpu.memory_space<hbm>>) target(%dma_start3A_256 : memref<80x128xf32, #tpu.memory_space<vmem>>) target_semaphore(%dma_start3A_252 : memref<!tpu.dma_semaphore, #tpu.memory_space<semaphore_mem>>)
        %dma_wait3A_259 = arith.constant 0 : i32
        %dma_wait3A_260 = arith.constant 0 : i32
        %dma_wait3A_261 = arith.constant 0 : i32
        %dma_wait3A_262 = tpu.memref_slice %arg14[%dma_wait3A_259, %dma_wait3A_261] : memref<4x80xi32, #tpu.memory_space<vmem>> -> memref<1x80xi32, #tpu.memory_space<vmem>>
        %dma_wait3A_263 = tpu.memref_squeeze %dma_wait3A_262 : memref<1x80xi32, #tpu.memory_space<vmem>> -> memref<80xi32, #tpu.memory_space<vmem>>
        %dma_wait3A_264 = arith.constant 0 : i32
        %dma_wait3A_265 = tpu.memref_slice %arg4[%dma_wait3A_264] : memref<320000xi32, #tpu.memory_space<hbm>> -> memref<80xi32, #tpu.memory_space<hbm>>
        %dma_wait3A_266 = tpu.memref_slice %arg17[%dma_wait3A_260] : memref<4x!tpu.dma_semaphore, #tpu.memory_space<semaphore_mem>> -> memref<1x!tpu.dma_semaphore, #tpu.memory_space<semaphore_mem>>
        %dma_wait3A_267 = tpu.memref_squeeze %dma_wait3A_266 : memref<1x!tpu.dma_semaphore, #tpu.memory_space<semaphore_mem>> -> memref<!tpu.dma_semaphore, #tpu.memory_space<semaphore_mem>>
        %dma_wait3A_268 = arith.constant 0 : i32
        %dma_wait3A_269 = tpu.memref_slice %arg14[%dma_wait3A_259, %dma_wait3A_268] : memref<4x80xi32, #tpu.memory_space<vmem>> -> memref<1x80xi32, #tpu.memory_space<vmem>>
        %dma_wait3A_270 = tpu.memref_squeeze %dma_wait3A_269 : memref<1x80xi32, #tpu.memory_space<vmem>> -> memref<80xi32, #tpu.memory_space<vmem>>
        %dma_wait3A_271 = arith.constant 0 : i32
        %dma_wait3A_272 = tpu.memref_slice %arg4[%dma_wait3A_271] : memref<320000xi32, #tpu.memory_space<hbm>> -> memref<80xi32, #tpu.memory_space<hbm>>
        tpu.wait_dma2 semaphore(%dma_wait3A_267 : memref<!tpu.dma_semaphore, #tpu.memory_space<semaphore_mem>>) src(%dma_wait3A_272 : memref<80xi32, #tpu.memory_space<hbm>>) dst(%dma_wait3A_270 : memref<80xi32, #tpu.memory_space<vmem>>)
        %dma_wait3A_273 = arith.constant 0 : i32
        %dma_wait3A_274 = arith.constant 0 : i32
        %dma_wait3A_275 = arith.constant 0 : i32
        %dma_wait3A_276 = arith.constant 0 : i32
        %dma_wait3A_277 = tpu.memref_slice %arg15[%dma_wait3A_273, %dma_wait3A_275, %dma_wait3A_276] : memref<4x80x128xf32, #tpu.memory_space<vmem>> -> memref<1x80x128xf32, #tpu.memory_space<vmem>>
        %dma_wait3A_278 = tpu.memref_squeeze %dma_wait3A_277 : memref<1x80x128xf32, #tpu.memory_space<vmem>> -> memref<80x128xf32, #tpu.memory_space<vmem>>
        %dma_wait3A_279 = arith.constant 0 : i32
        %dma_wait3A_280 = arith.constant 0 : i32
        %dma_wait3A_281 = tpu.memref_slice %arg5[%dma_wait3A_279, %dma_wait3A_280] : memref<320000x128xf32, #tpu.memory_space<hbm>> -> memref<80x128xf32, #tpu.memory_space<hbm>>
        %dma_wait3A_282 = tpu.memref_slice %arg18[%dma_wait3A_274] : memref<4x!tpu.dma_semaphore, #tpu.memory_space<semaphore_mem>> -> memref<1x!tpu.dma_semaphore, #tpu.memory_space<semaphore_mem>>
        %dma_wait3A_283 = tpu.memref_squeeze %dma_wait3A_282 : memref<1x!tpu.dma_semaphore, #tpu.memory_space<semaphore_mem>> -> memref<!tpu.dma_semaphore, #tpu.memory_space<semaphore_mem>>
        %dma_wait3A_284 = arith.constant 0 : i32
        %dma_wait3A_285 = arith.constant 0 : i32
        %dma_wait3A_286 = tpu.memref_slice %arg15[%dma_wait3A_273, %dma_wait3A_284, %dma_wait3A_285] : memref<4x80x128xf32, #tpu.memory_space<vmem>> -> memref<1x80x128xf32, #tpu.memory_space<vmem>>
        %dma_wait3A_287 = tpu.memref_squeeze %dma_wait3A_286 : memref<1x80x128xf32, #tpu.memory_space<vmem>> -> memref<80x128xf32, #tpu.memory_space<vmem>>
        %dma_wait3A_288 = arith.constant 0 : i32
        %dma_wait3A_289 = arith.constant 0 : i32
        %dma_wait3A_290 = tpu.memref_slice %arg5[%dma_wait3A_288, %dma_wait3A_289] : memref<320000x128xf32, #tpu.memory_space<hbm>> -> memref<80x128xf32, #tpu.memory_space<hbm>>
        tpu.wait_dma2 semaphore(%dma_wait3A_283 : memref<!tpu.dma_semaphore, #tpu.memory_space<semaphore_mem>>) src(%dma_wait3A_290 : memref<80x128xf32, #tpu.memory_space<hbm>>) dst(%dma_wait3A_287 : memref<80x128xf32, #tpu.memory_space<vmem>>)
        %dma_start3A_291 = arith.constant 0 : i32
        %dma_start3A_292 = arith.constant 0 : i32
        %dma_start3A_293 = arith.constant 0 : i32
        %dma_start3A_294 = arith.constant 0 : i32
        %dma_start3A_295 = arith.constant 0 : i32
        %dma_start3A_296 = tpu.memref_slice %arg15[%dma_start3A_291, %dma_start3A_294, %dma_start3A_295] : memref<4x80x128xf32, #tpu.memory_space<vmem>> -> memref<1x80x128xf32, #tpu.memory_space<vmem>>
        %dma_start3A_297 = tpu.memref_squeeze %dma_start3A_296 : memref<1x80x128xf32, #tpu.memory_space<vmem>> -> memref<80x128xf32, #tpu.memory_space<vmem>>
        %dma_start3A_298 = arith.constant 0 : i32
        %dma_start3A_299 = tpu.memref_slice %arg14[%dma_start3A_292, %dma_start3A_298] : memref<4x80xi32, #tpu.memory_space<vmem>> -> memref<1x80xi32, #tpu.memory_space<vmem>>
        %dma_start3A_300 = tpu.memref_squeeze %dma_start3A_299 : memref<1x80xi32, #tpu.memory_space<vmem>> -> memref<80xi32, #tpu.memory_space<vmem>>
        %dma_start3A_301 = arith.constant 0 : i32
        %dma_start3A_302 = arith.constant 0 : i32
        %dma_start3A_303 = tpu.memref_slice %arg11[%dma_start3A_301, %dma_start3A_302] : memref<10000x128xf32, #tpu.memory_space<vmem_shared>> -> memref<10000x128xf32, #tpu.memory_space<vmem_shared>>
        %dma_start3A_304 = tpu.memref_slice %arg19[%dma_start3A_293] : memref<4x!tpu.dma_semaphore, #tpu.memory_space<semaphore_mem>> -> memref<1x!tpu.dma_semaphore, #tpu.memory_space<semaphore_mem>>
        %dma_start3A_305 = tpu.memref_squeeze %dma_start3A_304 : memref<1x!tpu.dma_semaphore, #tpu.memory_space<semaphore_mem>> -> memref<!tpu.dma_semaphore, #tpu.memory_space<semaphore_mem>>
        tpu.enqueue_indirect_dma source(%dma_start3A_297 : memref<80x128xf32, #tpu.memory_space<vmem>>) target(%dma_start3A_303 : memref<10000x128xf32, #tpu.memory_space<vmem_shared>>) offsets(%dma_start3A_300 : memref<80xi32, #tpu.memory_space<vmem>>) semaphore(%dma_start3A_305 : memref<!tpu.dma_semaphore, #tpu.memory_space<semaphore_mem>>) {add = true}
        %dma_start3A_306 = arith.constant 0 : i32
        %dma_start3A_307 = arith.constant 0 : i32
        %dma_start3A_308 = arith.constant 0 : i32
        %dma_start3A_309 = tpu.memref_slice %arg14[%dma_start3A_306, %dma_start3A_308] : memref<4x80xi32, #tpu.memory_space<vmem>> -> memref<1x80xi32, #tpu.memory_space<vmem>>
        %dma_start3A_310 = tpu.memref_squeeze %dma_start3A_309 : memref<1x80xi32, #tpu.memory_space<vmem>> -> memref<80xi32, #tpu.memory_space<vmem>>
        %dma_start3A_311 = arith.constant 0 : i32
        %dma_start3A_312 = tpu.memref_slice %arg12[%dma_start3A_311] : memref<10240xf32, #tpu.memory_space<vmem_shared>> -> memref<10240xf32, #tpu.memory_space<vmem_shared>>
        %dma_start3A_313 = tpu.memref_slice %arg19[%dma_start3A_307] : memref<4x!tpu.dma_semaphore, #tpu.memory_space<semaphore_mem>> -> memref<1x!tpu.dma_semaphore, #tpu.memory_space<semaphore_mem>>
        %dma_start3A_314 = tpu.memref_squeeze %dma_start3A_313 : memref<1x!tpu.dma_semaphore, #tpu.memory_space<semaphore_mem>> -> memref<!tpu.dma_semaphore, #tpu.memory_space<semaphore_mem>>
        tpu.enqueue_indirect_dma source(%arg16 : memref<80xf32, #tpu.memory_space<vmem>>) target(%dma_start3A_312 : memref<10240xf32, #tpu.memory_space<vmem_shared>>) offsets(%dma_start3A_310 : memref<80xi32, #tpu.memory_space<vmem>>) semaphore(%dma_start3A_314 : memref<!tpu.dma_semaphore, #tpu.memory_space<semaphore_mem>>) {add = true}
        %dma_wait3A_315 = arith.constant 1 : i32
        %dma_wait3A_316 = arith.constant 1 : i32
        %dma_wait3A_317 = arith.constant 0 : i32
        %dma_wait3A_318 = tpu.memref_slice %arg14[%dma_wait3A_315, %dma_wait3A_317] : memref<4x80xi32, #tpu.memory_space<vmem>> -> memref<1x80xi32, #tpu.memory_space<vmem>>
        %dma_wait3A_319 = tpu.memref_squeeze %dma_wait3A_318 : memref<1x80xi32, #tpu.memory_space<vmem>> -> memref<80xi32, #tpu.memory_space<vmem>>
        %dma_wait3A_320 = arith.constant 0 : i32
        %dma_wait3A_321 = tpu.memref_slice %arg4[%dma_wait3A_320] : memref<320000xi32, #tpu.memory_space<hbm>> -> memref<80xi32, #tpu.memory_space<hbm>>
        %dma_wait3A_322 = tpu.memref_slice %arg17[%dma_wait3A_316] : memref<4x!tpu.dma_semaphore, #tpu.memory_space<semaphore_mem>> -> memref<1x!tpu.dma_semaphore, #tpu.memory_space<semaphore_mem>>
        %dma_wait3A_323 = tpu.memref_squeeze %dma_wait3A_322 : memref<1x!tpu.dma_semaphore, #tpu.memory_space<semaphore_mem>> -> memref<!tpu.dma_semaphore, #tpu.memory_space<semaphore_mem>>
        %dma_wait3A_324 = arith.constant 0 : i32
        %dma_wait3A_325 = tpu.memref_slice %arg14[%dma_wait3A_315, %dma_wait3A_324] : memref<4x80xi32, #tpu.memory_space<vmem>> -> memref<1x80xi32, #tpu.memory_space<vmem>>
        %dma_wait3A_326 = tpu.memref_squeeze %dma_wait3A_325 : memref<1x80xi32, #tpu.memory_space<vmem>> -> memref<80xi32, #tpu.memory_space<vmem>>
        %dma_wait3A_327 = arith.constant 0 : i32
        %dma_wait3A_328 = tpu.memref_slice %arg4[%dma_wait3A_327] : memref<320000xi32, #tpu.memory_space<hbm>> -> memref<80xi32, #tpu.memory_space<hbm>>
        tpu.wait_dma2 semaphore(%dma_wait3A_323 : memref<!tpu.dma_semaphore, #tpu.memory_space<semaphore_mem>>) src(%dma_wait3A_328 : memref<80xi32, #tpu.memory_space<hbm>>) dst(%dma_wait3A_326 : memref<80xi32, #tpu.memory_space<vmem>>)
        %dma_wait3A_329 = arith.constant 1 : i32
        %dma_wait3A_330 = arith.constant 1 : i32
        %dma_wait3A_331 = arith.constant 0 : i32
        %dma_wait3A_332 = arith.constant 0 : i32
        %dma_wait3A_333 = tpu.memref_slice %arg15[%dma_wait3A_329, %dma_wait3A_331, %dma_wait3A_332] : memref<4x80x128xf32, #tpu.memory_space<vmem>> -> memref<1x80x128xf32, #tpu.memory_space<vmem>>
        %dma_wait3A_334 = tpu.memref_squeeze %dma_wait3A_333 : memref<1x80x128xf32, #tpu.memory_space<vmem>> -> memref<80x128xf32, #tpu.memory_space<vmem>>
        %dma_wait3A_335 = arith.constant 0 : i32
        %dma_wait3A_336 = arith.constant 0 : i32
        %dma_wait3A_337 = tpu.memref_slice %arg5[%dma_wait3A_335, %dma_wait3A_336] : memref<320000x128xf32, #tpu.memory_space<hbm>> -> memref<80x128xf32, #tpu.memory_space<hbm>>
        %dma_wait3A_338 = tpu.memref_slice %arg18[%dma_wait3A_330] : memref<4x!tpu.dma_semaphore, #tpu.memory_space<semaphore_mem>> -> memref<1x!tpu.dma_semaphore, #tpu.memory_space<semaphore_mem>>
        %dma_wait3A_339 = tpu.memref_squeeze %dma_wait3A_338 : memref<1x!tpu.dma_semaphore, #tpu.memory_space<semaphore_mem>> -> memref<!tpu.dma_semaphore, #tpu.memory_space<semaphore_mem>>
        %dma_wait3A_340 = arith.constant 0 : i32
        %dma_wait3A_341 = arith.constant 0 : i32
        %dma_wait3A_342 = tpu.memref_slice %arg15[%dma_wait3A_329, %dma_wait3A_340, %dma_wait3A_341] : memref<4x80x128xf32, #tpu.memory_space<vmem>> -> memref<1x80x128xf32, #tpu.memory_space<vmem>>
        %dma_wait3A_343 = tpu.memref_squeeze %dma_wait3A_342 : memref<1x80x128xf32, #tpu.memory_space<vmem>> -> memref<80x128xf32, #tpu.memory_space<vmem>>
        %dma_wait3A_344 = arith.constant 0 : i32
        %dma_wait3A_345 = arith.constant 0 : i32
        %dma_wait3A_346 = tpu.memref_slice %arg5[%dma_wait3A_344, %dma_wait3A_345] : memref<320000x128xf32, #tpu.memory_space<hbm>> -> memref<80x128xf32, #tpu.memory_space<hbm>>
        tpu.wait_dma2 semaphore(%dma_wait3A_339 : memref<!tpu.dma_semaphore, #tpu.memory_space<semaphore_mem>>) src(%dma_wait3A_346 : memref<80x128xf32, #tpu.memory_space<hbm>>) dst(%dma_wait3A_343 : memref<80x128xf32, #tpu.memory_space<vmem>>)
        %dma_start3A_347 = arith.constant 1 : i32
        %dma_start3A_348 = arith.constant 1 : i32
        %dma_start3A_349 = arith.constant 1 : i32
        %dma_start3A_350 = arith.constant 0 : i32
        %dma_start3A_351 = arith.constant 0 : i32
        %dma_start3A_352 = tpu.memref_slice %arg15[%dma_start3A_347, %dma_start3A_350, %dma_start3A_351] : memref<4x80x128xf32, #tpu.memory_space<vmem>> -> memref<1x80x128xf32, #tpu.memory_space<vmem>>
        %dma_start3A_353 = tpu.memref_squeeze %dma_start3A_352 : memref<1x80x128xf32, #tpu.memory_space<vmem>> -> memref<80x128xf32, #tpu.memory_space<vmem>>
        %dma_start3A_354 = arith.constant 0 : i32
        %dma_start3A_355 = tpu.memref_slice %arg14[%dma_start3A_348, %dma_start3A_354] : memref<4x80xi32, #tpu.memory_space<vmem>> -> memref<1x80xi32, #tpu.memory_space<vmem>>
        %dma_start3A_356 = tpu.memref_squeeze %dma_start3A_355 : memref<1x80xi32, #tpu.memory_space<vmem>> -> memref<80xi32, #tpu.memory_space<vmem>>
        %dma_start3A_357 = arith.constant 0 : i32
        %dma_start3A_358 = arith.constant 0 : i32
        %dma_start3A_359 = tpu.memref_slice %arg11[%dma_start3A_357, %dma_start3A_358] : memref<10000x128xf32, #tpu.memory_space<vmem_shared>> -> memref<10000x128xf32, #tpu.memory_space<vmem_shared>>
        %dma_start3A_360 = tpu.memref_slice %arg19[%dma_start3A_349] : memref<4x!tpu.dma_semaphore, #tpu.memory_space<semaphore_mem>> -> memref<1x!tpu.dma_semaphore, #tpu.memory_space<semaphore_mem>>
        %dma_start3A_361 = tpu.memref_squeeze %dma_start3A_360 : memref<1x!tpu.dma_semaphore, #tpu.memory_space<semaphore_mem>> -> memref<!tpu.dma_semaphore, #tpu.memory_space<semaphore_mem>>
        tpu.enqueue_indirect_dma source(%dma_start3A_353 : memref<80x128xf32, #tpu.memory_space<vmem>>) target(%dma_start3A_359 : memref<10000x128xf32, #tpu.memory_space<vmem_shared>>) offsets(%dma_start3A_356 : memref<80xi32, #tpu.memory_space<vmem>>) semaphore(%dma_start3A_361 : memref<!tpu.dma_semaphore, #tpu.memory_space<semaphore_mem>>) {add = true}
        %dma_start3A_362 = arith.constant 1 : i32
        %dma_start3A_363 = arith.constant 1 : i32
        %dma_start3A_364 = arith.constant 0 : i32
        %dma_start3A_365 = tpu.memref_slice %arg14[%dma_start3A_362, %dma_start3A_364] : memref<4x80xi32, #tpu.memory_space<vmem>> -> memref<1x80xi32, #tpu.memory_space<vmem>>
        %dma_start3A_366 = tpu.memref_squeeze %dma_start3A_365 : memref<1x80xi32, #tpu.memory_space<vmem>> -> memref<80xi32, #tpu.memory_space<vmem>>
        %dma_start3A_367 = arith.constant 0 : i32
        %dma_start3A_368 = tpu.memref_slice %arg12[%dma_start3A_367] : memref<10240xf32, #tpu.memory_space<vmem_shared>> -> memref<10240xf32, #tpu.memory_space<vmem_shared>>
        %dma_start3A_369 = tpu.memref_slice %arg19[%dma_start3A_363] : memref<4x!tpu.dma_semaphore, #tpu.memory_space<semaphore_mem>> -> memref<1x!tpu.dma_semaphore, #tpu.memory_space<semaphore_mem>>
        %dma_start3A_370 = tpu.memref_squeeze %dma_start3A_369 : memref<1x!tpu.dma_semaphore, #tpu.memory_space<semaphore_mem>> -> memref<!tpu.dma_semaphore, #tpu.memory_space<semaphore_mem>>
        tpu.enqueue_indirect_dma source(%arg16 : memref<80xf32, #tpu.memory_space<vmem>>) target(%dma_start3A_368 : memref<10240xf32, #tpu.memory_space<vmem_shared>>) offsets(%dma_start3A_366 : memref<80xi32, #tpu.memory_space<vmem>>) semaphore(%dma_start3A_370 : memref<!tpu.dma_semaphore, #tpu.memory_space<semaphore_mem>>) {add = true}
        %dma_wait3A_371 = arith.constant 0 : i32
        %dma_wait3A_372 = arith.constant 0 : i32
        %dma_wait3A_373 = arith.constant 0 : i32
        %dma_wait3A_374 = arith.constant 0 : i32
        %dma_wait3A_375 = arith.constant 0 : i32
        %dma_wait3A_376 = tpu.memref_slice %arg15[%dma_wait3A_371, %dma_wait3A_374, %dma_wait3A_375] : memref<4x80x128xf32, #tpu.memory_space<vmem>> -> memref<1x80x128xf32, #tpu.memory_space<vmem>>
        %dma_wait3A_377 = tpu.memref_squeeze %dma_wait3A_376 : memref<1x80x128xf32, #tpu.memory_space<vmem>> -> memref<80x128xf32, #tpu.memory_space<vmem>>
        %dma_wait3A_378 = arith.constant 0 : i32
        %dma_wait3A_379 = tpu.memref_slice %arg14[%dma_wait3A_372, %dma_wait3A_378] : memref<4x80xi32, #tpu.memory_space<vmem>> -> memref<1x80xi32, #tpu.memory_space<vmem>>
        %dma_wait3A_380 = tpu.memref_squeeze %dma_wait3A_379 : memref<1x80xi32, #tpu.memory_space<vmem>> -> memref<80xi32, #tpu.memory_space<vmem>>
        %dma_wait3A_381 = arith.constant 0 : i32
        %dma_wait3A_382 = arith.constant 0 : i32
        %dma_wait3A_383 = tpu.memref_slice %arg11[%dma_wait3A_381, %dma_wait3A_382] : memref<10000x128xf32, #tpu.memory_space<vmem_shared>> -> memref<10000x128xf32, #tpu.memory_space<vmem_shared>>
        %dma_wait3A_384 = tpu.memref_slice %arg19[%dma_wait3A_373] : memref<4x!tpu.dma_semaphore, #tpu.memory_space<semaphore_mem>> -> memref<1x!tpu.dma_semaphore, #tpu.memory_space<semaphore_mem>>
        %dma_wait3A_385 = tpu.memref_squeeze %dma_wait3A_384 : memref<1x!tpu.dma_semaphore, #tpu.memory_space<semaphore_mem>> -> memref<!tpu.dma_semaphore, #tpu.memory_space<semaphore_mem>>
        tpu.wait_indirect_dma semaphore(%dma_wait3A_385 : memref<!tpu.dma_semaphore, #tpu.memory_space<semaphore_mem>>) src(%dma_wait3A_377 : memref<80x128xf32, #tpu.memory_space<vmem>>) dst(%dma_wait3A_383 : memref<10000x128xf32, #tpu.memory_space<vmem_shared>>)
        %dma_wait3A_386 = arith.constant 0 : i32
        %dma_wait3A_387 = arith.constant 0 : i32
        %dma_wait3A_388 = arith.constant 0 : i32
        %dma_wait3A_389 = tpu.memref_slice %arg14[%dma_wait3A_386, %dma_wait3A_388] : memref<4x80xi32, #tpu.memory_space<vmem>> -> memref<1x80xi32, #tpu.memory_space<vmem>>
        %dma_wait3A_390 = tpu.memref_squeeze %dma_wait3A_389 : memref<1x80xi32, #tpu.memory_space<vmem>> -> memref<80xi32, #tpu.memory_space<vmem>>
        %dma_wait3A_391 = arith.constant 0 : i32
        %dma_wait3A_392 = tpu.memref_slice %arg12[%dma_wait3A_391] : memref<10240xf32, #tpu.memory_space<vmem_shared>> -> memref<10240xf32, #tpu.memory_space<vmem_shared>>
        %dma_wait3A_393 = tpu.memref_slice %arg19[%dma_wait3A_387] : memref<4x!tpu.dma_semaphore, #tpu.memory_space<semaphore_mem>> -> memref<1x!tpu.dma_semaphore, #tpu.memory_space<semaphore_mem>>
        %dma_wait3A_394 = tpu.memref_squeeze %dma_wait3A_393 : memref<1x!tpu.dma_semaphore, #tpu.memory_space<semaphore_mem>> -> memref<!tpu.dma_semaphore, #tpu.memory_space<semaphore_mem>>
        tpu.wait_indirect_dma semaphore(%dma_wait3A_394 : memref<!tpu.dma_semaphore, #tpu.memory_space<semaphore_mem>>) src(%arg16 : memref<80xf32, #tpu.memory_space<vmem>>) dst(%dma_wait3A_392 : memref<10240xf32, #tpu.memory_space<vmem_shared>>)
        %dma_wait3A_395 = arith.constant 1 : i32
        %dma_wait3A_396 = arith.constant 1 : i32
        %dma_wait3A_397 = arith.constant 1 : i32
        %dma_wait3A_398 = arith.constant 0 : i32
        %dma_wait3A_399 = arith.constant 0 : i32
        %dma_wait3A_400 = tpu.memref_slice %arg15[%dma_wait3A_395, %dma_wait3A_398, %dma_wait3A_399] : memref<4x80x128xf32, #tpu.memory_space<vmem>> -> memref<1x80x128xf32, #tpu.memory_space<vmem>>
        %dma_wait3A_401 = tpu.memref_squeeze %dma_wait3A_400 : memref<1x80x128xf32, #tpu.memory_space<vmem>> -> memref<80x128xf32, #tpu.memory_space<vmem>>
        %dma_wait3A_402 = arith.constant 0 : i32
        %dma_wait3A_403 = tpu.memref_slice %arg14[%dma_wait3A_396, %dma_wait3A_402] : memref<4x80xi32, #tpu.memory_space<vmem>> -> memref<1x80xi32, #tpu.memory_space<vmem>>
        %dma_wait3A_404 = tpu.memref_squeeze %dma_wait3A_403 : memref<1x80xi32, #tpu.memory_space<vmem>> -> memref<80xi32, #tpu.memory_space<vmem>>
        %dma_wait3A_405 = arith.constant 0 : i32
        %dma_wait3A_406 = arith.constant 0 : i32
        %dma_wait3A_407 = tpu.memref_slice %arg11[%dma_wait3A_405, %dma_wait3A_406] : memref<10000x128xf32, #tpu.memory_space<vmem_shared>> -> memref<10000x128xf32, #tpu.memory_space<vmem_shared>>
        %dma_wait3A_408 = tpu.memref_slice %arg19[%dma_wait3A_397] : memref<4x!tpu.dma_semaphore, #tpu.memory_space<semaphore_mem>> -> memref<1x!tpu.dma_semaphore, #tpu.memory_space<semaphore_mem>>
        %dma_wait3A_409 = tpu.memref_squeeze %dma_wait3A_408 : memref<1x!tpu.dma_semaphore, #tpu.memory_space<semaphore_mem>> -> memref<!tpu.dma_semaphore, #tpu.memory_space<semaphore_mem>>
        tpu.wait_indirect_dma semaphore(%dma_wait3A_409 : memref<!tpu.dma_semaphore, #tpu.memory_space<semaphore_mem>>) src(%dma_wait3A_401 : memref<80x128xf32, #tpu.memory_space<vmem>>) dst(%dma_wait3A_407 : memref<10000x128xf32, #tpu.memory_space<vmem_shared>>)
        %dma_wait3A_410 = arith.constant 1 : i32
        %dma_wait3A_411 = arith.constant 1 : i32
        %dma_wait3A_412 = arith.constant 0 : i32
        %dma_wait3A_413 = tpu.memref_slice %arg14[%dma_wait3A_410, %dma_wait3A_412] : memref<4x80xi32, #tpu.memory_space<vmem>> -> memref<1x80xi32, #tpu.memory_space<vmem>>
        %dma_wait3A_414 = tpu.memref_squeeze %dma_wait3A_413 : memref<1x80xi32, #tpu.memory_space<vmem>> -> memref<80xi32, #tpu.memory_space<vmem>>
        %dma_wait3A_415 = arith.constant 0 : i32
        %dma_wait3A_416 = tpu.memref_slice %arg12[%dma_wait3A_415] : memref<10240xf32, #tpu.memory_space<vmem_shared>> -> memref<10240xf32, #tpu.memory_space<vmem_shared>>
        %dma_wait3A_417 = tpu.memref_slice %arg19[%dma_wait3A_411] : memref<4x!tpu.dma_semaphore, #tpu.memory_space<semaphore_mem>> -> memref<1x!tpu.dma_semaphore, #tpu.memory_space<semaphore_mem>>
        %dma_wait3A_418 = tpu.memref_squeeze %dma_wait3A_417 : memref<1x!tpu.dma_semaphore, #tpu.memory_space<semaphore_mem>> -> memref<!tpu.dma_semaphore, #tpu.memory_space<semaphore_mem>>
        tpu.wait_indirect_dma semaphore(%dma_wait3A_418 : memref<!tpu.dma_semaphore, #tpu.memory_space<semaphore_mem>>) src(%arg16 : memref<80xf32, #tpu.memory_space<vmem>>) dst(%dma_wait3A_416 : memref<10240xf32, #tpu.memory_space<vmem_shared>>)
        %add3A_419 = arith.constant 1 : i32
        %add3A_420 = arith.addi %scan3A_186, %add3A_419 : i32
        %lt3A_421 = arith.constant 62 : i32
        %lt3A_422 = arith.cmpi slt, %add3A_420, %lt3A_421 : i32
        %convert_element_type3A_423 = arith.extui %lt3A_422 : i1 to i32
        %cond3A_424 = arith.constant 0 : i32
        %cond3A_425 = arith.cmpi ne, %convert_element_type3A_423, %cond3A_424 : i32
        scf.if %cond3A_425 {
          %add3A_538 = arith.constant 320 : i32
          %add3A_539 = arith.addi %mul3A_188, %add3A_538 : i32
          %add3A_540 = arith.addi %mul3A_30, %add3A_539 : i32
          %add3A_541 = arith.constant 0 : i32
          %add3A_542 = arith.addi %add3A_540, %add3A_541 : i32
          %multiple_of3A_543 = tpu.assume_multiple %add3A_542, 8 : i32
          %dma_start3A_544 = arith.constant 0 : i32
          %dma_start3A_545 = arith.constant 0 : i32
          %dma_start3A_546 = arith.constant 0 : i32
          %dma_start3A_547 = tpu.memref_slice %arg14[%dma_start3A_544, %dma_start3A_546] : memref<4x80xi32, #tpu.memory_space<vmem>> -> memref<1x80xi32, #tpu.memory_space<vmem>>
          %dma_start3A_548 = tpu.memref_squeeze %dma_start3A_547 : memref<1x80xi32, #tpu.memory_space<vmem>> -> memref<80xi32, #tpu.memory_space<vmem>>
          %dma_start3A_549 = tpu.memref_slice %arg4[%multiple_of3A_543] : memref<320000xi32, #tpu.memory_space<hbm>> -> memref<80xi32, #tpu.memory_space<hbm>>
          %dma_start3A_550 = tpu.memref_slice %arg17[%dma_start3A_545] : memref<4x!tpu.dma_semaphore, #tpu.memory_space<semaphore_mem>> -> memref<1x!tpu.dma_semaphore, #tpu.memory_space<semaphore_mem>>
          %dma_start3A_551 = tpu.memref_squeeze %dma_start3A_550 : memref<1x!tpu.dma_semaphore, #tpu.memory_space<semaphore_mem>> -> memref<!tpu.dma_semaphore, #tpu.memory_space<semaphore_mem>>
          %dma_start3A_552 = arith.constant 0 : i32
          %dma_start3A_553 = tpu.memref_slice %arg14[%dma_start3A_544, %dma_start3A_552] : memref<4x80xi32, #tpu.memory_space<vmem>> -> memref<1x80xi32, #tpu.memory_space<vmem>>
          %dma_start3A_554 = tpu.memref_squeeze %dma_start3A_553 : memref<1x80xi32, #tpu.memory_space<vmem>> -> memref<80xi32, #tpu.memory_space<vmem>>
          %dma_start3A_555 = tpu.memref_slice %arg4[%multiple_of3A_543] : memref<320000xi32, #tpu.memory_space<hbm>> -> memref<80xi32, #tpu.memory_space<hbm>>
          tpu.enqueue_dma source(%dma_start3A_555 : memref<80xi32, #tpu.memory_space<hbm>>) target(%dma_start3A_554 : memref<80xi32, #tpu.memory_space<vmem>>) target_semaphore(%dma_start3A_551 : memref<!tpu.dma_semaphore, #tpu.memory_space<semaphore_mem>>)
          %dma_start3A_556 = arith.constant 0 : i32
          %dma_start3A_557 = arith.constant 0 : i32
          %dma_start3A_558 = arith.constant 0 : i32
          %dma_start3A_559 = arith.constant 0 : i32
          %dma_start3A_560 = tpu.memref_slice %arg15[%dma_start3A_556, %dma_start3A_558, %dma_start3A_559] : memref<4x80x128xf32, #tpu.memory_space<vmem>> -> memref<1x80x128xf32, #tpu.memory_space<vmem>>
          %dma_start3A_561 = tpu.memref_squeeze %dma_start3A_560 : memref<1x80x128xf32, #tpu.memory_space<vmem>> -> memref<80x128xf32, #tpu.memory_space<vmem>>
          %dma_start3A_562 = arith.constant 0 : i32
          %dma_start3A_563 = tpu.memref_slice %arg5[%multiple_of3A_543, %dma_start3A_562] : memref<320000x128xf32, #tpu.memory_space<hbm>> -> memref<80x128xf32, #tpu.memory_space<hbm>>
          %dma_start3A_564 = tpu.memref_slice %arg18[%dma_start3A_557] : memref<4x!tpu.dma_semaphore, #tpu.memory_space<semaphore_mem>> -> memref<1x!tpu.dma_semaphore, #tpu.memory_space<semaphore_mem>>
          %dma_start3A_565 = tpu.memref_squeeze %dma_start3A_564 : memref<1x!tpu.dma_semaphore, #tpu.memory_space<semaphore_mem>> -> memref<!tpu.dma_semaphore, #tpu.memory_space<semaphore_mem>>
          %dma_start3A_566 = arith.constant 0 : i32
          %dma_start3A_567 = arith.constant 0 : i32
          %dma_start3A_568 = tpu.memref_slice %arg15[%dma_start3A_556, %dma_start3A_566, %dma_start3A_567] : memref<4x80x128xf32, #tpu.memory_space<vmem>> -> memref<1x80x128xf32, #tpu.memory_space<vmem>>
          %dma_start3A_569 = tpu.memref_squeeze %dma_start3A_568 : memref<1x80x128xf32, #tpu.memory_space<vmem>> -> memref<80x128xf32, #tpu.memory_space<vmem>>
          %dma_start3A_570 = arith.constant 0 : i32
          %dma_start3A_571 = tpu.memref_slice %arg5[%multiple_of3A_543, %dma_start3A_570] : memref<320000x128xf32, #tpu.memory_space<hbm>> -> memref<80x128xf32, #tpu.memory_space<hbm>>
          tpu.enqueue_dma source(%dma_start3A_571 : memref<80x128xf32, #tpu.memory_space<hbm>>) target(%dma_start3A_569 : memref<80x128xf32, #tpu.memory_space<vmem>>) target_semaphore(%dma_start3A_565 : memref<!tpu.dma_semaphore, #tpu.memory_space<semaphore_mem>>)
          %add3A_572 = arith.addi %mul3A_30, %add3A_539 : i32
          %add3A_573 = arith.constant 80 : i32
          %add3A_574 = arith.addi %add3A_572, %add3A_573 : i32
          %multiple_of3A_575 = tpu.assume_multiple %add3A_574, 8 : i32
          %dma_start3A_576 = arith.constant 1 : i32
          %dma_start3A_577 = arith.constant 1 : i32
          %dma_start3A_578 = arith.constant 0 : i32
          %dma_start3A_579 = tpu.memref_slice %arg14[%dma_start3A_576, %dma_start3A_578] : memref<4x80xi32, #tpu.memory_space<vmem>> -> memref<1x80xi32, #tpu.memory_space<vmem>>
          %dma_start3A_580 = tpu.memref_squeeze %dma_start3A_579 : memref<1x80xi32, #tpu.memory_space<vmem>> -> memref<80xi32, #tpu.memory_space<vmem>>
          %dma_start3A_581 = tpu.memref_slice %arg4[%multiple_of3A_575] : memref<320000xi32, #tpu.memory_space<hbm>> -> memref<80xi32, #tpu.memory_space<hbm>>
          %dma_start3A_582 = tpu.memref_slice %arg17[%dma_start3A_577] : memref<4x!tpu.dma_semaphore, #tpu.memory_space<semaphore_mem>> -> memref<1x!tpu.dma_semaphore, #tpu.memory_space<semaphore_mem>>
          %dma_start3A_583 = tpu.memref_squeeze %dma_start3A_582 : memref<1x!tpu.dma_semaphore, #tpu.memory_space<semaphore_mem>> -> memref<!tpu.dma_semaphore, #tpu.memory_space<semaphore_mem>>
          %dma_start3A_584 = arith.constant 0 : i32
          %dma_start3A_585 = tpu.memref_slice %arg14[%dma_start3A_576, %dma_start3A_584] : memref<4x80xi32, #tpu.memory_space<vmem>> -> memref<1x80xi32, #tpu.memory_space<vmem>>
          %dma_start3A_586 = tpu.memref_squeeze %dma_start3A_585 : memref<1x80xi32, #tpu.memory_space<vmem>> -> memref<80xi32, #tpu.memory_space<vmem>>
          %dma_start3A_587 = tpu.memref_slice %arg4[%multiple_of3A_575] : memref<320000xi32, #tpu.memory_space<hbm>> -> memref<80xi32, #tpu.memory_space<hbm>>
          tpu.enqueue_dma source(%dma_start3A_587 : memref<80xi32, #tpu.memory_space<hbm>>) target(%dma_start3A_586 : memref<80xi32, #tpu.memory_space<vmem>>) target_semaphore(%dma_start3A_583 : memref<!tpu.dma_semaphore, #tpu.memory_space<semaphore_mem>>)
          %dma_start3A_588 = arith.constant 1 : i32
          %dma_start3A_589 = arith.constant 1 : i32
          %dma_start3A_590 = arith.constant 0 : i32
          %dma_start3A_591 = arith.constant 0 : i32
          %dma_start3A_592 = tpu.memref_slice %arg15[%dma_start3A_588, %dma_start3A_590, %dma_start3A_591] : memref<4x80x128xf32, #tpu.memory_space<vmem>> -> memref<1x80x128xf32, #tpu.memory_space<vmem>>
          %dma_start3A_593 = tpu.memref_squeeze %dma_start3A_592 : memref<1x80x128xf32, #tpu.memory_space<vmem>> -> memref<80x128xf32, #tpu.memory_space<vmem>>
          %dma_start3A_594 = arith.constant 0 : i32
          %dma_start3A_595 = tpu.memref_slice %arg5[%multiple_of3A_575, %dma_start3A_594] : memref<320000x128xf32, #tpu.memory_space<hbm>> -> memref<80x128xf32, #tpu.memory_space<hbm>>
          %dma_start3A_596 = tpu.memref_slice %arg18[%dma_start3A_589] : memref<4x!tpu.dma_semaphore, #tpu.memory_space<semaphore_mem>> -> memref<1x!tpu.dma_semaphore, #tpu.memory_space<semaphore_mem>>
          %dma_start3A_597 = tpu.memref_squeeze %dma_start3A_596 : memref<1x!tpu.dma_semaphore, #tpu.memory_space<semaphore_mem>> -> memref<!tpu.dma_semaphore, #tpu.memory_space<semaphore_mem>>
          %dma_start3A_598 = arith.constant 0 : i32
          %dma_start3A_599 = arith.constant 0 : i32
          %dma_start3A_600 = tpu.memref_slice %arg15[%dma_start3A_588, %dma_start3A_598, %dma_start3A_599] : memref<4x80x128xf32, #tpu.memory_space<vmem>> -> memref<1x80x128xf32, #tpu.memory_space<vmem>>
          %dma_start3A_601 = tpu.memref_squeeze %dma_start3A_600 : memref<1x80x128xf32, #tpu.memory_space<vmem>> -> memref<80x128xf32, #tpu.memory_space<vmem>>
          %dma_start3A_602 = arith.constant 0 : i32
          %dma_start3A_603 = tpu.memref_slice %arg5[%multiple_of3A_575, %dma_start3A_602] : memref<320000x128xf32, #tpu.memory_space<hbm>> -> memref<80x128xf32, #tpu.memory_space<hbm>>
          tpu.enqueue_dma source(%dma_start3A_603 : memref<80x128xf32, #tpu.memory_space<hbm>>) target(%dma_start3A_601 : memref<80x128xf32, #tpu.memory_space<vmem>>) target_semaphore(%dma_start3A_597 : memref<!tpu.dma_semaphore, #tpu.memory_space<semaphore_mem>>)
        } else {
        }
        %dma_wait3A_426 = arith.constant 2 : i32
        %dma_wait3A_427 = arith.constant 2 : i32
        %dma_wait3A_428 = arith.constant 0 : i32
        %dma_wait3A_429 = tpu.memref_slice %arg14[%dma_wait3A_426, %dma_wait3A_428] : memref<4x80xi32, #tpu.memory_space<vmem>> -> memref<1x80xi32, #tpu.memory_space<vmem>>
        %dma_wait3A_430 = tpu.memref_squeeze %dma_wait3A_429 : memref<1x80xi32, #tpu.memory_space<vmem>> -> memref<80xi32, #tpu.memory_space<vmem>>
        %dma_wait3A_431 = arith.constant 0 : i32
        %dma_wait3A_432 = tpu.memref_slice %arg4[%dma_wait3A_431] : memref<320000xi32, #tpu.memory_space<hbm>> -> memref<80xi32, #tpu.memory_space<hbm>>
        %dma_wait3A_433 = tpu.memref_slice %arg17[%dma_wait3A_427] : memref<4x!tpu.dma_semaphore, #tpu.memory_space<semaphore_mem>> -> memref<1x!tpu.dma_semaphore, #tpu.memory_space<semaphore_mem>>
        %dma_wait3A_434 = tpu.memref_squeeze %dma_wait3A_433 : memref<1x!tpu.dma_semaphore, #tpu.memory_space<semaphore_mem>> -> memref<!tpu.dma_semaphore, #tpu.memory_space<semaphore_mem>>
        %dma_wait3A_435 = arith.constant 0 : i32
        %dma_wait3A_436 = tpu.memref_slice %arg14[%dma_wait3A_426, %dma_wait3A_435] : memref<4x80xi32, #tpu.memory_space<vmem>> -> memref<1x80xi32, #tpu.memory_space<vmem>>
        %dma_wait3A_437 = tpu.memref_squeeze %dma_wait3A_436 : memref<1x80xi32, #tpu.memory_space<vmem>> -> memref<80xi32, #tpu.memory_space<vmem>>
        %dma_wait3A_438 = arith.constant 0 : i32
        %dma_wait3A_439 = tpu.memref_slice %arg4[%dma_wait3A_438] : memref<320000xi32, #tpu.memory_space<hbm>> -> memref<80xi32, #tpu.memory_space<hbm>>
        tpu.wait_dma2 semaphore(%dma_wait3A_434 : memref<!tpu.dma_semaphore, #tpu.memory_space<semaphore_mem>>) src(%dma_wait3A_439 : memref<80xi32, #tpu.memory_space<hbm>>) dst(%dma_wait3A_437 : memref<80xi32, #tpu.memory_space<vmem>>)
        %dma_wait3A_440 = arith.constant 2 : i32
        %dma_wait3A_441 = arith.constant 2 : i32
        %dma_wait3A_442 = arith.constant 0 : i32
        %dma_wait3A_443 = arith.constant 0 : i32
        %dma_wait3A_444 = tpu.memref_slice %arg15[%dma_wait3A_440, %dma_wait3A_442, %dma_wait3A_443] : memref<4x80x128xf32, #tpu.memory_space<vmem>> -> memref<1x80x128xf32, #tpu.memory_space<vmem>>
        %dma_wait3A_445 = tpu.memref_squeeze %dma_wait3A_444 : memref<1x80x128xf32, #tpu.memory_space<vmem>> -> memref<80x128xf32, #tpu.memory_space<vmem>>
        %dma_wait3A_446 = arith.constant 0 : i32
        %dma_wait3A_447 = arith.constant 0 : i32
        %dma_wait3A_448 = tpu.memref_slice %arg5[%dma_wait3A_446, %dma_wait3A_447] : memref<320000x128xf32, #tpu.memory_space<hbm>> -> memref<80x128xf32, #tpu.memory_space<hbm>>
        %dma_wait3A_449 = tpu.memref_slice %arg18[%dma_wait3A_441] : memref<4x!tpu.dma_semaphore, #tpu.memory_space<semaphore_mem>> -> memref<1x!tpu.dma_semaphore, #tpu.memory_space<semaphore_mem>>
        %dma_wait3A_450 = tpu.memref_squeeze %dma_wait3A_449 : memref<1x!tpu.dma_semaphore, #tpu.memory_space<semaphore_mem>> -> memref<!tpu.dma_semaphore, #tpu.memory_space<semaphore_mem>>
        %dma_wait3A_451 = arith.constant 0 : i32
        %dma_wait3A_452 = arith.constant 0 : i32
        %dma_wait3A_453 = tpu.memref_slice %arg15[%dma_wait3A_440, %dma_wait3A_451, %dma_wait3A_452] : memref<4x80x128xf32, #tpu.memory_space<vmem>> -> memref<1x80x128xf32, #tpu.memory_space<vmem>>
        %dma_wait3A_454 = tpu.memref_squeeze %dma_wait3A_453 : memref<1x80x128xf32, #tpu.memory_space<vmem>> -> memref<80x128xf32, #tpu.memory_space<vmem>>
        %dma_wait3A_455 = arith.constant 0 : i32
        %dma_wait3A_456 = arith.constant 0 : i32
        %dma_wait3A_457 = tpu.memref_slice %arg5[%dma_wait3A_455, %dma_wait3A_456] : memref<320000x128xf32, #tpu.memory_space<hbm>> -> memref<80x128xf32, #tpu.memory_space<hbm>>
        tpu.wait_dma2 semaphore(%dma_wait3A_450 : memref<!tpu.dma_semaphore, #tpu.memory_space<semaphore_mem>>) src(%dma_wait3A_457 : memref<80x128xf32, #tpu.memory_space<hbm>>) dst(%dma_wait3A_454 : memref<80x128xf32, #tpu.memory_space<vmem>>)
        %dma_start3A_458 = arith.constant 2 : i32
        %dma_start3A_459 = arith.constant 2 : i32
        %dma_start3A_460 = arith.constant 2 : i32
        %dma_start3A_461 = arith.constant 0 : i32
        %dma_start3A_462 = arith.constant 0 : i32
        %dma_start3A_463 = tpu.memref_slice %arg15[%dma_start3A_458, %dma_start3A_461, %dma_start3A_462] : memref<4x80x128xf32, #tpu.memory_space<vmem>> -> memref<1x80x128xf32, #tpu.memory_space<vmem>>
        %dma_start3A_464 = tpu.memref_squeeze %dma_start3A_463 : memref<1x80x128xf32, #tpu.memory_space<vmem>> -> memref<80x128xf32, #tpu.memory_space<vmem>>
        %dma_start3A_465 = arith.constant 0 : i32
        %dma_start3A_466 = tpu.memref_slice %arg14[%dma_start3A_459, %dma_start3A_465] : memref<4x80xi32, #tpu.memory_space<vmem>> -> memref<1x80xi32, #tpu.memory_space<vmem>>
        %dma_start3A_467 = tpu.memref_squeeze %dma_start3A_466 : memref<1x80xi32, #tpu.memory_space<vmem>> -> memref<80xi32, #tpu.memory_space<vmem>>
        %dma_start3A_468 = arith.constant 0 : i32
        %dma_start3A_469 = arith.constant 0 : i32
        %dma_start3A_470 = tpu.memref_slice %arg11[%dma_start3A_468, %dma_start3A_469] : memref<10000x128xf32, #tpu.memory_space<vmem_shared>> -> memref<10000x128xf32, #tpu.memory_space<vmem_shared>>
        %dma_start3A_471 = tpu.memref_slice %arg19[%dma_start3A_460] : memref<4x!tpu.dma_semaphore, #tpu.memory_space<semaphore_mem>> -> memref<1x!tpu.dma_semaphore, #tpu.memory_space<semaphore_mem>>
        %dma_start3A_472 = tpu.memref_squeeze %dma_start3A_471 : memref<1x!tpu.dma_semaphore, #tpu.memory_space<semaphore_mem>> -> memref<!tpu.dma_semaphore, #tpu.memory_space<semaphore_mem>>
        tpu.enqueue_indirect_dma source(%dma_start3A_464 : memref<80x128xf32, #tpu.memory_space<vmem>>) target(%dma_start3A_470 : memref<10000x128xf32, #tpu.memory_space<vmem_shared>>) offsets(%dma_start3A_467 : memref<80xi32, #tpu.memory_space<vmem>>) semaphore(%dma_start3A_472 : memref<!tpu.dma_semaphore, #tpu.memory_space<semaphore_mem>>) {add = true}
        %dma_start3A_473 = arith.constant 2 : i32
        %dma_start3A_474 = arith.constant 2 : i32
        %dma_start3A_475 = arith.constant 0 : i32
        %dma_start3A_476 = tpu.memref_slice %arg14[%dma_start3A_473, %dma_start3A_475] : memref<4x80xi32, #tpu.memory_space<vmem>> -> memref<1x80xi32, #tpu.memory_space<vmem>>
        %dma_start3A_477 = tpu.memref_squeeze %dma_start3A_476 : memref<1x80xi32, #tpu.memory_space<vmem>> -> memref<80xi32, #tpu.memory_space<vmem>>
        %dma_start3A_478 = arith.constant 0 : i32
        %dma_start3A_479 = tpu.memref_slice %arg12[%dma_start3A_478] : memref<10240xf32, #tpu.memory_space<vmem_shared>> -> memref<10240xf32, #tpu.memory_space<vmem_shared>>
        %dma_start3A_480 = tpu.memref_slice %arg19[%dma_start3A_474] : memref<4x!tpu.dma_semaphore, #tpu.memory_space<semaphore_mem>> -> memref<1x!tpu.dma_semaphore, #tpu.memory_space<semaphore_mem>>
        %dma_start3A_481 = tpu.memref_squeeze %dma_start3A_480 : memref<1x!tpu.dma_semaphore, #tpu.memory_space<semaphore_mem>> -> memref<!tpu.dma_semaphore, #tpu.memory_space<semaphore_mem>>
        tpu.enqueue_indirect_dma source(%arg16 : memref<80xf32, #tpu.memory_space<vmem>>) target(%dma_start3A_479 : memref<10240xf32, #tpu.memory_space<vmem_shared>>) offsets(%dma_start3A_477 : memref<80xi32, #tpu.memory_space<vmem>>) semaphore(%dma_start3A_481 : memref<!tpu.dma_semaphore, #tpu.memory_space<semaphore_mem>>) {add = true}
        %dma_wait3A_482 = arith.constant 3 : i32
        %dma_wait3A_483 = arith.constant 3 : i32
        %dma_wait3A_484 = arith.constant 0 : i32
        %dma_wait3A_485 = tpu.memref_slice %arg14[%dma_wait3A_482, %dma_wait3A_484] : memref<4x80xi32, #tpu.memory_space<vmem>> -> memref<1x80xi32, #tpu.memory_space<vmem>>
        %dma_wait3A_486 = tpu.memref_squeeze %dma_wait3A_485 : memref<1x80xi32, #tpu.memory_space<vmem>> -> memref<80xi32, #tpu.memory_space<vmem>>
        %dma_wait3A_487 = arith.constant 0 : i32
        %dma_wait3A_488 = tpu.memref_slice %arg4[%dma_wait3A_487] : memref<320000xi32, #tpu.memory_space<hbm>> -> memref<80xi32, #tpu.memory_space<hbm>>
        %dma_wait3A_489 = tpu.memref_slice %arg17[%dma_wait3A_483] : memref<4x!tpu.dma_semaphore, #tpu.memory_space<semaphore_mem>> -> memref<1x!tpu.dma_semaphore, #tpu.memory_space<semaphore_mem>>
        %dma_wait3A_490 = tpu.memref_squeeze %dma_wait3A_489 : memref<1x!tpu.dma_semaphore, #tpu.memory_space<semaphore_mem>> -> memref<!tpu.dma_semaphore, #tpu.memory_space<semaphore_mem>>
        %dma_wait3A_491 = arith.constant 0 : i32
        %dma_wait3A_492 = tpu.memref_slice %arg14[%dma_wait3A_482, %dma_wait3A_491] : memref<4x80xi32, #tpu.memory_space<vmem>> -> memref<1x80xi32, #tpu.memory_space<vmem>>
        %dma_wait3A_493 = tpu.memref_squeeze %dma_wait3A_492 : memref<1x80xi32, #tpu.memory_space<vmem>> -> memref<80xi32, #tpu.memory_space<vmem>>
        %dma_wait3A_494 = arith.constant 0 : i32
        %dma_wait3A_495 = tpu.memref_slice %arg4[%dma_wait3A_494] : memref<320000xi32, #tpu.memory_space<hbm>> -> memref<80xi32, #tpu.memory_space<hbm>>
        tpu.wait_dma2 semaphore(%dma_wait3A_490 : memref<!tpu.dma_semaphore, #tpu.memory_space<semaphore_mem>>) src(%dma_wait3A_495 : memref<80xi32, #tpu.memory_space<hbm>>) dst(%dma_wait3A_493 : memref<80xi32, #tpu.memory_space<vmem>>)
        %dma_wait3A_496 = arith.constant 3 : i32
        %dma_wait3A_497 = arith.constant 3 : i32
        %dma_wait3A_498 = arith.constant 0 : i32
        %dma_wait3A_499 = arith.constant 0 : i32
        %dma_wait3A_500 = tpu.memref_slice %arg15[%dma_wait3A_496, %dma_wait3A_498, %dma_wait3A_499] : memref<4x80x128xf32, #tpu.memory_space<vmem>> -> memref<1x80x128xf32, #tpu.memory_space<vmem>>
        %dma_wait3A_501 = tpu.memref_squeeze %dma_wait3A_500 : memref<1x80x128xf32, #tpu.memory_space<vmem>> -> memref<80x128xf32, #tpu.memory_space<vmem>>
        %dma_wait3A_502 = arith.constant 0 : i32
        %dma_wait3A_503 = arith.constant 0 : i32
        %dma_wait3A_504 = tpu.memref_slice %arg5[%dma_wait3A_502, %dma_wait3A_503] : memref<320000x128xf32, #tpu.memory_space<hbm>> -> memref<80x128xf32, #tpu.memory_space<hbm>>
        %dma_wait3A_505 = tpu.memref_slice %arg18[%dma_wait3A_497] : memref<4x!tpu.dma_semaphore, #tpu.memory_space<semaphore_mem>> -> memref<1x!tpu.dma_semaphore, #tpu.memory_space<semaphore_mem>>
        %dma_wait3A_506 = tpu.memref_squeeze %dma_wait3A_505 : memref<1x!tpu.dma_semaphore, #tpu.memory_space<semaphore_mem>> -> memref<!tpu.dma_semaphore, #tpu.memory_space<semaphore_mem>>
        %dma_wait3A_507 = arith.constant 0 : i32
        %dma_wait3A_508 = arith.constant 0 : i32
        %dma_wait3A_509 = tpu.memref_slice %arg15[%dma_wait3A_496, %dma_wait3A_507, %dma_wait3A_508] : memref<4x80x128xf32, #tpu.memory_space<vmem>> -> memref<1x80x128xf32, #tpu.memory_space<vmem>>
        %dma_wait3A_510 = tpu.memref_squeeze %dma_wait3A_509 : memref<1x80x128xf32, #tpu.memory_space<vmem>> -> memref<80x128xf32, #tpu.memory_space<vmem>>
        %dma_wait3A_511 = arith.constant 0 : i32
        %dma_wait3A_512 = arith.constant 0 : i32
        %dma_wait3A_513 = tpu.memref_slice %arg5[%dma_wait3A_511, %dma_wait3A_512] : memref<320000x128xf32, #tpu.memory_space<hbm>> -> memref<80x128xf32, #tpu.memory_space<hbm>>
        tpu.wait_dma2 semaphore(%dma_wait3A_506 : memref<!tpu.dma_semaphore, #tpu.memory_space<semaphore_mem>>) src(%dma_wait3A_513 : memref<80x128xf32, #tpu.memory_space<hbm>>) dst(%dma_wait3A_510 : memref<80x128xf32, #tpu.memory_space<vmem>>)
        %dma_start3A_514 = arith.constant 3 : i32
        %dma_start3A_515 = arith.constant 3 : i32
        %dma_start3A_516 = arith.constant 3 : i32
        %dma_start3A_517 = arith.constant 0 : i32
        %dma_start3A_518 = arith.constant 0 : i32
        %dma_start3A_519 = tpu.memref_slice %arg15[%dma_start3A_514, %dma_start3A_517, %dma_start3A_518] : memref<4x80x128xf32, #tpu.memory_space<vmem>> -> memref<1x80x128xf32, #tpu.memory_space<vmem>>
        %dma_start3A_520 = tpu.memref_squeeze %dma_start3A_519 : memref<1x80x128xf32, #tpu.memory_space<vmem>> -> memref<80x128xf32, #tpu.memory_space<vmem>>
        %dma_start3A_521 = arith.constant 0 : i32
        %dma_start3A_522 = tpu.memref_slice %arg14[%dma_start3A_515, %dma_start3A_521] : memref<4x80xi32, #tpu.memory_space<vmem>> -> memref<1x80xi32, #tpu.memory_space<vmem>>
        %dma_start3A_523 = tpu.memref_squeeze %dma_start3A_522 : memref<1x80xi32, #tpu.memory_space<vmem>> -> memref<80xi32, #tpu.memory_space<vmem>>
        %dma_start3A_524 = arith.constant 0 : i32
        %dma_start3A_525 = arith.constant 0 : i32
        %dma_start3A_526 = tpu.memref_slice %arg11[%dma_start3A_524, %dma_start3A_525] : memref<10000x128xf32, #tpu.memory_space<vmem_shared>> -> memref<10000x128xf32, #tpu.memory_space<vmem_shared>>
        %dma_start3A_527 = tpu.memref_slice %arg19[%dma_start3A_516] : memref<4x!tpu.dma_semaphore, #tpu.memory_space<semaphore_mem>> -> memref<1x!tpu.dma_semaphore, #tpu.memory_space<semaphore_mem>>
        %dma_start3A_528 = tpu.memref_squeeze %dma_start3A_527 : memref<1x!tpu.dma_semaphore, #tpu.memory_space<semaphore_mem>> -> memref<!tpu.dma_semaphore, #tpu.memory_space<semaphore_mem>>
        tpu.enqueue_indirect_dma source(%dma_start3A_520 : memref<80x128xf32, #tpu.memory_space<vmem>>) target(%dma_start3A_526 : memref<10000x128xf32, #tpu.memory_space<vmem_shared>>) offsets(%dma_start3A_523 : memref<80xi32, #tpu.memory_space<vmem>>) semaphore(%dma_start3A_528 : memref<!tpu.dma_semaphore, #tpu.memory_space<semaphore_mem>>) {add = true}
        %dma_start3A_529 = arith.constant 3 : i32
        %dma_start3A_530 = arith.constant 3 : i32
        %dma_start3A_531 = arith.constant 0 : i32
        %dma_start3A_532 = tpu.memref_slice %arg14[%dma_start3A_529, %dma_start3A_531] : memref<4x80xi32, #tpu.memory_space<vmem>> -> memref<1x80xi32, #tpu.memory_space<vmem>>
        %dma_start3A_533 = tpu.memref_squeeze %dma_start3A_532 : memref<1x80xi32, #tpu.memory_space<vmem>> -> memref<80xi32, #tpu.memory_space<vmem>>
        %dma_start3A_534 = arith.constant 0 : i32
        %dma_start3A_535 = tpu.memref_slice %arg12[%dma_start3A_534] : memref<10240xf32, #tpu.memory_space<vmem_shared>> -> memref<10240xf32, #tpu.memory_space<vmem_shared>>
        %dma_start3A_536 = tpu.memref_slice %arg19[%dma_start3A_530] : memref<4x!tpu.dma_semaphore, #tpu.memory_space<semaphore_mem>> -> memref<1x!tpu.dma_semaphore, #tpu.memory_space<semaphore_mem>>
        %dma_start3A_537 = tpu.memref_squeeze %dma_start3A_536 : memref<1x!tpu.dma_semaphore, #tpu.memory_space<semaphore_mem>> -> memref<!tpu.dma_semaphore, #tpu.memory_space<semaphore_mem>>
        tpu.enqueue_indirect_dma source(%arg16 : memref<80xf32, #tpu.memory_space<vmem>>) target(%dma_start3A_535 : memref<10240xf32, #tpu.memory_space<vmem_shared>>) offsets(%dma_start3A_533 : memref<80xi32, #tpu.memory_space<vmem>>) semaphore(%dma_start3A_537 : memref<!tpu.dma_semaphore, #tpu.memory_space<semaphore_mem>>) {add = true}
      }
      %scan3A_123 = arith.constant 62 : i32
      %dma_wait3A = arith.constant 2 : i32
      %dma_wait3A_124 = arith.constant 2 : i32
      %dma_wait3A_125 = arith.constant 2 : i32
      %dma_wait3A_126 = arith.constant 0 : i32
      %dma_wait3A_127 = arith.constant 0 : i32
      %dma_wait3A_128 = tpu.memref_slice %arg15[%dma_wait3A, %dma_wait3A_126, %dma_wait3A_127] : memref<4x80x128xf32, #tpu.memory_space<vmem>> -> memref<1x80x128xf32, #tpu.memory_space<vmem>>
      %dma_wait3A_129 = tpu.memref_squeeze %dma_wait3A_128 : memref<1x80x128xf32, #tpu.memory_space<vmem>> -> memref<80x128xf32, #tpu.memory_space<vmem>>
      %dma_wait3A_130 = arith.constant 0 : i32
      %dma_wait3A_131 = tpu.memref_slice %arg14[%dma_wait3A_124, %dma_wait3A_130] : memref<4x80xi32, #tpu.memory_space<vmem>> -> memref<1x80xi32, #tpu.memory_space<vmem>>
      %dma_wait3A_132 = tpu.memref_squeeze %dma_wait3A_131 : memref<1x80xi32, #tpu.memory_space<vmem>> -> memref<80xi32, #tpu.memory_space<vmem>>
      %dma_wait3A_133 = arith.constant 0 : i32
      %dma_wait3A_134 = arith.constant 0 : i32
      %dma_wait3A_135 = tpu.memref_slice %arg11[%dma_wait3A_133, %dma_wait3A_134] : memref<10000x128xf32, #tpu.memory_space<vmem_shared>> -> memref<10000x128xf32, #tpu.memory_space<vmem_shared>>
      %dma_wait3A_136 = tpu.memref_slice %arg19[%dma_wait3A_125] : memref<4x!tpu.dma_semaphore, #tpu.memory_space<semaphore_mem>> -> memref<1x!tpu.dma_semaphore, #tpu.memory_space<semaphore_mem>>
      %dma_wait3A_137 = tpu.memref_squeeze %dma_wait3A_136 : memref<1x!tpu.dma_semaphore, #tpu.memory_space<semaphore_mem>> -> memref<!tpu.dma_semaphore, #tpu.memory_space<semaphore_mem>>
      tpu.wait_indirect_dma semaphore(%dma_wait3A_137 : memref<!tpu.dma_semaphore, #tpu.memory_space<semaphore_mem>>) src(%dma_wait3A_129 : memref<80x128xf32, #tpu.memory_space<vmem>>) dst(%dma_wait3A_135 : memref<10000x128xf32, #tpu.memory_space<vmem_shared>>)
      %dma_wait3A_138 = arith.constant 2 : i32
      %dma_wait3A_139 = arith.constant 2 : i32
      %dma_wait3A_140 = arith.constant 0 : i32
      %dma_wait3A_141 = tpu.memref_slice %arg14[%dma_wait3A_138, %dma_wait3A_140] : memref<4x80xi32, #tpu.memory_space<vmem>> -> memref<1x80xi32, #tpu.memory_space<vmem>>
      %dma_wait3A_142 = tpu.memref_squeeze %dma_wait3A_141 : memref<1x80xi32, #tpu.memory_space<vmem>> -> memref<80xi32, #tpu.memory_space<vmem>>
      %dma_wait3A_143 = arith.constant 0 : i32
      %dma_wait3A_144 = tpu.memref_slice %arg12[%dma_wait3A_143] : memref<10240xf32, #tpu.memory_space<vmem_shared>> -> memref<10240xf32, #tpu.memory_space<vmem_shared>>
      %dma_wait3A_145 = tpu.memref_slice %arg19[%dma_wait3A_139] : memref<4x!tpu.dma_semaphore, #tpu.memory_space<semaphore_mem>> -> memref<1x!tpu.dma_semaphore, #tpu.memory_space<semaphore_mem>>
      %dma_wait3A_146 = tpu.memref_squeeze %dma_wait3A_145 : memref<1x!tpu.dma_semaphore, #tpu.memory_space<semaphore_mem>> -> memref<!tpu.dma_semaphore, #tpu.memory_space<semaphore_mem>>
      tpu.wait_indirect_dma semaphore(%dma_wait3A_146 : memref<!tpu.dma_semaphore, #tpu.memory_space<semaphore_mem>>) src(%arg16 : memref<80xf32, #tpu.memory_space<vmem>>) dst(%dma_wait3A_144 : memref<10240xf32, #tpu.memory_space<vmem_shared>>)
      %dma_wait3A_147 = arith.constant 3 : i32
      %dma_wait3A_148 = arith.constant 3 : i32
      %dma_wait3A_149 = arith.constant 3 : i32
      %dma_wait3A_150 = arith.constant 0 : i32
      %dma_wait3A_151 = arith.constant 0 : i32
      %dma_wait3A_152 = tpu.memref_slice %arg15[%dma_wait3A_147, %dma_wait3A_150, %dma_wait3A_151] : memref<4x80x128xf32, #tpu.memory_space<vmem>> -> memref<1x80x128xf32, #tpu.memory_space<vmem>>
      %dma_wait3A_153 = tpu.memref_squeeze %dma_wait3A_152 : memref<1x80x128xf32, #tpu.memory_space<vmem>> -> memref<80x128xf32, #tpu.memory_space<vmem>>
      %dma_wait3A_154 = arith.constant 0 : i32
      %dma_wait3A_155 = tpu.memref_slice %arg14[%dma_wait3A_148, %dma_wait3A_154] : memref<4x80xi32, #tpu.memory_space<vmem>> -> memref<1x80xi32, #tpu.memory_space<vmem>>
      %dma_wait3A_156 = tpu.memref_squeeze %dma_wait3A_155 : memref<1x80xi32, #tpu.memory_space<vmem>> -> memref<80xi32, #tpu.memory_space<vmem>>
      %dma_wait3A_157 = arith.constant 0 : i32
      %dma_wait3A_158 = arith.constant 0 : i32
      %dma_wait3A_159 = tpu.memref_slice %arg11[%dma_wait3A_157, %dma_wait3A_158] : memref<10000x128xf32, #tpu.memory_space<vmem_shared>> -> memref<10000x128xf32, #tpu.memory_space<vmem_shared>>
      %dma_wait3A_160 = tpu.memref_slice %arg19[%dma_wait3A_149] : memref<4x!tpu.dma_semaphore, #tpu.memory_space<semaphore_mem>> -> memref<1x!tpu.dma_semaphore, #tpu.memory_space<semaphore_mem>>
      %dma_wait3A_161 = tpu.memref_squeeze %dma_wait3A_160 : memref<1x!tpu.dma_semaphore, #tpu.memory_space<semaphore_mem>> -> memref<!tpu.dma_semaphore, #tpu.memory_space<semaphore_mem>>
      tpu.wait_indirect_dma semaphore(%dma_wait3A_161 : memref<!tpu.dma_semaphore, #tpu.memory_space<semaphore_mem>>) src(%dma_wait3A_153 : memref<80x128xf32, #tpu.memory_space<vmem>>) dst(%dma_wait3A_159 : memref<10000x128xf32, #tpu.memory_space<vmem_shared>>)
      %dma_wait3A_162 = arith.constant 3 : i32
      %dma_wait3A_163 = arith.constant 3 : i32
      %dma_wait3A_164 = arith.constant 0 : i32
      %dma_wait3A_165 = tpu.memref_slice %arg14[%dma_wait3A_162, %dma_wait3A_164] : memref<4x80xi32, #tpu.memory_space<vmem>> -> memref<1x80xi32, #tpu.memory_space<vmem>>
      %dma_wait3A_166 = tpu.memref_squeeze %dma_wait3A_165 : memref<1x80xi32, #tpu.memory_space<vmem>> -> memref<80xi32, #tpu.memory_space<vmem>>
      %dma_wait3A_167 = arith.constant 0 : i32
      %dma_wait3A_168 = tpu.memref_slice %arg12[%dma_wait3A_167] : memref<10240xf32, #tpu.memory_space<vmem_shared>> -> memref<10240xf32, #tpu.memory_space<vmem_shared>>
      %dma_wait3A_169 = tpu.memref_slice %arg19[%dma_wait3A_163] : memref<4x!tpu.dma_semaphore, #tpu.memory_space<semaphore_mem>> -> memref<1x!tpu.dma_semaphore, #tpu.memory_space<semaphore_mem>>
      %dma_wait3A_170 = tpu.memref_squeeze %dma_wait3A_169 : memref<1x!tpu.dma_semaphore, #tpu.memory_space<semaphore_mem>> -> memref<!tpu.dma_semaphore, #tpu.memory_space<semaphore_mem>>
      tpu.wait_indirect_dma semaphore(%dma_wait3A_170 : memref<!tpu.dma_semaphore, #tpu.memory_space<semaphore_mem>>) src(%arg16 : memref<80xf32, #tpu.memory_space<vmem>>) dst(%dma_wait3A_168 : memref<10240xf32, #tpu.memory_space<vmem_shared>>)
      %add3A_171 = arith.constant 19840 : i32
      %add3A_172 = arith.addi %mul3A_30, %add3A_171 : i32
      %multiple_of3A_173 = tpu.assume_multiple %add3A_172, 8 : i32
      %run_scoped3A = arith.constant 0 : i32
      "tpu.region"() ({
        %run_scoped3A_186 = tpu.sem_alloc : memref<!tpu.dma_semaphore, #tpu.memory_space<semaphore_mem>>
        %dma_start3A_187 = arith.constant 0 : i32
        %dma_start3A_188 = tpu.memref_slice %arg14[%run_scoped3A, %dma_start3A_187] : memref<4x80xi32, #tpu.memory_space<vmem>> -> memref<1x80xi32, #tpu.memory_space<vmem>>
        %dma_start3A_189 = tpu.memref_squeeze %dma_start3A_188 : memref<1x80xi32, #tpu.memory_space<vmem>> -> memref<80xi32, #tpu.memory_space<vmem>>
        %dma_start3A_190 = tpu.memref_slice %arg4[%multiple_of3A_173] : memref<320000xi32, #tpu.memory_space<hbm>> -> memref<80xi32, #tpu.memory_space<hbm>>
        %dma_start3A_191 = arith.constant 0 : i32
        %dma_start3A_192 = tpu.memref_slice %arg14[%run_scoped3A, %dma_start3A_191] : memref<4x80xi32, #tpu.memory_space<vmem>> -> memref<1x80xi32, #tpu.memory_space<vmem>>
        %dma_start3A_193 = tpu.memref_squeeze %dma_start3A_192 : memref<1x80xi32, #tpu.memory_space<vmem>> -> memref<80xi32, #tpu.memory_space<vmem>>
        %dma_start3A_194 = tpu.memref_slice %arg4[%multiple_of3A_173] : memref<320000xi32, #tpu.memory_space<hbm>> -> memref<80xi32, #tpu.memory_space<hbm>>
        tpu.enqueue_dma source(%dma_start3A_194 : memref<80xi32, #tpu.memory_space<hbm>>) target(%dma_start3A_193 : memref<80xi32, #tpu.memory_space<vmem>>) target_semaphore(%run_scoped3A_186 : memref<!tpu.dma_semaphore, #tpu.memory_space<semaphore_mem>>)
        %dma_wait3A_195 = arith.constant 0 : i32
        %dma_wait3A_196 = tpu.memref_slice %arg14[%run_scoped3A, %dma_wait3A_195] : memref<4x80xi32, #tpu.memory_space<vmem>> -> memref<1x80xi32, #tpu.memory_space<vmem>>
        %dma_wait3A_197 = tpu.memref_squeeze %dma_wait3A_196 : memref<1x80xi32, #tpu.memory_space<vmem>> -> memref<80xi32, #tpu.memory_space<vmem>>
        %dma_wait3A_198 = tpu.memref_slice %arg4[%multiple_of3A_173] : memref<320000xi32, #tpu.memory_space<hbm>> -> memref<80xi32, #tpu.memory_space<hbm>>
        %dma_wait3A_199 = arith.constant 0 : i32
        %dma_wait3A_200 = tpu.memref_slice %arg14[%run_scoped3A, %dma_wait3A_199] : memref<4x80xi32, #tpu.memory_space<vmem>> -> memref<1x80xi32, #tpu.memory_space<vmem>>
        %dma_wait3A_201 = tpu.memref_squeeze %dma_wait3A_200 : memref<1x80xi32, #tpu.memory_space<vmem>> -> memref<80xi32, #tpu.memory_space<vmem>>
        %dma_wait3A_202 = tpu.memref_slice %arg4[%multiple_of3A_173] : memref<320000xi32, #tpu.memory_space<hbm>> -> memref<80xi32, #tpu.memory_space<hbm>>
        tpu.wait_dma2 semaphore(%run_scoped3A_186 : memref<!tpu.dma_semaphore, #tpu.memory_space<semaphore_mem>>) src(%dma_wait3A_202 : memref<80xi32, #tpu.memory_space<hbm>>) dst(%dma_wait3A_201 : memref<80xi32, #tpu.memory_space<vmem>>)
        tpu.yield
      }) : () -> ()
      %run_scoped3A_174 = arith.constant 0 : i32
      "tpu.region"() ({
        %run_scoped3A_186 = tpu.sem_alloc : memref<!tpu.dma_semaphore, #tpu.memory_space<semaphore_mem>>
        %dma_start3A_187 = arith.constant 0 : i32
        %dma_start3A_188 = arith.constant 0 : i32
        %dma_start3A_189 = tpu.memref_slice %arg15[%run_scoped3A_174, %dma_start3A_187, %dma_start3A_188] : memref<4x80x128xf32, #tpu.memory_space<vmem>> -> memref<1x80x128xf32, #tpu.memory_space<vmem>>
        %dma_start3A_190 = tpu.memref_squeeze %dma_start3A_189 : memref<1x80x128xf32, #tpu.memory_space<vmem>> -> memref<80x128xf32, #tpu.memory_space<vmem>>
        %dma_start3A_191 = arith.constant 0 : i32
        %dma_start3A_192 = tpu.memref_slice %arg5[%multiple_of3A_173, %dma_start3A_191] : memref<320000x128xf32, #tpu.memory_space<hbm>> -> memref<80x128xf32, #tpu.memory_space<hbm>>
        %dma_start3A_193 = arith.constant 0 : i32
        %dma_start3A_194 = arith.constant 0 : i32
        %dma_start3A_195 = tpu.memref_slice %arg15[%run_scoped3A_174, %dma_start3A_193, %dma_start3A_194] : memref<4x80x128xf32, #tpu.memory_space<vmem>> -> memref<1x80x128xf32, #tpu.memory_space<vmem>>
        %dma_start3A_196 = tpu.memref_squeeze %dma_start3A_195 : memref<1x80x128xf32, #tpu.memory_space<vmem>> -> memref<80x128xf32, #tpu.memory_space<vmem>>
        %dma_start3A_197 = arith.constant 0 : i32
        %dma_start3A_198 = tpu.memref_slice %arg5[%multiple_of3A_173, %dma_start3A_197] : memref<320000x128xf32, #tpu.memory_space<hbm>> -> memref<80x128xf32, #tpu.memory_space<hbm>>
        tpu.enqueue_dma source(%dma_start3A_198 : memref<80x128xf32, #tpu.memory_space<hbm>>) target(%dma_start3A_196 : memref<80x128xf32, #tpu.memory_space<vmem>>) target_semaphore(%run_scoped3A_186 : memref<!tpu.dma_semaphore, #tpu.memory_space<semaphore_mem>>)
        %dma_wait3A_199 = arith.constant 0 : i32
        %dma_wait3A_200 = arith.constant 0 : i32
        %dma_wait3A_201 = tpu.memref_slice %arg15[%run_scoped3A_174, %dma_wait3A_199, %dma_wait3A_200] : memref<4x80x128xf32, #tpu.memory_space<vmem>> -> memref<1x80x128xf32, #tpu.memory_space<vmem>>
        %dma_wait3A_202 = tpu.memref_squeeze %dma_wait3A_201 : memref<1x80x128xf32, #tpu.memory_space<vmem>> -> memref<80x128xf32, #tpu.memory_space<vmem>>
        %dma_wait3A_203 = arith.constant 0 : i32
        %dma_wait3A_204 = tpu.memref_slice %arg5[%multiple_of3A_173, %dma_wait3A_203] : memref<320000x128xf32, #tpu.memory_space<hbm>> -> memref<80x128xf32, #tpu.memory_space<hbm>>
        %dma_wait3A_205 = arith.constant 0 : i32
        %dma_wait3A_206 = arith.constant 0 : i32
        %dma_wait3A_207 = tpu.memref_slice %arg15[%run_scoped3A_174, %dma_wait3A_205, %dma_wait3A_206] : memref<4x80x128xf32, #tpu.memory_space<vmem>> -> memref<1x80x128xf32, #tpu.memory_space<vmem>>
        %dma_wait3A_208 = tpu.memref_squeeze %dma_wait3A_207 : memref<1x80x128xf32, #tpu.memory_space<vmem>> -> memref<80x128xf32, #tpu.memory_space<vmem>>
        %dma_wait3A_209 = arith.constant 0 : i32
        %dma_wait3A_210 = tpu.memref_slice %arg5[%multiple_of3A_173, %dma_wait3A_209] : memref<320000x128xf32, #tpu.memory_space<hbm>> -> memref<80x128xf32, #tpu.memory_space<hbm>>
        tpu.wait_dma2 semaphore(%run_scoped3A_186 : memref<!tpu.dma_semaphore, #tpu.memory_space<semaphore_mem>>) src(%dma_wait3A_210 : memref<80x128xf32, #tpu.memory_space<hbm>>) dst(%dma_wait3A_208 : memref<80x128xf32, #tpu.memory_space<vmem>>)
        tpu.yield
      }) : () -> ()
      %run_scoped3A_175 = arith.constant 0 : i32
      %run_scoped3A_176 = arith.constant 0 : i32
      "tpu.region"() ({
        %run_scoped3A_186 = tpu.sem_alloc : memref<!tpu.dma_semaphore, #tpu.memory_space<semaphore_mem>>
        %dma_start3A_187 = arith.constant 0 : i32
        %dma_start3A_188 = arith.constant 0 : i32
        %dma_start3A_189 = tpu.memref_slice %arg15[%run_scoped3A_175, %dma_start3A_187, %dma_start3A_188] : memref<4x80x128xf32, #tpu.memory_space<vmem>> -> memref<1x80x128xf32, #tpu.memory_space<vmem>>
        %dma_start3A_190 = tpu.memref_squeeze %dma_start3A_189 : memref<1x80x128xf32, #tpu.memory_space<vmem>> -> memref<80x128xf32, #tpu.memory_space<vmem>>
        %dma_start3A_191 = arith.constant 0 : i32
        %dma_start3A_192 = tpu.memref_slice %arg14[%run_scoped3A_176, %dma_start3A_191] : memref<4x80xi32, #tpu.memory_space<vmem>> -> memref<1x80xi32, #tpu.memory_space<vmem>>
        %dma_start3A_193 = tpu.memref_squeeze %dma_start3A_192 : memref<1x80xi32, #tpu.memory_space<vmem>> -> memref<80xi32, #tpu.memory_space<vmem>>
        %dma_start3A_194 = arith.constant 0 : i32
        %dma_start3A_195 = arith.constant 0 : i32
        %dma_start3A_196 = tpu.memref_slice %arg11[%dma_start3A_194, %dma_start3A_195] : memref<10000x128xf32, #tpu.memory_space<vmem_shared>> -> memref<10000x128xf32, #tpu.memory_space<vmem_shared>>
        tpu.enqueue_indirect_dma source(%dma_start3A_190 : memref<80x128xf32, #tpu.memory_space<vmem>>) target(%dma_start3A_196 : memref<10000x128xf32, #tpu.memory_space<vmem_shared>>) offsets(%dma_start3A_193 : memref<80xi32, #tpu.memory_space<vmem>>) semaphore(%run_scoped3A_186 : memref<!tpu.dma_semaphore, #tpu.memory_space<semaphore_mem>>) {add = true}
        %dma_wait3A_197 = arith.constant 0 : i32
        %dma_wait3A_198 = arith.constant 0 : i32
        %dma_wait3A_199 = tpu.memref_slice %arg15[%run_scoped3A_175, %dma_wait3A_197, %dma_wait3A_198] : memref<4x80x128xf32, #tpu.memory_space<vmem>> -> memref<1x80x128xf32, #tpu.memory_space<vmem>>
        %dma_wait3A_200 = tpu.memref_squeeze %dma_wait3A_199 : memref<1x80x128xf32, #tpu.memory_space<vmem>> -> memref<80x128xf32, #tpu.memory_space<vmem>>
        %dma_wait3A_201 = arith.constant 0 : i32
        %dma_wait3A_202 = tpu.memref_slice %arg14[%run_scoped3A_176, %dma_wait3A_201] : memref<4x80xi32, #tpu.memory_space<vmem>> -> memref<1x80xi32, #tpu.memory_space<vmem>>
        %dma_wait3A_203 = tpu.memref_squeeze %dma_wait3A_202 : memref<1x80xi32, #tpu.memory_space<vmem>> -> memref<80xi32, #tpu.memory_space<vmem>>
        %dma_wait3A_204 = arith.constant 0 : i32
        %dma_wait3A_205 = arith.constant 0 : i32
        %dma_wait3A_206 = tpu.memref_slice %arg11[%dma_wait3A_204, %dma_wait3A_205] : memref<10000x128xf32, #tpu.memory_space<vmem_shared>> -> memref<10000x128xf32, #tpu.memory_space<vmem_shared>>
        tpu.wait_indirect_dma semaphore(%run_scoped3A_186 : memref<!tpu.dma_semaphore, #tpu.memory_space<semaphore_mem>>) src(%dma_wait3A_200 : memref<80x128xf32, #tpu.memory_space<vmem>>) dst(%dma_wait3A_206 : memref<10000x128xf32, #tpu.memory_space<vmem_shared>>)
        tpu.yield
      }) : () -> ()
      %run_scoped3A_177 = arith.constant 0 : i32
      "tpu.region"() ({
        %run_scoped3A_186 = tpu.sem_alloc : memref<!tpu.dma_semaphore, #tpu.memory_space<semaphore_mem>>
        %dma_start3A_187 = arith.constant 0 : i32
        %dma_start3A_188 = tpu.memref_slice %arg14[%run_scoped3A_177, %dma_start3A_187] : memref<4x80xi32, #tpu.memory_space<vmem>> -> memref<1x80xi32, #tpu.memory_space<vmem>>
        %dma_start3A_189 = tpu.memref_squeeze %dma_start3A_188 : memref<1x80xi32, #tpu.memory_space<vmem>> -> memref<80xi32, #tpu.memory_space<vmem>>
        %dma_start3A_190 = arith.constant 0 : i32
        %dma_start3A_191 = tpu.memref_slice %arg12[%dma_start3A_190] : memref<10240xf32, #tpu.memory_space<vmem_shared>> -> memref<10240xf32, #tpu.memory_space<vmem_shared>>
        tpu.enqueue_indirect_dma source(%arg16 : memref<80xf32, #tpu.memory_space<vmem>>) target(%dma_start3A_191 : memref<10240xf32, #tpu.memory_space<vmem_shared>>) offsets(%dma_start3A_189 : memref<80xi32, #tpu.memory_space<vmem>>) semaphore(%run_scoped3A_186 : memref<!tpu.dma_semaphore, #tpu.memory_space<semaphore_mem>>) {add = true}
        %dma_wait3A_192 = arith.constant 0 : i32
        %dma_wait3A_193 = tpu.memref_slice %arg14[%run_scoped3A_177, %dma_wait3A_192] : memref<4x80xi32, #tpu.memory_space<vmem>> -> memref<1x80xi32, #tpu.memory_space<vmem>>
        %dma_wait3A_194 = tpu.memref_squeeze %dma_wait3A_193 : memref<1x80xi32, #tpu.memory_space<vmem>> -> memref<80xi32, #tpu.memory_space<vmem>>
        %dma_wait3A_195 = arith.constant 0 : i32
        %dma_wait3A_196 = tpu.memref_slice %arg12[%dma_wait3A_195] : memref<10240xf32, #tpu.memory_space<vmem_shared>> -> memref<10240xf32, #tpu.memory_space<vmem_shared>>
        tpu.wait_indirect_dma semaphore(%run_scoped3A_186 : memref<!tpu.dma_semaphore, #tpu.memory_space<semaphore_mem>>) src(%arg16 : memref<80xf32, #tpu.memory_space<vmem>>) dst(%dma_wait3A_196 : memref<10240xf32, #tpu.memory_space<vmem_shared>>)
        tpu.yield
      }) : () -> ()
      %add3A_178 = arith.constant 19920 : i32
      %add3A_179 = arith.addi %mul3A_30, %add3A_178 : i32
      %multiple_of3A_180 = tpu.assume_multiple %add3A_179, 8 : i32
      %run_scoped3A_181 = arith.constant 0 : i32
      "tpu.region"() ({
        %run_scoped3A_186 = tpu.sem_alloc : memref<!tpu.dma_semaphore, #tpu.memory_space<semaphore_mem>>
        %dma_start3A_187 = arith.constant 0 : i32
        %dma_start3A_188 = tpu.memref_slice %arg14[%run_scoped3A_181, %dma_start3A_187] : memref<4x80xi32, #tpu.memory_space<vmem>> -> memref<1x80xi32, #tpu.memory_space<vmem>>
        %dma_start3A_189 = tpu.memref_squeeze %dma_start3A_188 : memref<1x80xi32, #tpu.memory_space<vmem>> -> memref<80xi32, #tpu.memory_space<vmem>>
        %dma_start3A_190 = tpu.memref_slice %arg4[%multiple_of3A_180] : memref<320000xi32, #tpu.memory_space<hbm>> -> memref<80xi32, #tpu.memory_space<hbm>>
        %dma_start3A_191 = arith.constant 0 : i32
        %dma_start3A_192 = tpu.memref_slice %arg14[%run_scoped3A_181, %dma_start3A_191] : memref<4x80xi32, #tpu.memory_space<vmem>> -> memref<1x80xi32, #tpu.memory_space<vmem>>
        %dma_start3A_193 = tpu.memref_squeeze %dma_start3A_192 : memref<1x80xi32, #tpu.memory_space<vmem>> -> memref<80xi32, #tpu.memory_space<vmem>>
        %dma_start3A_194 = tpu.memref_slice %arg4[%multiple_of3A_180] : memref<320000xi32, #tpu.memory_space<hbm>> -> memref<80xi32, #tpu.memory_space<hbm>>
        tpu.enqueue_dma source(%dma_start3A_194 : memref<80xi32, #tpu.memory_space<hbm>>) target(%dma_start3A_193 : memref<80xi32, #tpu.memory_space<vmem>>) target_semaphore(%run_scoped3A_186 : memref<!tpu.dma_semaphore, #tpu.memory_space<semaphore_mem>>)
        %dma_wait3A_195 = arith.constant 0 : i32
        %dma_wait3A_196 = tpu.memref_slice %arg14[%run_scoped3A_181, %dma_wait3A_195] : memref<4x80xi32, #tpu.memory_space<vmem>> -> memref<1x80xi32, #tpu.memory_space<vmem>>
        %dma_wait3A_197 = tpu.memref_squeeze %dma_wait3A_196 : memref<1x80xi32, #tpu.memory_space<vmem>> -> memref<80xi32, #tpu.memory_space<vmem>>
        %dma_wait3A_198 = tpu.memref_slice %arg4[%multiple_of3A_180] : memref<320000xi32, #tpu.memory_space<hbm>> -> memref<80xi32, #tpu.memory_space<hbm>>
        %dma_wait3A_199 = arith.constant 0 : i32
        %dma_wait3A_200 = tpu.memref_slice %arg14[%run_scoped3A_181, %dma_wait3A_199] : memref<4x80xi32, #tpu.memory_space<vmem>> -> memref<1x80xi32, #tpu.memory_space<vmem>>
        %dma_wait3A_201 = tpu.memref_squeeze %dma_wait3A_200 : memref<1x80xi32, #tpu.memory_space<vmem>> -> memref<80xi32, #tpu.memory_space<vmem>>
        %dma_wait3A_202 = tpu.memref_slice %arg4[%multiple_of3A_180] : memref<320000xi32, #tpu.memory_space<hbm>> -> memref<80xi32, #tpu.memory_space<hbm>>
        tpu.wait_dma2 semaphore(%run_scoped3A_186 : memref<!tpu.dma_semaphore, #tpu.memory_space<semaphore_mem>>) src(%dma_wait3A_202 : memref<80xi32, #tpu.memory_space<hbm>>) dst(%dma_wait3A_201 : memref<80xi32, #tpu.memory_space<vmem>>)
        tpu.yield
      }) : () -> ()
      %run_scoped3A_182 = arith.constant 0 : i32
      "tpu.region"() ({
        %run_scoped3A_186 = tpu.sem_alloc : memref<!tpu.dma_semaphore, #tpu.memory_space<semaphore_mem>>
        %dma_start3A_187 = arith.constant 0 : i32
        %dma_start3A_188 = arith.constant 0 : i32
        %dma_start3A_189 = tpu.memref_slice %arg15[%run_scoped3A_182, %dma_start3A_187, %dma_start3A_188] : memref<4x80x128xf32, #tpu.memory_space<vmem>> -> memref<1x80x128xf32, #tpu.memory_space<vmem>>
        %dma_start3A_190 = tpu.memref_squeeze %dma_start3A_189 : memref<1x80x128xf32, #tpu.memory_space<vmem>> -> memref<80x128xf32, #tpu.memory_space<vmem>>
        %dma_start3A_191 = arith.constant 0 : i32
        %dma_start3A_192 = tpu.memref_slice %arg5[%multiple_of3A_180, %dma_start3A_191] : memref<320000x128xf32, #tpu.memory_space<hbm>> -> memref<80x128xf32, #tpu.memory_space<hbm>>
        %dma_start3A_193 = arith.constant 0 : i32
        %dma_start3A_194 = arith.constant 0 : i32
        %dma_start3A_195 = tpu.memref_slice %arg15[%run_scoped3A_182, %dma_start3A_193, %dma_start3A_194] : memref<4x80x128xf32, #tpu.memory_space<vmem>> -> memref<1x80x128xf32, #tpu.memory_space<vmem>>
        %dma_start3A_196 = tpu.memref_squeeze %dma_start3A_195 : memref<1x80x128xf32, #tpu.memory_space<vmem>> -> memref<80x128xf32, #tpu.memory_space<vmem>>
        %dma_start3A_197 = arith.constant 0 : i32
        %dma_start3A_198 = tpu.memref_slice %arg5[%multiple_of3A_180, %dma_start3A_197] : memref<320000x128xf32, #tpu.memory_space<hbm>> -> memref<80x128xf32, #tpu.memory_space<hbm>>
        tpu.enqueue_dma source(%dma_start3A_198 : memref<80x128xf32, #tpu.memory_space<hbm>>) target(%dma_start3A_196 : memref<80x128xf32, #tpu.memory_space<vmem>>) target_semaphore(%run_scoped3A_186 : memref<!tpu.dma_semaphore, #tpu.memory_space<semaphore_mem>>)
        %dma_wait3A_199 = arith.constant 0 : i32
        %dma_wait3A_200 = arith.constant 0 : i32
        %dma_wait3A_201 = tpu.memref_slice %arg15[%run_scoped3A_182, %dma_wait3A_199, %dma_wait3A_200] : memref<4x80x128xf32, #tpu.memory_space<vmem>> -> memref<1x80x128xf32, #tpu.memory_space<vmem>>
        %dma_wait3A_202 = tpu.memref_squeeze %dma_wait3A_201 : memref<1x80x128xf32, #tpu.memory_space<vmem>> -> memref<80x128xf32, #tpu.memory_space<vmem>>
        %dma_wait3A_203 = arith.constant 0 : i32
        %dma_wait3A_204 = tpu.memref_slice %arg5[%multiple_of3A_180, %dma_wait3A_203] : memref<320000x128xf32, #tpu.memory_space<hbm>> -> memref<80x128xf32, #tpu.memory_space<hbm>>
        %dma_wait3A_205 = arith.constant 0 : i32
        %dma_wait3A_206 = arith.constant 0 : i32
        %dma_wait3A_207 = tpu.memref_slice %arg15[%run_scoped3A_182, %dma_wait3A_205, %dma_wait3A_206] : memref<4x80x128xf32, #tpu.memory_space<vmem>> -> memref<1x80x128xf32, #tpu.memory_space<vmem>>
        %dma_wait3A_208 = tpu.memref_squeeze %dma_wait3A_207 : memref<1x80x128xf32, #tpu.memory_space<vmem>> -> memref<80x128xf32, #tpu.memory_space<vmem>>
        %dma_wait3A_209 = arith.constant 0 : i32
        %dma_wait3A_210 = tpu.memref_slice %arg5[%multiple_of3A_180, %dma_wait3A_209] : memref<320000x128xf32, #tpu.memory_space<hbm>> -> memref<80x128xf32, #tpu.memory_space<hbm>>
        tpu.wait_dma2 semaphore(%run_scoped3A_186 : memref<!tpu.dma_semaphore, #tpu.memory_space<semaphore_mem>>) src(%dma_wait3A_210 : memref<80x128xf32, #tpu.memory_space<hbm>>) dst(%dma_wait3A_208 : memref<80x128xf32, #tpu.memory_space<vmem>>)
        tpu.yield
      }) : () -> ()
      %run_scoped3A_183 = arith.constant 0 : i32
      %run_scoped3A_184 = arith.constant 0 : i32
      "tpu.region"() ({
        %run_scoped3A_186 = tpu.sem_alloc : memref<!tpu.dma_semaphore, #tpu.memory_space<semaphore_mem>>
        %dma_start3A_187 = arith.constant 0 : i32
        %dma_start3A_188 = arith.constant 0 : i32
        %dma_start3A_189 = tpu.memref_slice %arg15[%run_scoped3A_183, %dma_start3A_187, %dma_start3A_188] : memref<4x80x128xf32, #tpu.memory_space<vmem>> -> memref<1x80x128xf32, #tpu.memory_space<vmem>>
        %dma_start3A_190 = tpu.memref_squeeze %dma_start3A_189 : memref<1x80x128xf32, #tpu.memory_space<vmem>> -> memref<80x128xf32, #tpu.memory_space<vmem>>
        %dma_start3A_191 = arith.constant 0 : i32
        %dma_start3A_192 = tpu.memref_slice %arg14[%run_scoped3A_184, %dma_start3A_191] : memref<4x80xi32, #tpu.memory_space<vmem>> -> memref<1x80xi32, #tpu.memory_space<vmem>>
        %dma_start3A_193 = tpu.memref_squeeze %dma_start3A_192 : memref<1x80xi32, #tpu.memory_space<vmem>> -> memref<80xi32, #tpu.memory_space<vmem>>
        %dma_start3A_194 = arith.constant 0 : i32
        %dma_start3A_195 = arith.constant 0 : i32
        %dma_start3A_196 = tpu.memref_slice %arg11[%dma_start3A_194, %dma_start3A_195] : memref<10000x128xf32, #tpu.memory_space<vmem_shared>> -> memref<10000x128xf32, #tpu.memory_space<vmem_shared>>
        tpu.enqueue_indirect_dma source(%dma_start3A_190 : memref<80x128xf32, #tpu.memory_space<vmem>>) target(%dma_start3A_196 : memref<10000x128xf32, #tpu.memory_space<vmem_shared>>) offsets(%dma_start3A_193 : memref<80xi32, #tpu.memory_space<vmem>>) semaphore(%run_scoped3A_186 : memref<!tpu.dma_semaphore, #tpu.memory_space<semaphore_mem>>) {add = true}
        %dma_wait3A_197 = arith.constant 0 : i32
        %dma_wait3A_198 = arith.constant 0 : i32
        %dma_wait3A_199 = tpu.memref_slice %arg15[%run_scoped3A_183, %dma_wait3A_197, %dma_wait3A_198] : memref<4x80x128xf32, #tpu.memory_space<vmem>> -> memref<1x80x128xf32, #tpu.memory_space<vmem>>
        %dma_wait3A_200 = tpu.memref_squeeze %dma_wait3A_199 : memref<1x80x128xf32, #tpu.memory_space<vmem>> -> memref<80x128xf32, #tpu.memory_space<vmem>>
        %dma_wait3A_201 = arith.constant 0 : i32
        %dma_wait3A_202 = tpu.memref_slice %arg14[%run_scoped3A_184, %dma_wait3A_201] : memref<4x80xi32, #tpu.memory_space<vmem>> -> memref<1x80xi32, #tpu.memory_space<vmem>>
        %dma_wait3A_203 = tpu.memref_squeeze %dma_wait3A_202 : memref<1x80xi32, #tpu.memory_space<vmem>> -> memref<80xi32, #tpu.memory_space<vmem>>
        %dma_wait3A_204 = arith.constant 0 : i32
        %dma_wait3A_205 = arith.constant 0 : i32
        %dma_wait3A_206 = tpu.memref_slice %arg11[%dma_wait3A_204, %dma_wait3A_205] : memref<10000x128xf32, #tpu.memory_space<vmem_shared>> -> memref<10000x128xf32, #tpu.memory_space<vmem_shared>>
        tpu.wait_indirect_dma semaphore(%run_scoped3A_186 : memref<!tpu.dma_semaphore, #tpu.memory_space<semaphore_mem>>) src(%dma_wait3A_200 : memref<80x128xf32, #tpu.memory_space<vmem>>) dst(%dma_wait3A_206 : memref<10000x128xf32, #tpu.memory_space<vmem_shared>>)
        tpu.yield
      }) : () -> ()
      %run_scoped3A_185 = arith.constant 0 : i32
      "tpu.region"() ({
        %run_scoped3A_186 = tpu.sem_alloc : memref<!tpu.dma_semaphore, #tpu.memory_space<semaphore_mem>>
        %dma_start3A_187 = arith.constant 0 : i32
        %dma_start3A_188 = tpu.memref_slice %arg14[%run_scoped3A_185, %dma_start3A_187] : memref<4x80xi32, #tpu.memory_space<vmem>> -> memref<1x80xi32, #tpu.memory_space<vmem>>
        %dma_start3A_189 = tpu.memref_squeeze %dma_start3A_188 : memref<1x80xi32, #tpu.memory_space<vmem>> -> memref<80xi32, #tpu.memory_space<vmem>>
        %dma_start3A_190 = arith.constant 0 : i32
        %dma_start3A_191 = tpu.memref_slice %arg12[%dma_start3A_190] : memref<10240xf32, #tpu.memory_space<vmem_shared>> -> memref<10240xf32, #tpu.memory_space<vmem_shared>>
        tpu.enqueue_indirect_dma source(%arg16 : memref<80xf32, #tpu.memory_space<vmem>>) target(%dma_start3A_191 : memref<10240xf32, #tpu.memory_space<vmem_shared>>) offsets(%dma_start3A_189 : memref<80xi32, #tpu.memory_space<vmem>>) semaphore(%run_scoped3A_186 : memref<!tpu.dma_semaphore, #tpu.memory_space<semaphore_mem>>) {add = true}
        %dma_wait3A_192 = arith.constant 0 : i32
        %dma_wait3A_193 = tpu.memref_slice %arg14[%run_scoped3A_185, %dma_wait3A_192] : memref<4x80xi32, #tpu.memory_space<vmem>> -> memref<1x80xi32, #tpu.memory_space<vmem>>
        %dma_wait3A_194 = tpu.memref_squeeze %dma_wait3A_193 : memref<1x80xi32, #tpu.memory_space<vmem>> -> memref<80xi32, #tpu.memory_space<vmem>>
        %dma_wait3A_195 = arith.constant 0 : i32
        %dma_wait3A_196 = tpu.memref_slice %arg12[%dma_wait3A_195] : memref<10240xf32, #tpu.memory_space<vmem_shared>> -> memref<10240xf32, #tpu.memory_space<vmem_shared>>
        tpu.wait_indirect_dma semaphore(%run_scoped3A_186 : memref<!tpu.dma_semaphore, #tpu.memory_space<semaphore_mem>>) src(%arg16 : memref<80xf32, #tpu.memory_space<vmem>>) dst(%dma_wait3A_196 : memref<10240xf32, #tpu.memory_space<vmem_shared>>)
        tpu.yield
      }) : () -> ()
    } else {
    }
    %barrier3A_40 = arith.constant 0 : index
    tpu.barrier barrier_id(%barrier3A_40)
    %eq3A_41 = arith.constant 0 : i32
    %eq3A_42 = arith.cmpi eq, %arg0, %eq3A_41 : i32
    %lt3A_43 = arith.constant 10 : i32
    %lt3A_44 = arith.cmpi slt, %arg1, %lt3A_43 : i32
    %and3A = arith.andi %eq3A_42, %lt3A_44 : i1
    %convert_element_type3A_45 = arith.extui %and3A : i1 to i32
    %cond3A_46 = arith.constant 0 : i32
    %cond3A_47 = arith.cmpi ne, %convert_element_type3A_45, %cond3A_46 : i32
    scf.if %cond3A_47 {
      %mul3A_56 = arith.constant 1000 : i32
      %mul3A_57 = arith.muli %arg1, %mul3A_56 : i32
      %mul3A_58 = arith.constant 1000 : i32
      %mul3A_59 = arith.muli %arg1, %mul3A_58 : i32
      "tpu.region"() ({
        %run_scoped3A = tpu.sem_alloc : memref<!tpu.dma_semaphore, #tpu.memory_space<semaphore_mem>>
        %dma_start3A = arith.constant 0 : i32
        %dma_start3A_60 = tpu.memref_slice %arg8[%mul3A_59, %dma_start3A] : memref<10000x128xf32, #tpu.memory_space<hbm>> -> memref<1000x128xf32, #tpu.memory_space<hbm>>
        %dma_start3A_61 = arith.constant 0 : i32
        %dma_start3A_62 = tpu.memref_slice %arg11[%mul3A_57, %dma_start3A_61] : memref<10000x128xf32, #tpu.memory_space<vmem_shared>> -> memref<1000x128xf32, #tpu.memory_space<vmem_shared>>
        tpu.enqueue_dma source(%dma_start3A_62 : memref<1000x128xf32, #tpu.memory_space<vmem_shared>>) target(%dma_start3A_60 : memref<1000x128xf32, #tpu.memory_space<hbm>>) target_semaphore(%run_scoped3A : memref<!tpu.dma_semaphore, #tpu.memory_space<semaphore_mem>>)
        %dma_wait3A = arith.constant 0 : i32
        %dma_wait3A_63 = tpu.memref_slice %arg8[%mul3A_59, %dma_wait3A] : memref<10000x128xf32, #tpu.memory_space<hbm>> -> memref<1000x128xf32, #tpu.memory_space<hbm>>
        %dma_wait3A_64 = arith.constant 0 : i32
        %dma_wait3A_65 = tpu.memref_slice %arg11[%mul3A_57, %dma_wait3A_64] : memref<10000x128xf32, #tpu.memory_space<vmem_shared>> -> memref<1000x128xf32, #tpu.memory_space<vmem_shared>>
        tpu.wait_dma2 semaphore(%run_scoped3A : memref<!tpu.dma_semaphore, #tpu.memory_space<semaphore_mem>>) src(%dma_wait3A_65 : memref<1000x128xf32, #tpu.memory_space<vmem_shared>>) dst(%dma_wait3A_63 : memref<1000x128xf32, #tpu.memory_space<hbm>>)
        tpu.yield
      }) : () -> ()
    } else {
    }
    %eq3A_48 = arith.constant 1 : i32
    %eq3A_49 = arith.cmpi eq, %arg0, %eq3A_48 : i32
    %lt3A_50 = arith.constant 10 : i32
    %lt3A_51 = arith.cmpi slt, %arg1, %lt3A_50 : i32
    %and3A_52 = arith.andi %eq3A_49, %lt3A_51 : i1
    %convert_element_type3A_53 = arith.extui %and3A_52 : i1 to i32
    %cond3A_54 = arith.constant 0 : i32
    %cond3A_55 = arith.cmpi ne, %convert_element_type3A_53, %cond3A_54 : i32
    scf.if %cond3A_55 {
      %mul3A_56 = arith.constant 1000 : i32
      %mul3A_57 = arith.muli %arg1, %mul3A_56 : i32
      %mul3A_58 = arith.constant 1000 : i32
      %mul3A_59 = arith.muli %arg1, %mul3A_58 : i32
      "tpu.region"() ({
        %run_scoped3A = tpu.sem_alloc : memref<!tpu.dma_semaphore, #tpu.memory_space<semaphore_mem>>
        %dma_start3A = arith.constant 0 : i32
        %dma_start3A_64 = tpu.memref_slice %arg9[%mul3A_59, %dma_start3A] : memref<10000x128xf32, #tpu.memory_space<hbm>> -> memref<1000x128xf32, #tpu.memory_space<hbm>>
        %dma_start3A_65 = arith.constant 0 : i32
        %dma_start3A_66 = tpu.memref_slice %arg11[%mul3A_57, %dma_start3A_65] : memref<10000x128xf32, #tpu.memory_space<vmem_shared>> -> memref<1000x128xf32, #tpu.memory_space<vmem_shared>>
        tpu.enqueue_dma source(%dma_start3A_66 : memref<1000x128xf32, #tpu.memory_space<vmem_shared>>) target(%dma_start3A_64 : memref<1000x128xf32, #tpu.memory_space<hbm>>) target_semaphore(%run_scoped3A : memref<!tpu.dma_semaphore, #tpu.memory_space<semaphore_mem>>)
        %dma_wait3A = arith.constant 0 : i32
        %dma_wait3A_67 = tpu.memref_slice %arg9[%mul3A_59, %dma_wait3A] : memref<10000x128xf32, #tpu.memory_space<hbm>> -> memref<1000x128xf32, #tpu.memory_space<hbm>>
        %dma_wait3A_68 = arith.constant 0 : i32
        %dma_wait3A_69 = tpu.memref_slice %arg11[%mul3A_57, %dma_wait3A_68] : memref<10000x128xf32, #tpu.memory_space<vmem_shared>> -> memref<1000x128xf32, #tpu.memory_space<vmem_shared>>
        tpu.wait_dma2 semaphore(%run_scoped3A : memref<!tpu.dma_semaphore, #tpu.memory_space<semaphore_mem>>) src(%dma_wait3A_69 : memref<1000x128xf32, #tpu.memory_space<vmem_shared>>) dst(%dma_wait3A_67 : memref<1000x128xf32, #tpu.memory_space<hbm>>)
        tpu.yield
      }) : () -> ()
      %mul3A_60 = arith.constant 1024 : i32
      %mul3A_61 = arith.muli %arg1, %mul3A_60 : i32
      %mul3A_62 = arith.constant 1024 : i32
      %mul3A_63 = arith.muli %arg1, %mul3A_62 : i32
      "tpu.region"() ({
        %run_scoped3A = tpu.sem_alloc : memref<!tpu.dma_semaphore, #tpu.memory_space<semaphore_mem>>
        %dma_start3A = tpu.memref_slice %arg10[%mul3A_63] : memref<10240xf32, #tpu.memory_space<hbm>> -> memref<1024xf32, #tpu.memory_space<hbm>>
        %dma_start3A_64 = tpu.memref_slice %arg12[%mul3A_61] : memref<10240xf32, #tpu.memory_space<vmem_shared>> -> memref<1024xf32, #tpu.memory_space<vmem_shared>>
        tpu.enqueue_dma source(%dma_start3A_64 : memref<1024xf32, #tpu.memory_space<vmem_shared>>) target(%dma_start3A : memref<1024xf32, #tpu.memory_space<hbm>>) target_semaphore(%run_scoped3A : memref<!tpu.dma_semaphore, #tpu.memory_space<semaphore_mem>>)
        %dma_wait3A = tpu.memref_slice %arg10[%mul3A_63] : memref<10240xf32, #tpu.memory_space<hbm>> -> memref<1024xf32, #tpu.memory_space<hbm>>
        %dma_wait3A_65 = tpu.memref_slice %arg12[%mul3A_61] : memref<10240xf32, #tpu.memory_space<vmem_shared>> -> memref<1024xf32, #tpu.memory_space<vmem_shared>>
        tpu.wait_dma2 semaphore(%run_scoped3A : memref<!tpu.dma_semaphore, #tpu.memory_space<semaphore_mem>>) src(%dma_wait3A_65 : memref<1024xf32, #tpu.memory_space<vmem_shared>>) dst(%dma_wait3A : memref<1024xf32, #tpu.memory_space<hbm>>)
        tpu.yield
      }) : () -> ()
    } else {
    }
    return
  }
}

module attributes {stable_mosaic.version = 14 : i64} {
  func.func @_tc_body(%arg0: i32, %arg1: memref<2000x128xf32, #tpu.memory_space<vmem>>, %arg2: memref<2000x128xf32, #tpu.memory_space<vmem>>, %arg3: memref<2000x128xf32, #tpu.memory_space<vmem>>, %arg4: memref<2000x1xf32, #tpu.memory_space<vmem>>, %arg5: memref<128x128xf32, #tpu.memory_space<vmem>>, %arg6: memref<128x128xf32, #tpu.memory_space<vmem>>, %arg7: memref<128x128xf32, #tpu.memory_space<vmem>>, %arg8: memref<1x128xf32, #tpu.memory_space<vmem>>, %arg9: memref<2000x128xf32, #tpu.memory_space<vmem>>) attributes {dimension_semantics = [#tpu.dimension_semantics<arbitrary>], iteration_bounds = array<i64: 5>, scalar_prefetch = 0 : i64, scratch_operands = 0 : i64, tpu.core_type = #tpu.core_type<tc>, window_params = [{transform_indices = @transform_0, window_bounds = array<i64: 2000, 128>}, {transform_indices = @transform_1, window_bounds = array<i64: 2000, 128>}, {transform_indices = @transform_2, window_bounds = array<i64: 2000, 128>}, {transform_indices = @transform_3, window_bounds = array<i64: 2000, 1>}, {pipeline_mode = #tpu.pipeline_mode<synchronous>, transform_indices = @transform_4, window_bounds = array<i64: 128, 128>}, {pipeline_mode = #tpu.pipeline_mode<synchronous>, transform_indices = @transform_5, window_bounds = array<i64: 128, 128>}, {pipeline_mode = #tpu.pipeline_mode<synchronous>, transform_indices = @transform_6, window_bounds = array<i64: 128, 128>}, {pipeline_mode = #tpu.pipeline_mode<synchronous>, transform_indices = @transform_7, window_bounds = array<i64: 1, 128>}, {transform_indices = @transform_8, window_bounds = array<i64: 2000, 128>}]} {
    %get3A = arith.constant 0 : index
    %get3A_0 = arith.constant 0 : index
    %get3A_1 = vector.load %arg2[%get3A, %get3A_0] : memref<2000x128xf32, #tpu.memory_space<vmem>>, vector<2000x128xf32>
    %get3A_2 = arith.constant 0 : index
    %get3A_3 = arith.constant 0 : index
    %get3A_4 = vector.load %arg6[%get3A_2, %get3A_3] : memref<128x128xf32, #tpu.memory_space<vmem>>, vector<128x128xf32>
    %dot_general3A = arith.constant dense<0.000000e+00> : vector<2000x128xf32>
    %dot_general3A_5 = tpu.matmul %get3A_1, %get3A_4, %dot_general3A {dimension_numbers = #tpu.dot_dimension_numbers<[1], [1], [0], [0], [0, 0, 1, 0], [], []>, transpose_lhs_hint = false} : vector<2000x128xf32>, vector<128x128xf32>, vector<2000x128xf32> -> vector<2000x128xf32>
    %get3A_6 = arith.constant 0 : index
    %get3A_7 = arith.constant 0 : index
    %get3A_8 = vector.load %arg3[%get3A_6, %get3A_7] : memref<2000x128xf32, #tpu.memory_space<vmem>>, vector<2000x128xf32>
    %get3A_9 = arith.constant 0 : index
    %get3A_10 = arith.constant 0 : index
    %get3A_11 = vector.load %arg7[%get3A_9, %get3A_10] : memref<128x128xf32, #tpu.memory_space<vmem>>, vector<128x128xf32>
    %dot_general3A_12 = arith.constant dense<0.000000e+00> : vector<2000x128xf32>
    %dot_general3A_13 = tpu.matmul %get3A_8, %get3A_11, %dot_general3A_12 {dimension_numbers = #tpu.dot_dimension_numbers<[1], [1], [0], [0], [0, 0, 1, 0], [], []>, transpose_lhs_hint = false} : vector<2000x128xf32>, vector<128x128xf32>, vector<2000x128xf32> -> vector<2000x128xf32>
    %add3A = arith.addf %dot_general3A_5, %dot_general3A_13 : vector<2000x128xf32>
    %get3A_14 = arith.constant 0 : index
    %get3A_15 = arith.constant 0 : index
    %get3A_16 = vector.load %arg4[%get3A_14, %get3A_15] : memref<2000x1xf32, #tpu.memory_space<vmem>>, vector<2000x1xf32>
    %max3A = arith.constant 1.000000e+00 : f32
    %max3A_17 = vector.broadcast %max3A : f32 to vector<2000x1xf32>
    %max3A_18 = arith.maximumf %get3A_16, %max3A_17 : vector<2000x1xf32>
    %div3A = vector.broadcast %max3A_18 : vector<2000x1xf32> to vector<2000x128xf32>
    %div3A_19 = arith.divf %add3A, %div3A : vector<2000x128xf32>
    %get3A_20 = arith.constant 0 : index
    %get3A_21 = arith.constant 0 : index
    %get3A_22 = vector.load %arg1[%get3A_20, %get3A_21] : memref<2000x128xf32, #tpu.memory_space<vmem>>, vector<2000x128xf32>
    %get3A_23 = arith.constant 0 : index
    %get3A_24 = arith.constant 0 : index
    %get3A_25 = vector.load %arg5[%get3A_23, %get3A_24] : memref<128x128xf32, #tpu.memory_space<vmem>>, vector<128x128xf32>
    %dot_general3A_26 = arith.constant dense<0.000000e+00> : vector<2000x128xf32>
    %dot_general3A_27 = tpu.matmul %get3A_22, %get3A_25, %dot_general3A_26 {dimension_numbers = #tpu.dot_dimension_numbers<[1], [1], [0], [0], [0, 0, 1, 0], [], []>, transpose_lhs_hint = false} : vector<2000x128xf32>, vector<128x128xf32>, vector<2000x128xf32> -> vector<2000x128xf32>
    %get3A_28 = arith.constant 0 : index
    %get3A_29 = arith.constant 0 : index
    %get3A_30 = vector.load %arg8[%get3A_28, %get3A_29] : memref<1x128xf32, #tpu.memory_space<vmem>>, vector<1x128xf32>
    %add3A_31 = vector.broadcast %get3A_30 : vector<1x128xf32> to vector<2000x128xf32>
    %add3A_32 = arith.addf %dot_general3A_27, %add3A_31 : vector<2000x128xf32>
    %add3A_33 = arith.addf %add3A_32, %div3A_19 : vector<2000x128xf32>
    %max3A_34 = arith.constant 0.000000e+00 : f32
    %max3A_35 = vector.broadcast %max3A_34 : f32 to vector<2000x128xf32>
    %max3A_36 = arith.maximumf %add3A_33, %max3A_35 : vector<2000x128xf32>
    %swap3A = arith.constant 0 : index
    %swap3A_37 = arith.constant 0 : index
    %swap3A_38 = vector.load %arg9[%swap3A, %swap3A_37] : memref<2000x128xf32, #tpu.memory_space<vmem>>, vector<2000x128xf32>
    tpu.vector_store %arg9[%swap3A, %swap3A_37], %max3A_36 {strides = array<i32>} : memref<2000x128xf32, #tpu.memory_space<vmem>>, vector<2000x128xf32>,
    return
  }
  func.func @transform_0(%arg0: i32) -> (i32, i32) {
    %c0_i32 = arith.constant 0 : i32
    %c0_i32_0 = arith.constant 0 : i32
    return %arg0, %c0_i32 : i32, i32
  }
  func.func @transform_1(%arg0: i32) -> (i32, i32) {
    %c0_i32 = arith.constant 0 : i32
    %c0_i32_0 = arith.constant 0 : i32
    return %arg0, %c0_i32 : i32, i32
  }
  func.func @transform_2(%arg0: i32) -> (i32, i32) {
    %c0_i32 = arith.constant 0 : i32
    %c0_i32_0 = arith.constant 0 : i32
    return %arg0, %c0_i32 : i32, i32
  }
  func.func @transform_3(%arg0: i32) -> (i32, i32) {
    %c0_i32 = arith.constant 0 : i32
    %c0_i32_0 = arith.constant 0 : i32
    return %arg0, %c0_i32 : i32, i32
  }
  func.func @transform_4(%arg0: i32) -> (i32, i32) {
    %c0_i32 = arith.constant 0 : i32
    %c0_i32_0 = arith.constant 0 : i32
    %c0_i32_1 = arith.constant 0 : i32
    return %c0_i32, %c0_i32_0 : i32, i32
  }
  func.func @transform_5(%arg0: i32) -> (i32, i32) {
    %c0_i32 = arith.constant 0 : i32
    %c0_i32_0 = arith.constant 0 : i32
    %c0_i32_1 = arith.constant 0 : i32
    return %c0_i32, %c0_i32_0 : i32, i32
  }
  func.func @transform_6(%arg0: i32) -> (i32, i32) {
    %c0_i32 = arith.constant 0 : i32
    %c0_i32_0 = arith.constant 0 : i32
    %c0_i32_1 = arith.constant 0 : i32
    return %c0_i32, %c0_i32_0 : i32, i32
  }
  func.func @transform_7(%arg0: i32) -> (i32, i32) {
    %c0_i32 = arith.constant 0 : i32
    %c0_i32_0 = arith.constant 0 : i32
    %c0_i32_1 = arith.constant 0 : i32
    return %c0_i32, %c0_i32_0 : i32, i32
  }
  func.func @transform_8(%arg0: i32) -> (i32, i32) {
    %c0_i32 = arith.constant 0 : i32
    %c0_i32_0 = arith.constant 0 : i32
    return %arg0, %c0_i32 : i32, i32
  }
}

</mosaic_0001>

<sc_bundles>
// kernel: kernel.4.cloned.1.call-start
scs
__scs_entry_jumppad:
0x0: {  	(pc) =	sbr.rel $0x88, $3  }
0x1: {  	(tag) =	ssettag $0x0;
	lr =	simm.s32 $0x1  }
0x2: {  	[smem:$0x3F9A] =	sst lr;
	_ =	strace $0xD0000000  }
0x3: {  	_ = 	snop  }
0x4: {  	_ = 	snop  }
0x5: {  	_ = 	snop  }
0x6: {  	_ = 	snop  }
0x7: {  	_ = 	snop  }
__scs_overlays_trampoline_lowered:
0x8: {  	[smem:$0x3FA9] =	sst s0  }
0x9: {  	[smem:$0x3FAA] =	sst s1  }
0xa: {  	[smem:$0x3FAB] =	sst s2  }
0xb: {  	[smem:$0x3FAC] =	sst s3  }
0xc: {  	[smem:$0x3FAD] =	sst s4  }
0xd: {  	[smem:$0x3FAE] =	sst s5  }
0xe: {  	[smem:$0x3FAF] =	sst s6  }
0xf: {  	[smem:$0x3FB0] =	sst s7  }
0x10: {  	[smem:$0x3FB1] =	sst s8  }
0x11: {  	[smem:$0x3FB2] =	sst s9;
	s0 =	simm.s32 @!p0 $0x0  }
0x12: {  	s1 =	sld [smem:$0x3F98];
	s0 =	simm.s32 @p0 $0x1  }
0x13: {  	[smem:$0x3FB3] =	sst s0;
	s0 =	simm.s32 @!p1 $0x0  }
0x14: {  	s2 =	sld [smem:$0x3F97];
	s0 =	simm.s32 @p1 $0x1  }
0x15: {  	[smem:$0x3FB4] =	sst s0;
	s0 =	simm.s32 @!p2 $0x0  }
0x16: {  	s3 =	sld [smem:$0x3FDB];
	s0 =	simm.s32 @p2 $0x1  }
0x17: {  	s4 =	simm.s32 $0x1BF5;
	[smem:$0x3FB6] =	sst s0  }
0x18: {  	s0 =	sld [smem:$0x3F99];
	_ =	swait.ge [sflag:s4], $0x0  }
0x19: {  	s7 =	sld [smem:$0x3F9A]  }
0x1a: {  	s8 =	sadd.s32 $0xFFFFE003, lr  }
0x1b: {  	s9 =	sadd.s32 $0xFFFFFEF7, lr;
	s5 =	simm.s32 $0xFFFFFFFF;
	p2 =	slt.u32 s8, $0xFFFFF086  }
0x1c: {  	p1 =	slt.u32 s9, $0xF7A;
	s5 =	simm.s32 @!p2 $0x0  }
0x1d: {  	s5 =	simm.s32 @p1 $0x1;
	p0 =	seq.s32 s7, s2  }
0x1e: {  	s7 =	smul.u32 @!p0 $0xF7A, s2;
	p2 =	seq.s32 @!p0 s5, $0x0  }
0x1f: {  	s9 =	smul.u32 $0xF7A, s1;
	s8 =	simm.s32 @!p0 $0x1BF5;
	p2 =	por !p2, p0  }
0x20: {  	[sflag:s8] =	ssyncset.s32 @!p0 $0xFFFFF086;
	s6 =	sadd.s32 @!p0 s3, s7;
	s7 =	simm.s32 @!p0 $0x108  }
0x21: {  	s3 =	sadd.s32 s3, s9;
	s6 =	sadd.s32 @!p0 $0x88, s6;
	s7 =	simm.s32 @p2 $0x1082  }
0x22: {  	[simem:s7], [sflag:s8] =	dma.local @!p0 [hbm:s6], $0xF7A  }
0x23: {  	s9 =	sor.u32 $0xD0000000, s2;
	s6 =	simm.s32 $0x108;
	_ =	swait.ge @!p0 [sflag:s8], $0x0  }
0x24: {  	s3 =	sadd.s32 $0x88, s3;
	s6 =	simm.s32 @!p1 $0x1082;
	[sflag:s4] =	ssyncset.s32 $0xFFFFF086  }
0x25: {  	[simem:s6], [sflag:s4] =	dma.local [hbm:s3], $0xF7A  }
0x26: {  	[smem:$0x3F9A] =	sst s1;
	(tag) =	ssettag s2;
	_ =	strace s9  }
0x27: {  	s1 =	sld [smem:$0x3FAA]  }
0x28: {  	s2 =	sld [smem:$0x3FAB]  }
0x29: {  	s4 =	sld [smem:$0x3FAD]  }
0x2a: {  	p0 =	seq.s32 s5, $0x0;
	s5 =	sld [smem:$0x3FAE]  }
0x2b: {  	s6 =	sld [smem:$0x3FAF]  }
0x2c: {  	s7 =	sld [smem:$0x3FB0]  }
0x2d: {  	s3 =	simm.s32 $0x108;
	s8 =	sld [smem:$0x3FB1]  }
0x2e: {  	s3 =	simm.s32 @!p0 $0x1082;
	s9 =	sld [smem:$0x3FB2]  }
0x2f: {  	lr =	sadd.s32 s0, s3;
	s0 =	sld [smem:$0x3FA9]  }
0x30: {  	s3 =	sld [smem:$0x3FAC]  }
0x31: {  	[smem:$0x3FB5] =	sst s10  }
0x32: {  	s10 =	sld [smem:$0x3FB3];
	_ =	sdelay $0x3  }
0x33: {  	p0 =	seq.s32 s10, $0x1;
	s10 =	sld [smem:$0x3FB5];
	_ =	sdelay $0x3  }
0x34: {  	[smem:$0x3FB5] =	sst s10  }
0x35: {  	s10 =	sld [smem:$0x3FB4];
	_ =	sdelay $0x3  }
0x36: {  	p1 =	seq.s32 s10, $0x1;
	s10 =	sld [smem:$0x3FB5];
	_ =	sdelay $0x3  }
0x37: {  	[smem:$0x3FB5] =	sst s10  }
0x38: {  	s10 =	sld [smem:$0x3FB6]  }
0x39: {  	_ = 	snop;
	(pc) =	sbr.ind lr, $3  }
0x3a: {  	_ = 	snop  }
0x3b: {  	_ = 	snop  }
0x3c: {  	p2 =	seq.s32 s10, $0x1;
	s10 =	sld [smem:$0x3FB5]  }
0x3d: {  	_ =	shalt  }
0x3e: {  	_ =	shalt  }
0x3f: {  	_ =	shalt  }
0x40: {  	_ =	shalt  }
0x41: {  	_ =	shalt  }
0x42: {  	_ =	shalt  }
0x43: {  	_ =	shalt  }
0x44: {  	_ =	shalt  }
0x45: {  	_ =	shalt  }
0x46: {  	_ =	shalt  }
0x47: {  	_ =	shalt  }
0x48: {  	_ =	shalt  }
0x49: {  	_ =	shalt  }
0x4a: {  	_ =	shalt  }
0x4b: {  	_ =	shalt  }
0x4c: {  	_ =	shalt  }
0x4d: {  	_ =	shalt  }
0x4e: {  	_ =	shalt  }
0x4f: {  	_ =	shalt  }
0x50: {  	_ =	shalt  }
0x51: {  	_ =	shalt  }
0x52: {  	_ =	shalt  }
0x53: {  	_ =	shalt  }
0x54: {  	_ =	shalt  }
0x55: {  	_ =	shalt  }
0x56: {  	_ =	shalt  }
0x57: {  	_ =	shalt  }
0x58: {  	_ =	shalt  }
0x59: {  	_ =	shalt  }
0x5a: {  	_ =	shalt  }
0x5b: {  	_ =	shalt  }
0x5c: {  	_ =	shalt  }
0x5d: {  	_ =	shalt  }
0x5e: {  	_ =	shalt  }
0x5f: {  	_ =	shalt  }
0x60: {  	_ =	shalt  }
0x61: {  	_ =	shalt  }
0x62: {  	_ =	shalt  }
0x63: {  	_ =	shalt  }
0x64: {  	_ =	shalt  }
0x65: {  	_ =	shalt  }
0x66: {  	_ =	shalt  }
0x67: {  	_ =	shalt  }
0x68: {  	_ =	shalt  }
0x69: {  	_ =	shalt  }
0x6a: {  	_ =	shalt  }
0x6b: {  	_ =	shalt  }
0x6c: {  	_ =	shalt  }
0x6d: {  	_ =	shalt  }
0x6e: {  	_ =	shalt  }
0x6f: {  	_ =	shalt  }
0x70: {  	_ =	shalt  }
0x71: {  	_ =	shalt  }
0x72: {  	_ =	shalt  }
0x73: {  	_ =	shalt  }
0x74: {  	_ =	shalt  }
0x75: {  	_ =	shalt  }
0x76: {  	_ =	shalt  }
0x77: {  	_ =	shalt  }
0x78: {  	_ =	shalt  }
0x79: {  	_ =	shalt  }
0x7a: {  	_ =	shalt  }
0x7b: {  	_ =	shalt  }
0x7c: {  	_ =	shalt  }
0x7d: {  	_ =	shalt  }
0x7e: {  	_ =	shalt  }
0x7f: {  	_ =	shalt  }
0x80: {  	_ =	shalt  }
0x81: {  	_ =	shalt  }
0x82: {  	_ =	shalt  }
0x83: {  	_ =	shalt  }
0x84: {  	_ =	shalt  }
0x85: {  	_ =	shalt  }
0x86: {  	_ =	shalt  }
0x87: {  	_ =	shalt  }
.Lfunc_end0:
.L_simem_size_0:
called_computation_lowered:
.L_overlay_start_0:
0x88: {  	s2 =	sld [smem:$0x3FD9]  }
0x89: {  	s3 =	sld [smem:$0x3FFE];
	_ =	sdelay $0x1  }
0x8a: {  	s1 =	srdreg.scid  }
0x8b: {  	s0 =	sand.u32 $0x1, s1  }
0x8c: {  	s17 =	sshll.u32 s0, $0xA;
	s2 =	sadd.s32 s3, s2  }
0x8d: {  	s2 =	sadd.s32 s2, s17  }
0x8e: {  	[smem:$0x3FC1] =	sst s2  }
0x8f: {  	_ = 	snop  }
0x90: {  	s2 =	sld [smem:$0x3FC9]  }
0x91: {  	s18 =	sld [smem:$0x3FC7]  }
0x92: {  	s4 =	sld [smem:$0x3FD0];
	(tm) =	ssettm $0x1  }
0x93: {  	s5 =	sld [smem:$0x3FFB];
	_ =	sdelay $0x3  }
0x94: {  	_ =	strace s5  }
0x95: {  	s5 =	sld [smem:$0x3FFC];
	_ =	sdelay $0x3  }
0x96: {  	_ =	strace s5  }
0x97: {  	s5 =	sld [smem:$0x3FFD];
	_ =	sdelay $0x3  }
0x98: {  	_ =	strace s5  }
0x99: {  	_ =	strace $0x8FFFFFFF  }
0x9a: {  	s19 =	sld [smem:$0x3FDB];
	_ =	sdelay $0x1  }
0x9b: {  	s6 =	simm.s32 $_scs_section_size  }
0x9c: {  	s7 =	simm.s32 $_size__tile_overlayer_lowered;
	s8 =	simm.s32 $_tile_overlayer_lowered  }
0x9d: {  	s22 =	simm.s32 $0x1BFF;
	s21 =	sshll.u32 s8, $0x1;
	s5 =	sadd.s32 s6, s19  }
0x9e: {  	s9 =	simm.s32 $0x0;
	s20 =	sshll.u32 s7, $0x1;
	s7 =	sadd.s32 s21, s5  }
0x9f: {  	[timem:s9], [sflag:s22] =	dma.local [hbm:s7], s20  }
0xa0: {  	_ =	swait.ge [sflag:s22], s20  }
0xa1: {  	s6 =	ssub.s32 $0x0, s20;
	[sflag:s22] =	ssyncset.done $0x0  }
0xa2: {  	[sflag:s22] =	ssyncadd.s32 s6;
	_ =	sdelay $0x1  }
0xa3: {  	s23 =	simm.s32 $0x1B8B  }
0xa4: {  	_ =	swait.ge [sflag:s23], $0x1  }
0xa5: {  	[sflag:s23] =	ssyncset.done $0x0  }
0xa6: {  	s25 =	simm.s32 $0x1B8E;
	s24 =	sld [smem:$0x3FFE];
	[sflag:s23] =	ssyncadd.s32 $0xFFFFFFFF  }
0xa7: {  	s26 =	simm.s32 $execute0_lowered;
	[smem:$0x3FD2] =	sst s25  }
0xa8: {  	s7 =	sshll.u32 s26, $0x1;
	_ =	strace $0x80000046;
	[dreg:$0x1] =	wrdreg $0xFFFFFFFF  }
0xa9: {  	s28 =	simm.s32 $_size_execute0_lowered;
	s5 =	sadd.s32 s5, s7;
	[dreg:$0x0] =	wrdreg $0x0  }
0xaa: {  	s7 =	sshll.u32 s28, $0x1;
	[dreg:$0x2] =	wrdreg s5  }
0xab: {  	[dreg:$0x3] =	wrdreg s7  }
0xac: {  	[dreg:$0x4] =	wrdreg $0xC0  }
0xad: {  	_ =	task [dreg:s9], $0x5FFFF  }
0xae: {  	[dreg:$0x1] =	wrdreg $0xFFFFFFFF  }
0xaf: {  	[dreg:$0x0] =	wrdreg $0x60  }
0xb0: {  	[dreg:$0x2] =	wrdreg s2  }
0xb1: {  	[dreg:$0x3] =	wrdreg s24  }
0xb2: {  	[dreg:$0x4] =	wrdreg s18  }
0xb3: {  	[dreg:$0x5] =	wrdreg s4  }
0xb4: {  	[dreg:$0x6] =	wrdreg $0x0  }
0xb5: {  	[dreg:$0x7] =	wrdreg $0x138800  }
0xb6: {  	[dreg:$0x8] =	wrdreg $0x9  }
0xb7: {  	_ =	task.clear_ibuf [dreg:s9], $0x9FFFF;
	_ =	strace $0x90000046  }
0xb8: {  	s29 =	simm.s32 $0x9;
	_ =	strace $0x80000048  }
0xb9: {  	_ =	swait.ge [sflag:s29], $0x1  }
0xba: {  	[sflag:s29] =	ssyncadd.s32 $0xFFFFFFFF  }
0xbb: {  	_ =	strace $0x90000048  }
0xbc: {  	_ =	sfence  }
0xbd: {  	s30 =	sld [smem:$0x0];
	_ =	sdelay $0x2  }
0xbe: {  	s31 =	sshll.u32 s1, $0xD;
	s1 =	sshrl.u32 s1, $0x2  }
0xbf: {  	s3 =	sand.u32 $0x4000, s31;
	s1 =	sadd.s32 s1, s30  }
0xc0: {  	s0 =	sor.u32 s3, s0;
	s1 =	sshll.u32 s1, $0x11  }
0xc1: {  	s0 =	sor.u32 s1, s0  }
0xc2: {  	s0 =	sadd.s32 $0x8F2B, s0  }
0xc3: {  	[sflag:s0] =	ssyncadd.remote.s32 $0x1  }
0xc4: {  	_ =	sfence.sel $0xFFFF  }
0xc5: {  	[dreg:$0x0] =	wrdreg $0xFFFFFFFF;
	(pc) =	sbr.abs _section_cstart, $3  }
0xc6: {  	[dreg:$0x1] =	wrdreg $0xFFFFFFFF  }
0xc7: {  	_ =	task.clear_ibuf [dreg:s9], $0x2FFFF;
	_ =	strace $0x9FFFFFFF  }
0xc8: {  	(tm) =	ssettm $0x7FFFFFFF  }
0xc9: {  	_ =	shalt  }
tec
execute0_lowered:
.L_overlay_start_1:
0x0: {  	(tag) =	ssettag $0x1  }
0x1: {  	s1 =	rddreg [dreg:$0x0]  }
0x2: {  	s0 =	rddreg [dreg:$0x1]  }
0x3: {  	s3 =	rddreg [dreg:$0x2]  }
0x4: {  	s6 =	rddreg [dreg:$0x3]  }
0x5: {  	s2 =	rddreg [dreg:$0x4]  }
0x6: {  	s4 =	rddreg [dreg:$0x5]  }
0x7: {  	s5 =	simm.s32 $0x0;
	s30 =	stileid.u32;
	s7 =	srdreg.scid  }
0x8: {  	s31 =	simm.s32 $0x13D00;
	s28 =	simm.s32 $0x9;
	s29 =	simm.s32 $0x8  }
0x9: {  	[smem:$0x7FF] =	sst s5;
	s7 =	sand.u32 $0x1, s7;
	s8 =	smul.u32 $0x4E20, s30  }
0xa: {  	s9 =	sadd.s32 $0xB200, s0;
	s10 =	smul.u32 $0x3E80, s30;
	s12 =	sadd.s32 $0x1400, s0  }
0xb: {  	s25 =	smul.u32 $0x9C4, s30;
	p3 =	slt.u32 s30, $0xA;
	p4 =	sgt.u32 s30, $0x9  }
0xc: {  	_ =	strace $0x80000047;
	s11 =	ssub.s32 $0x2, s7;
	p2 =	seq.s32 s7, $0x0  }
0xd: {  	p0 =	seq.s32 s7, $0x1;
	p1 =	sne.s32 s7, $0x0;
	s13 =	sshrl.u32 s11, $0x1  }
0xe: {  	s14 =	sshrl.u32 s8, $0x3;
	s15 =	sadd.s32 s10, s0;
	s20 =	sadd.s32 $0x50, s8  }
0xf: {  	s16 =	sadd.s32 $0x4D80, s8;
	s8 =	sadd.s32 $0x4DD0, s8;
	s6 =	sadd.s32 s6, s10  }
0x10: {  	p2 =	por !p2, !p3;
	p3 =	por !p3, !p0;
	s10 =	simm.s32 $0x13E00  }
0x11: {  	s13 =	ssub.s32 s11, s13;
	s18 =	sadd.s32 s9, s14;
	s19 =	sadd.s32 s12, s14  }
0x12: {  	s21 =	sshrl.u32 s20, $0x3;
	s17 =	sshrl.u32 s16, $0x3;
	[dreg:$0x10] =	wrdreg s6  }
0x13: {  	s14 =	sshll.u32 s20, $0x4;
	s23 =	sshll.u32 s16, $0x4;
	[dreg:$0x7] =	wrdreg s18  }
0x14: {  	s24 =	sshll.u32 s8, $0x4;
	s20 =	sadd.s32 s25, s9;
	[dreg:$0x8] =	wrdreg s19  }
0x15: {  	s8 =	sshrl.u32 s8, $0x3;
	s19 =	sadd.s32 s9, s21;
	[dreg:$0x1d] =	wrdreg s20  }
0x16: {  	p2 =	por !p2, !p2;
	s11 =	sadd.s32 s12, s21;
	[dreg:$0x9] =	wrdreg s19  }
0x17: {  	p3 =	por !p3, !p3;
	s22 =	sadd.s32 s9, s17;
	[dreg:$0xa] =	wrdreg s11  }
0x18: {  	s18 =	smul.u32 $0x4E200, s30;
	s14 =	sadd.s32 s3, s14;
	[dreg:$0xb] =	wrdreg s22  }
0x19: {  	s26 =	sadd.s32 s12, s17;
	s16 =	sadd.s32 s12, s8;
	[dreg:$0xc] =	wrdreg s14  }
0x1a: {  	s17 =	smul.u32 $0x7D000, s30;
	s21 =	sadd.s32 $0x15200, s0;
	[dreg:$0xf] =	wrdreg s26  }
0x1b: {  	s14 =	sadd.s32 s3, s23;
	[dreg:$0x12] =	wrdreg s16;
	s19 =	sadd.s32 s25, s12  }
0x1c: {  	[dreg:$0x13] =	wrdreg s21;
	s22 =	sshll.u32 s30, $0xA;
	s23 =	sadd.s32 $0x19800, s15  }
0x1d: {  	s25 =	smax.u32 s13, $0x1;
	s13 =	simm.s32 $0x13E80;
	s16 =	simm.s32 $0x3  }
0x1e: {  	s21 =	simm.s32 $0x4;
	s15 =	simm.s32 $0x0;
	s11 =	sadd.s32 s3, s18  }
0x1f: {  	[dreg:$0xd] =	wrdreg s14;
	s3 =	sadd.s32 s3, s24;
	s14 =	sadd.s32 s9, s8  }
0x20: {  	s18 =	sshll.u32 s30, $0x7;
	s12 =	sadd.s32 s22, s4;
	[dreg:$0x17] =	wrdreg s23  }
0x21: {  	[dreg:$0x19] =	wrdreg s25;
	s26 =	sadd.s32 $0x1E, s19;
	s4 =	simm.s32 $0x13C00  }
0x22: {  	s9 =	simm.s32 $0x2;
	s22 =	simm.s32 $0x18F00;
	[dreg:$0xe] =	wrdreg s3  }
0x23: {  	s23 =	simm.s32 $0x1B700;
	s25 =	simm.s32 $0x5;
	[dreg:$0x11] =	wrdreg s14  }
0x24: {  	s6 =	sadd.s32 s18, s0;
	s3 =	sshrl.u32 s17, $0x2;
	[dreg:$0x1a] =	wrdreg s26  }
.Ltmp0:
0x25: {  	s0 =	sadd.s32 $0x15000, s0;
	[dreg:$0x16] =	wrdreg s12;
	(pc) =	sbr.rel .LBB2_1-.Ltmp0, $4  }
0x26: {  	s14 =	simm.s32 $0x1;
	s17 =	simm.s32 $0x50;
	[dreg:$0x1b] =	wrdreg s11  }
0x27: {  	s18 =	simm.s32 $0x16700;
	[dreg:$0x14] =	wrdreg s0;
	s24 =	sadd.s32 $0x19200, s6  }
0x28: {  	s26 =	simm.s32 $0x6;
	s7 =	sadd.s32 s3, s2;
	[dreg:$0x18] =	wrdreg s24  }
0x29: {  	v0 =	vimm.f32 $1.000000000e+00;
	s3 =	simm.s32 $0xA;
	s24 =	simm.s32 $0x7;
	[dreg:$0x15] =	wrdreg s7  }
.LBB2_8:
0x2a: {  	[sflag:s29] =	ssyncadd.s32 $0xFFFFD800  }
0x2b: {  	[spmem:s2] =	stream.indirect.scatter.add.f32 [tilespmem:s23], [sflag:$0xC], $0x80, s13, s17, $0xb8;
	[tilespmem:$0x1DF80] =	vst v63  }
0x2c: {  	s12 =	simm.s32 $0x1DF00;
	s1 =	simm.s32 @!p6 $0xB  }
0x2d: {  	[spmem:s15] =	stream.indirect.scatter.add.f32 [tilespmem:s12], [sflag:$0xC], $0x1, s13, s17, $0xb8;
	[tilespmem:$0x1DF80] =	vst v63  }
0x2e: {  	_ =	swait.ge @!p6 [sflag:s1], $0x2800  }
0x2f: {  	[sflag:s1] =	ssyncset.done @!p6 $0x0  }
0x30: {  	[sflag:s1] =	ssyncadd.s32 @!p6 $0xFFFFD800  }
0x31: {  	_ =	swait.ge @!p6 [sflag:s1], $0x50  }
0x32: {  	[sflag:s1] =	ssyncset.done @!p6 $0x0  }
0x33: {  	s6 =	simm.s32 @!p6 $0xC;
	[sflag:s1] =	ssyncadd.s32 @!p6 $0xFFFFFFB0  }
0x34: {  	_ =	swait.ge @!p6 [sflag:s6], $0x2800  }
0x35: {  	[sflag:s6] =	ssyncset.done @!p6 $0x0  }
0x36: {  	[sflag:s6] =	ssyncadd.s32 @!p6 $0xFFFFD800  }
0x37: {  	_ =	swait.ge @!p6 [sflag:s6], $0x50  }
0x38: {  	s1 =	sadd.s32 $0x28, s30;
	[sflag:s6] =	ssyncset.done @!p6 $0x0  }
0x39: {  	s8 =	sadd.s32 s0, s11;
	s7 =	sadd.s32 $0xFFFFFFF6, s1;
	[sflag:s6] =	ssyncadd.s32 @!p6 $0xFFFFFFB0  }
0x3a: {  	[tilespmem:s10], [sflag:$0x3] =	stream.linear.gather [hbm4b:s7+s5], $0x50, $0x38;
	[tilespmem:$0x1DF80] =	vst v63  }
0x3b: {  	s7 =	sadd.s32 $0xA00, s8  }
0x3c: {  	[tilespmem:s22], [sflag:$0x7] =	stream.linear.gather [hbm4b:s7+s5], $0x2800, $0x38;
	[tilespmem:$0x1DF80] =	vst v63  }
0x3d: {  	_ = 	snop  }
0x3e: {  	[tilespmem:s13], [sflag:$0x4] =	stream.linear.gather [hbm4b:s1+s5], $0x50, $0x38;
	[tilespmem:$0x1DF80] =	vst v63  }
0x3f: {  	s20 =	sadd.s32 $0xF00, s8  }
0x40: {  	[tilespmem:s23], [sflag:$0x8] =	stream.linear.gather [hbm4b:s20+s5], $0x2800, $0x38;
	[tilespmem:$0x1DF80] =	vst v63  }
0x41: {  	_ =	swait.ge [sflag:s14], $0x50  }
0x42: {  	[sflag:s14] =	ssyncset.done $0x0  }
0x43: {  	[sflag:s14] =	ssyncadd.s32 $0xFFFFFFB0  }
0x44: {  	_ =	swait.ge [sflag:s25], $0x2800  }
0x45: {  	[sflag:s25] =	ssyncset.done $0x0  }
0x46: {  	s20 =	simm.s32 $0x13F00;
	[sflag:s25] =	ssyncadd.s32 $0xFFFFD800  }
0x47: {  	[spmem:s2] =	stream.indirect.scatter.add.f32 [tilespmem:s20], [sflag:$0x9], $0x80, s31, s17, $0xb8;
	[tilespmem:$0x1DF80] =	vst v63  }
0x48: {  	_ = 	snop  }
0x49: {  	[spmem:s15] =	stream.indirect.scatter.add.f32 [tilespmem:s12], [sflag:$0x9], $0x1, s31, s17, $0xb8;
	[tilespmem:$0x1DF80] =	vst v63  }
0x4a: {  	_ =	swait.ge [sflag:s9], $0x50  }
0x4b: {  	[sflag:s9] =	ssyncset.done $0x0  }
0x4c: {  	[sflag:s9] =	ssyncadd.s32 $0xFFFFFFB0  }
0x4d: {  	_ =	swait.ge [sflag:s26], $0x2800  }
0x4e: {  	[sflag:s26] =	ssyncset.done $0x0  }
0x4f: {  	[sflag:s26] =	ssyncadd.s32 $0xFFFFD800  }
0x50: {  	[spmem:s2] =	stream.indirect.scatter.add.f32 [tilespmem:s18], [sflag:$0xA], $0x80, s4, s17, $0xb8;
	[tilespmem:$0x1DF80] =	vst v63  }
0x51: {  	_ = 	snop  }
0x52: {  	[spmem:s15] =	stream.indirect.scatter.add.f32 [tilespmem:s12], [sflag:$0xA], $0x1, s4, s17, $0xb8;
	[tilespmem:$0x1DF80] =	vst v63  }
0x53: {  	_ =	swait.ge [sflag:s28], $0x2800  }
0x54: {  	[sflag:s28] =	ssyncset.done $0x0  }
0x55: {  	[sflag:s28] =	ssyncadd.s32 $0xFFFFD800  }
0x56: {  	_ =	swait.ge [sflag:s28], $0x50  }
0x57: {  	[sflag:s28] =	ssyncset.done $0x0  }
0x58: {  	[sflag:s28] =	ssyncadd.s32 $0xFFFFFFB0  }
0x59: {  	_ =	swait.ge [sflag:s3], $0x2800  }
0x5a: {  	[sflag:s3] =	ssyncset.done $0x0  }
0x5b: {  	[sflag:s3] =	ssyncadd.s32 $0xFFFFD800  }
0x5c: {  	p5 =	seq.s32 s0, $0x4C400;
	_ =	swait.ge [sflag:s3], $0x50  }
0x5d: {  	s0 =	sadd.s32 @!p5 s0, s11;
	s6 =	sadd.s32 @!p5 $0xA, s1;
	[sflag:s3] =	ssyncset.done $0x0  }
0x5e: {  	s8 =	simm.s32 @!p5 $0x13D00;
	s7 =	simm.s32 @!p5 $0x0;
	[sflag:s3] =	ssyncadd.s32 $0xFFFFFFB0  }
0x5f: {  	[tilespmem:s8], [sflag:$0x1] =	stream.linear.gather @!p5 [hbm4b:s6+s7], $0x50, $0x38;
	[tilespmem:$0x1DF80] =	vst v63  }
0x60: {  	s6 =	sadd.s32 @!p5 $0x1400, s0;
	s8 =	simm.s32 @!p5 $0x13F00  }
0x61: {  	[tilespmem:s8], [sflag:$0x5] =	stream.linear.gather @!p5 [hbm4b:s6+s7], $0x2800, $0x38;
	[tilespmem:$0x1DF80] =	vst v63  }
0x62: {  	s1 =	sadd.s32 @!p5 $0x14, s1;
	s6 =	simm.s32 @!p5 $0x13D80  }
0x63: {  	[tilespmem:s6], [sflag:$0x2] =	stream.linear.gather @!p5 [hbm4b:s1+s7], $0x50, $0x38;
	[tilespmem:$0x1DF80] =	vst v63  }
0x64: {  	s0 =	sadd.s32 @!p5 $0x1900, s0;
	s1 =	simm.s32 @!p5 $0x16700  }
0x65: {  	[tilespmem:s1], [sflag:$0x6] =	stream.linear.gather @!p5 [hbm4b:s0+s7], $0x2800, $0x38;
	[tilespmem:$0x1DF80] =	vst v63  }
0x66: {  	_ =	swait.ge [sflag:s16], $0x50  }
0x67: {  	[sflag:s16] =	ssyncset.done $0x0  }
0x68: {  	[sflag:s16] =	ssyncadd.s32 $0xFFFFFFB0  }
0x69: {  	_ =	swait.ge [sflag:s24], $0x2800  }
0x6a: {  	[sflag:s24] =	ssyncset.done $0x0  }
0x6b: {  	[sflag:s24] =	ssyncadd.s32 $0xFFFFD800  }
0x6c: {  	[spmem:s2] =	stream.indirect.scatter.add.f32 [tilespmem:s22], [sflag:$0xB], $0x80, s10, s17, $0xb8;
	[tilespmem:$0x1DF80] =	vst v63  }
0x6d: {  	_ = 	snop  }
0x6e: {  	[spmem:s15] =	stream.indirect.scatter.add.f32 [tilespmem:s12], [sflag:$0xB], $0x1, s10, s17, $0xb8;
	[tilespmem:$0x1DF80] =	vst v63  }
0x6f: {  	_ =	swait.ge [sflag:s21], $0x50  }
0x70: {  	[sflag:s21] =	ssyncset.done $0x0  }
0x71: {  	[sflag:s21] =	ssyncadd.s32 $0xFFFFFFB0  }
0x72: {  	_ =	swait.ge [sflag:s29], $0x2800  }
0x73: {  	[sflag:s29] =	ssyncset.done $0x0  }
0x74: {  	[sflag:s29] =	ssyncadd.s32 $0xFFFFD800  }
0x75: {  	[spmem:s2] =	stream.indirect.scatter.add.f32 [tilespmem:s23], [sflag:$0xC], $0x80, s13, s17, $0xb8;
	[tilespmem:$0x1DF80] =	vst v63  }
0x76: {  	s7 =	simm.s32 $0xB  }
0x77: {  	[spmem:s15] =	stream.indirect.scatter.add.f32 [tilespmem:s12], [sflag:$0xC], $0x1, s13, s17, $0xb8;
	[tilespmem:$0x1DF80] =	vst v63  }
0x78: {  	_ =	swait.ge [sflag:s7], $0x2800  }
0x79: {  	[sflag:s7] =	ssyncset.done $0x0  }
0x7a: {  	[sflag:s7] =	ssyncadd.s32 $0xFFFFD800  }
0x7b: {  	_ =	swait.ge [sflag:s7], $0x50  }
0x7c: {  	[sflag:s7] =	ssyncset.done $0x0  }
0x7d: {  	s8 =	simm.s32 $0xC;
	[sflag:s7] =	ssyncadd.s32 $0xFFFFFFB0  }
0x7e: {  	_ =	swait.ge [sflag:s8], $0x2800  }
0x7f: {  	[sflag:s8] =	ssyncset.done $0x0  }
0x80: {  	[sflag:s8] =	ssyncadd.s32 $0xFFFFD800  }
0x81: {  	_ =	swait.ge [sflag:s8], $0x50  }
0x82: {  	[sflag:s8] =	ssyncset.done $0x0  }
0x83: {  	s4 =	simm.s32 $0xD;
	s1 =	rddreg [dreg:$0xf];
	[sflag:s8] =	ssyncadd.s32 $0xFFFFFFB0  }
0x84: {  	[tilespmem:s31], [sflag:$0xD] =	stream.linear.gather [hbm4b:s1+s5], $0x50, $0x38;
	[tilespmem:$0x1DF80] =	vst v63  }
0x85: {  	_ =	swait.ge [sflag:s4], $0x50  }
0x86: {  	[sflag:s4] =	ssyncset.done $0x0  }
0x87: {  	s6 =	rddreg [dreg:$0xd];
	[sflag:s4] =	ssyncadd.s32 $0xFFFFFFB0  }
0x88: {  	[tilespmem:s20], [sflag:$0xD] =	stream.linear.gather [hbm4b:s6+s5], $0x2800, $0x38;
	[tilespmem:$0x1DF80] =	vst v63  }
0x89: {  	_ =	swait.ge [sflag:s4], $0x2800  }
0x8a: {  	[sflag:s4] =	ssyncset.done $0x0  }
0x8b: {  	[sflag:s4] =	ssyncadd.s32 $0xFFFFD800  }
0x8c: {  	[spmem:s2] =	stream.indirect.scatter.add.f32 [tilespmem:s20], [sflag:$0xD], $0x80, s31, s17, $0xb8;
	[tilespmem:$0x1DF80] =	vst v63  }
0x8d: {  	_ =	swait.ge [sflag:s4], $0x2800  }
0x8e: {  	[sflag:s4] =	ssyncset.done $0x0  }
0x8f: {  	[sflag:s4] =	ssyncadd.s32 $0xFFFFD800  }
0x90: {  	[spmem:s15] =	stream.indirect.scatter.add.f32 [tilespmem:s12], [sflag:$0xD], $0x1, s31, s17, $0xb8;
	[tilespmem:$0x1DF80] =	vst v63  }
0x91: {  	_ =	swait.ge [sflag:s4], $0x50  }
0x92: {  	[sflag:s4] =	ssyncset.done $0x0  }
0x93: {  	s7 =	rddreg [dreg:$0x12];
	[sflag:s4] =	ssyncadd.s32 $0xFFFFFFB0  }
0x94: {  	[tilespmem:s31], [sflag:$0xD] =	stream.linear.gather [hbm4b:s7+s5], $0x50, $0x38;
	[tilespmem:$0x1DF80] =	vst v63  }
0x95: {  	_ =	swait.ge [sflag:s4], $0x50  }
0x96: {  	[sflag:s4] =	ssyncset.done $0x0  }
0x97: {  	s8 =	rddreg [dreg:$0xe];
	[sflag:s4] =	ssyncadd.s32 $0xFFFFFFB0  }
0x98: {  	[tilespmem:s20], [sflag:$0xD] =	stream.linear.gather [hbm4b:s8+s5], $0x2800, $0x38;
	[tilespmem:$0x1DF80] =	vst v63  }
0x99: {  	_ =	swait.ge [sflag:s4], $0x2800  }
0x9a: {  	[sflag:s4] =	ssyncset.done $0x0  }
0x9b: {  	[sflag:s4] =	ssyncadd.s32 $0xFFFFD800  }
0x9c: {  	[spmem:s2] =	stream.indirect.scatter.add.f32 [tilespmem:s20], [sflag:$0xD], $0x80, s31, s17, $0xb8;
	[tilespmem:$0x1DF80] =	vst v63  }
0x9d: {  	_ =	swait.ge [sflag:s4], $0x2800  }
0x9e: {  	[sflag:s4] =	ssyncset.done $0x0  }
0x9f: {  	[sflag:s4] =	ssyncadd.s32 $0xFFFFD800  }
0xa0: {  	[spmem:s15] =	stream.indirect.scatter.add.f32 [tilespmem:s12], [sflag:$0xD], $0x1, s31, s17, $0xb8;
	[tilespmem:$0x1DF80] =	vst v63  }
0xa1: {  	_ =	swait.ge [sflag:s4], $0x50  }
0xa2: {  	s7 =	rddreg [dreg:$0x15]  }
0xa3: {  	s30 =	stileid.u32;
	[sflag:s4] =	ssyncset.done $0x0;
	s15 =	rddreg [dreg:$0x1c]  }
0xa4: {  	s20 =	rddreg [dreg:$0x1d];
	[sflag:s4] =	ssyncadd.s32 $0xFFFFFFB0;
	s4 =	simm.s32 $0x13C00  }
.LBB2_9:
0xa5: {  	s0 =	sshll.u32 @p2 s30, $0x6;
	[bflag:$0x0] =	sbarrier.arrive $0xFFFF  }
0xa6: {  	s1 =	sshrl.u32 @p2 s7, $0x3;
	s0 =	sor.u32 @p2 $0x1C0D, s0;
	s6 =	rddreg [dreg:$0x10]  }
0xa7: {  	[hbm:s6], [sflag:s0] =	dma.local @p2 [spmem:s1], $0x3E80  }
0xa8: {  	s0 =	simm.s32 @p2 $0xD  }
0xa9: {  	_ =	swait.ge @p2 [sflag:s0], $0x3E80  }
0xaa: {  	s1 =	sshll.u32 @p3 s30, $0x6;
	[sflag:s0] =	ssyncset.done @p2 $0x0;
	s6 =	rddreg [dreg:$0x17]  }
0xab: {  	[sflag:s0] =	ssyncadd.s32 @p2 $0xFFFFC180;
	s0 =	sor.u32 @p3 $0x1C0D, s1;
	s1 =	sshrl.u32 @p3 s7, $0x3  }
0xac: {  	[hbm:s6], [sflag:s0] =	dma.local @p3 [spmem:s1], $0x3E80  }
0xad: {  	s1 =	simm.s32 @p3 $0xD  }
0xae: {  	_ =	swait.ge @p3 [sflag:s1], $0x3E80  }
0xaf: {  	[sflag:s1] =	ssyncset.done @p3 $0x0;
	s12 =	rddreg [dreg:$0x16]  }
0xb0: {  	s8 =	rddreg [dreg:$0x18];
	[sflag:s1] =	ssyncadd.s32 @p3 $0xFFFFC180;
	s6 =	sshrl.u32 @p3 s12, $0x3  }
0xb1: {  	[hbm:s8], [sflag:s0] =	dma.local @p3 [spmem:s6], $0x80  }
0xb2: {  	_ =	swait.ge @p3 [sflag:s1], $0x80  }
0xb3: {  	s15 =	sadd.s32 $0x1, s15;
	s8 =	rddreg [dreg:$0x19]  }
0xb4: {  	p5 =	sne.s32 s15, s8  }
.Ltmp1:
0xb5: {  	_ = 	snop;
	(pc) =	sbr.rel @!p5 .LBB2_10-.Ltmp1, $4  }
0xb6: {  	_ = 	snop  }
0xb7: {  	[sflag:s1] =	ssyncset.done @p3 $0x0  }
0xb8: {  	[sflag:s1] =	ssyncadd.s32 @p3 $0xFFFFFF80  }
0xb9: {  	s1 =	rddreg [dreg:$0x0]  }
.LBB2_1:
0xba: {  	[dreg:$0x1c] =	wrdreg s15;
	s0 =	sshll.u32 @!p4 s30, $0x6  }
0xbb: {  	s8 =	sshrl.u32 @!p4 s7, $0x3;
	s6 =	rddreg [dreg:$0x13];
	s0 =	sor.u32 @!p4 $0x1C0D, s0  }
0xbc: {  	[spmem:s8], [sflag:s0] =	dma.local @!p4 [hbm:s6], $0x3E80  }
0xbd: {  	s8 =	simm.s32 @!p4 $0xD  }
0xbe: {  	_ =	swait.ge @!p4 [sflag:s8], $0x3E80  }
0xbf: {  	[sflag:s8] =	ssyncset.done @!p4 $0x0  }
0xc0: {  	s12 =	sshrl.u32 @!p4 s12, $0x3;
	s6 =	rddreg [dreg:$0x14];
	[sflag:s8] =	ssyncadd.s32 @!p4 $0xFFFFC180  }
0xc1: {  	[spmem:s12], [sflag:s0] =	dma.local @!p4 [hbm:s6], $0x80  }
0xc2: {  	_ =	swait.ge @!p4 [sflag:s8], $0x80  }
0xc3: {  	[sflag:s8] =	ssyncset.done @!p4 $0x0  }
0xc4: {  	[sflag:s8] =	ssyncadd.s32 @!p4 $0xFFFFFF80  }
0xc5: {  	[tilespmem:$0x1DF00] =	vst v0  }
0xc6: {  	[tilespmem:$0x1DF10] =	vst v0  }
.Ltmp2:
0xc7: {  	[tilespmem:$0x1DF20] =	vst v0;
	(pc) =	sbr.rel @p1 .LBB2_5-.Ltmp2, $3  }
0xc8: {  	[tilespmem:$0x1DF30] =	vst v0  }
0xc9: {  	[tilespmem:$0x1DF40] =	vst v0  }
0xca: {  	[bflag:$0x0] =	sbarrier.arrive $0xFFFF;
	_ =	sdelay $0x1  }
0xcb: {  	s0 =	simm.s32 $0x0;
	s6 =	rddreg [dreg:$0x7];
	s7 =	simm.s32 $0x13B00  }
0xcc: {  	[tilespmem:s7], [sflag:$0x1] =	stream.linear.gather [hbm4b:s6+s0], $0x50, $0x38;
	[tilespmem:$0x1DF80] =	vst v63  }
0xcd: {  	s8 =	rddreg [dreg:$0x8]  }
0xce: {  	[tilespmem:s31], [sflag:$0x1] =	stream.linear.gather [hbm4b:s8+s0], $0x50, $0x38;
	[tilespmem:$0x1DF80] =	vst v63  }
0xcf: {  	s11 =	rddreg [dreg:$0x9];
	s15 =	simm.s32 $0x13B80  }
0xd0: {  	[tilespmem:s15], [sflag:$0x2] =	stream.linear.gather [hbm4b:s11+s0], $0x50, $0x38;
	[tilespmem:$0x1DF80] =	vst v63  }
0xd1: {  	s12 =	rddreg [dreg:$0xa];
	p5 =	por $0x1, $0x1;
	s8 =	simm.s32 $0x13D80  }
0xd2: {  	[tilespmem:s8], [sflag:$0x2] =	stream.linear.gather [hbm4b:s12+s0], $0x50, $0x38;
	[tilespmem:$0x1DF80] =	vst v63  }
0xd3: {  	s0 =	simm.s32 @!p5 $0xB  }
0xd4: {  	_ =	swait.ge @!p5 [sflag:s0], $0x2800  }
0xd5: {  	[sflag:s0] =	ssyncset.done @!p5 $0x0  }
0xd6: {  	s8 =	simm.s32 @!p5 $0xC;
	[sflag:s0] =	ssyncadd.s32 @!p5 $0xFFFFD800  }
0xd7: {  	_ =	swait.ge @!p5 [sflag:s8], $0x2800  }
0xd8: {  	s18 =	sadd.s32 $0x0, s20;
	[sflag:s8] =	ssyncset.done @!p5 $0x0  }
0xd9: {  	s30 =	sadd.s32 $0x0, s19;
	s12 =	sadd.s32 $0x14, s18;
	[sflag:s8] =	ssyncadd.s32 @!p5 $0xFFFFD800  }
0xda: {  	[tilespmem:s4], [sflag:$0x3] =	stream.linear.gather [hbm4b:s12+s5], $0x50, $0x38;
	[tilespmem:$0x1DF80] =	vst v63  }
0xdb: {  	s22 =	sadd.s32 $0x14, s30  }
0xdc: {  	[tilespmem:s10], [sflag:$0x3] =	stream.linear.gather [hbm4b:s22+s5], $0x50, $0x38;
	[tilespmem:$0x1DF80] =	vst v63  }
0xdd: {  	s11 =	simm.s32 $0x13C80;
	s0 =	sadd.s32 $0x1E, s18  }
0xde: {  	[tilespmem:s11], [sflag:$0x4] =	stream.linear.gather [hbm4b:s0+s5], $0x50, $0x38;
	[tilespmem:$0x1DF80] =	vst v63  }
0xdf: {  	s23 =	sadd.s32 $0x1E, s30  }
0xe0: {  	[tilespmem:s13], [sflag:$0x4] =	stream.linear.gather [hbm4b:s23+s5], $0x50, $0x38;
	[tilespmem:$0x1DF80] =	vst v63  }
0xe1: {  	_ =	swait.ge [sflag:s14], $0x50  }
0xe2: {  	[sflag:s14] =	ssyncset.done $0x0  }
0xe3: {  	[sflag:s14] =	ssyncadd.s32 $0xFFFFFFB0  }
0xe4: {  	_ =	swait.ge [sflag:s14], $0x50  }
0xe5: {  	[sflag:s14] =	ssyncset.done $0x0  }
0xe6: {  	s30 =	simm.s32 $0x13F00;
	[sflag:s14] =	ssyncadd.s32 $0xFFFFFFB0  }
0xe7: {  	[tilespmem:s30], [sflag:$0x5] =	stream.indirect.gather [hbm4b:s1+s17], $0x80, s7, s17, $0xb8;
	[tilespmem:$0x1DF80] =	vst v63  }
0xe8: {  	_ =	swait.ge [sflag:s9], $0x50  }
0xe9: {  	[sflag:s9] =	ssyncset.done $0x0  }
0xea: {  	[sflag:s9] =	ssyncadd.s32 $0xFFFFFFB0  }
0xeb: {  	_ =	swait.ge [sflag:s9], $0x50  }
0xec: {  	[sflag:s9] =	ssyncset.done $0x0  }
0xed: {  	s22 =	simm.s32 $0x16700;
	[sflag:s9] =	ssyncadd.s32 $0xFFFFFFB0  }
0xee: {  	[tilespmem:s22], [sflag:$0x6] =	stream.indirect.gather [hbm4b:s1+s17], $0x80, s15, s17, $0xb8;
	[tilespmem:$0x1DF80] =	vst v63  }
0xef: {  	_ =	swait.ge [sflag:s16], $0x50  }
0xf0: {  	[sflag:s16] =	ssyncset.done $0x0  }
0xf1: {  	[sflag:s16] =	ssyncadd.s32 $0xFFFFFFB0  }
0xf2: {  	_ =	swait.ge [sflag:s16], $0x50  }
0xf3: {  	[sflag:s16] =	ssyncset.done $0x0  }
0xf4: {  	s23 =	simm.s32 $0x18F00;
	[sflag:s16] =	ssyncadd.s32 $0xFFFFFFB0  }
0xf5: {  	[tilespmem:s23], [sflag:$0x7] =	stream.indirect.gather [hbm4b:s1+s17], $0x80, s4, s17, $0xb8;
	[tilespmem:$0x1DF80] =	vst v63  }
0xf6: {  	_ =	swait.ge [sflag:s21], $0x50  }
0xf7: {  	[sflag:s21] =	ssyncset.done $0x0  }
0xf8: {  	[sflag:s21] =	ssyncadd.s32 $0xFFFFFFB0  }
0xf9: {  	_ =	swait.ge [sflag:s21], $0x50  }
0xfa: {  	[sflag:s21] =	ssyncset.done $0x0  }
0xfb: {  	s18 =	simm.s32 $0x1B700;
	[sflag:s21] =	ssyncadd.s32 $0xFFFFFFB0  }
0xfc: {  	[tilespmem:s18], [sflag:$0x8] =	stream.indirect.gather [hbm4b:s1+s17], $0x80, s11, s17, $0xb8;
	[tilespmem:$0x1DF80] =	vst v63  }
0xfd: {  	_ =	swait.ge [sflag:s25], $0x2800  }
0xfe: {  	[sflag:s25] =	ssyncset.done $0x0  }
0xff: {  	[sflag:s25] =	ssyncadd.s32 $0xFFFFD800  }
0x100: {  	[spmem:s2] =	stream.indirect.scatter.add.f32 [tilespmem:s30], [sflag:$0x9], $0x80, s31, s17, $0xb8;
	[tilespmem:$0x1DF80] =	vst v63  }
0x101: {  	_ =	swait.ge [sflag:s26], $0x2800  }
0x102: {  	[sflag:s26] =	ssyncset.done $0x0  }
0x103: {  	s6 =	simm.s32 $0x13D80;
	[sflag:s26] =	ssyncadd.s32 $0xFFFFD800  }
0x104: {  	[spmem:s2] =	stream.indirect.scatter.add.f32 [tilespmem:s22], [sflag:$0xA], $0x80, s6, s17, $0xb8;
	[tilespmem:$0x1DF80] =	vst v63  }
0x105: {  	_ =	swait.ge [sflag:s28], $0x2800  }
0x106: {  	[sflag:s28] =	ssyncset.done $0x0  }
0x107: {  	p5 =	por $0x0, $0x0;
	[sflag:s28] =	ssyncadd.s32 $0xFFFFD800  }
0x108: {  	s8 =	sadd.s32 @!p5 $0x0, s20;
	_ =	swait.ge [sflag:s3], $0x2800  }
0x109: {  	s12 =	sadd.s32 @!p5 $0x28, s8;
	s0 =	sadd.s32 @!p5 $0x0, s19;
	[sflag:s3] =	ssyncset.done $0x0  }
0x10a: {  	s30 =	simm.s32 @!p5 $0x0;
	s6 =	simm.s32 @!p5 $0x13B00;
	[sflag:s3] =	ssyncadd.s32 $0xFFFFD800  }
0x10b: {  	[tilespmem:s6], [sflag:$0x1] =	stream.linear.gather @!p5 [hbm4b:s12+s30], $0x50, $0x38;
	[tilespmem:$0x1DF80] =	vst v63  }
0x10c: {  	s6 =	simm.s32 @!p5 $0x13D00;
	s12 =	sadd.s32 @!p5 $0x28, s0  }
0x10d: {  	[tilespmem:s6], [sflag:$0x1] =	stream.linear.gather @!p5 [hbm4b:s12+s30], $0x50, $0x38;
	[tilespmem:$0x1DF80] =	vst v63  }
0x10e: {  	s8 =	sadd.s32 @!p5 $0x32, s8;
	s12 =	simm.s32 @!p5 $0x13B80  }
0x10f: {  	[tilespmem:s12], [sflag:$0x2] =	stream.linear.gather @!p5 [hbm4b:s8+s30], $0x50, $0x38;
	[tilespmem:$0x1DF80] =	vst v63  }
0x110: {  	s0 =	sadd.s32 @!p5 $0x32, s0;
	s8 =	simm.s32 @!p5 $0x13D80  }
0x111: {  	[tilespmem:s8], [sflag:$0x2] =	stream.linear.gather @!p5 [hbm4b:s0+s30], $0x50, $0x38;
	[tilespmem:$0x1DF80] =	vst v63  }
0x112: {  	_ =	swait.ge [sflag:s24], $0x2800  }
0x113: {  	[sflag:s24] =	ssyncset.done $0x0  }
0x114: {  	p6 =	por $0x0, $0x0;
	[sflag:s24] =	ssyncadd.s32 $0xFFFFD800  }
0x115: {  	[spmem:s2] =	stream.indirect.scatter.add.f32 [tilespmem:s23], [sflag:$0xB], $0x80, s10, s17, $0xb8;
	[tilespmem:$0x1DF80] =	vst v63  }
0x116: {  	s0 =	simm.s32 $0x28;
	s8 =	simm.s32 $0x50;
	_ =	swait.ge [sflag:s29], $0x2800  }
.LBB2_3:
0x117: {  	s12 =	simm.s32 @!p6 $0xB  }
0x118: {  	[sflag:s29] =	ssyncset.done $0x0;
	s30 =	smov.u32 s8;
	s8 =	sadd.s32 $0x28, s8  }
0x119: {  	p5 =	sne.s32 s8, $0x9B0;
	[sflag:s29] =	ssyncadd.s32 $0xFFFFD800  }
0x11a: {  	[spmem:s2] =	stream.indirect.scatter.add.f32 [tilespmem:s18], [sflag:$0xC], $0x80, s13, s17, $0xb8;
	[tilespmem:$0x1DF80] =	vst v63  }
0x11b: {  	_ =	swait.ge @!p6 [sflag:s12], $0x2800  }
0x11c: {  	s6 =	simm.s32 @!p6 $0xC;
	[sflag:s12] =	ssyncset.done @!p6 $0x0  }
0x11d: {  	[sflag:s12] =	ssyncadd.s32 @!p6 $0xFFFFD800  }
0x11e: {  	s12 =	sadd.s32 s0, s20;
	_ =	swait.ge @!p6 [sflag:s6], $0x2800  }
0x11f: {  	s15 =	sadd.s32 s0, s19;
	s31 =	sadd.s32 $0x14, s12;
	[sflag:s6] =	ssyncset.done @!p6 $0x0  }
0x120: {  	[sflag:s6] =	ssyncadd.s32 @!p6 $0xFFFFD800  }
0x121: {  	[tilespmem:s4], [sflag:$0x3] =	stream.linear.gather [hbm4b:s31+s5], $0x50, $0x38;
	[tilespmem:$0x1DF80] =	vst v63  }
0x122: {  	s6 =	sadd.s32 $0x14, s15  }
0x123: {  	[tilespmem:s10], [sflag:$0x3] =	stream.linear.gather [hbm4b:s6+s5], $0x50, $0x38;
	[tilespmem:$0x1DF80] =	vst v63  }
0x124: {  	s6 =	sadd.s32 $0x1E, s12  }
0x125: {  	[tilespmem:s11], [sflag:$0x4] =	stream.linear.gather [hbm4b:s6+s5], $0x50, $0x38;
	[tilespmem:$0x1DF80] =	vst v63  }
0x126: {  	s6 =	sadd.s32 $0x1E, s15  }
0x127: {  	[tilespmem:s13], [sflag:$0x4] =	stream.linear.gather [hbm4b:s6+s5], $0x50, $0x38;
	[tilespmem:$0x1DF80] =	vst v63  }
0x128: {  	_ =	swait.ge [sflag:s14], $0x50  }
0x129: {  	[sflag:s14] =	ssyncset.done $0x0  }
0x12a: {  	[sflag:s14] =	ssyncadd.s32 $0xFFFFFFB0  }
0x12b: {  	_ =	swait.ge [sflag:s14], $0x50  }
0x12c: {  	[sflag:s14] =	ssyncset.done $0x0  }
0x12d: {  	s7 =	simm.s32 $0x13B00;
	s6 =	simm.s32 $0x13F00;
	[sflag:s14] =	ssyncadd.s32 $0xFFFFFFB0  }
0x12e: {  	[tilespmem:s6], [sflag:$0x5] =	stream.indirect.gather [hbm4b:s1+s17], $0x80, s7, s17, $0xb8;
	[tilespmem:$0x1DF80] =	vst v63  }
0x12f: {  	_ =	swait.ge [sflag:s9], $0x50  }
0x130: {  	[sflag:s9] =	ssyncset.done $0x0  }
0x131: {  	[sflag:s9] =	ssyncadd.s32 $0xFFFFFFB0  }
0x132: {  	_ =	swait.ge [sflag:s9], $0x50  }
0x133: {  	[sflag:s9] =	ssyncset.done $0x0  }
0x134: {  	s7 =	simm.s32 $0x13B80;
	[sflag:s9] =	ssyncadd.s32 $0xFFFFFFB0  }
0x135: {  	[tilespmem:s22], [sflag:$0x6] =	stream.indirect.gather [hbm4b:s1+s17], $0x80, s7, s17, $0xb8;
	[tilespmem:$0x1DF80] =	vst v63  }
0x136: {  	_ =	swait.ge [sflag:s16], $0x50  }
0x137: {  	[sflag:s16] =	ssyncset.done $0x0  }
0x138: {  	[sflag:s16] =	ssyncadd.s32 $0xFFFFFFB0  }
0x139: {  	_ =	swait.ge [sflag:s16], $0x50  }
0x13a: {  	[sflag:s16] =	ssyncset.done $0x0  }
0x13b: {  	[sflag:s16] =	ssyncadd.s32 $0xFFFFFFB0  }
0x13c: {  	[tilespmem:s23], [sflag:$0x7] =	stream.indirect.gather [hbm4b:s1+s17], $0x80, s4, s17, $0xb8;
	[tilespmem:$0x1DF80] =	vst v63  }
0x13d: {  	_ =	swait.ge [sflag:s21], $0x50  }
0x13e: {  	[sflag:s21] =	ssyncset.done $0x0  }
0x13f: {  	[sflag:s21] =	ssyncadd.s32 $0xFFFFFFB0  }
0x140: {  	_ =	swait.ge [sflag:s21], $0x50  }
0x141: {  	[sflag:s21] =	ssyncset.done $0x0  }
0x142: {  	[sflag:s21] =	ssyncadd.s32 $0xFFFFFFB0  }
0x143: {  	[tilespmem:s18], [sflag:$0x8] =	stream.indirect.gather [hbm4b:s1+s17], $0x80, s11, s17, $0xb8;
	[tilespmem:$0x1DF80] =	vst v63  }
0x144: {  	_ =	swait.ge [sflag:s25], $0x2800  }
0x145: {  	[sflag:s25] =	ssyncset.done $0x0  }
0x146: {  	s7 =	simm.s32 $0x13D00;
	[sflag:s25] =	ssyncadd.s32 $0xFFFFD800  }
0x147: {  	[spmem:s2] =	stream.indirect.scatter.add.f32 [tilespmem:s6], [sflag:$0x9], $0x80, s7, s17, $0xb8;
	[tilespmem:$0x1DF80] =	vst v63  }
0x148: {  	_ =	swait.ge [sflag:s26], $0x2800  }
0x149: {  	[sflag:s26] =	ssyncset.done $0x0  }
0x14a: {  	s6 =	simm.s32 $0x13D80;
	[sflag:s26] =	ssyncadd.s32 $0xFFFFD800  }
0x14b: {  	[spmem:s2] =	stream.indirect.scatter.add.f32 [tilespmem:s22], [sflag:$0xA], $0x80, s6, s17, $0xb8;
	[tilespmem:$0x1DF80] =	vst v63  }
0x14c: {  	_ =	swait.ge [sflag:s28], $0x2800  }
0x14d: {  	[sflag:s28] =	ssyncset.done $0x0  }
0x14e: {  	p6 =	seq.s32 s0, $0x988;
	[sflag:s28] =	ssyncadd.s32 $0xFFFFD800  }
0x14f: {  	s12 =	simm.s32 @!p6 $0x0;
	s6 =	sadd.s32 @!p6 s0, s20;
	_ =	swait.ge [sflag:s3], $0x2800  }
0x150: {  	s31 =	simm.s32 @!p6 $0x13B00;
	s15 =	sadd.s32 @!p6 $0x28, s6;
	[sflag:s3] =	ssyncset.done $0x0  }
0x151: {  	s7 =	simm.s32 @!p6 $0x13D00;
	s0 =	sadd.s32 @!p6 s0, s19;
	[sflag:s3] =	ssyncadd.s32 $0xFFFFD800  }
0x152: {  	[tilespmem:s31], [sflag:$0x1] =	stream.linear.gather @!p6 [hbm4b:s15+s12], $0x50, $0x38;
	[tilespmem:$0x1DF80] =	vst v63  }
0x153: {  	s6 =	sadd.s32 @!p6 $0x32, s6;
	s15 =	sadd.s32 @!p6 $0x28, s0;
	s31 =	simm.s32 @!p6 $0x13B80  }
0x154: {  	[tilespmem:s7], [sflag:$0x1] =	stream.linear.gather @!p6 [hbm4b:s15+s12], $0x50, $0x38;
	[tilespmem:$0x1DF80] =	vst v63  }
0x155: {  	s7 =	sadd.s32 @!p6 $0x32, s0;
	s15 =	simm.s32 @!p6 $0x13D80;
	s0 =	smov.u32 s30  }
0x156: {  	[tilespmem:s31], [sflag:$0x2] =	stream.linear.gather @!p6 [hbm4b:s6+s12], $0x50, $0x38;
	[tilespmem:$0x1DF80] =	vst v63  }
0x157: {  	_ = 	snop  }
0x158: {  	[tilespmem:s15], [sflag:$0x2] =	stream.linear.gather @!p6 [hbm4b:s7+s12], $0x50, $0x38;
	[tilespmem:$0x1DF80] =	vst v63  }
.Ltmp3:
0x159: {  	_ =	swait.ge [sflag:s24], $0x2800;
	(pc) =	sbr.rel @p5 .LBB2_3-.Ltmp3, $4  }
0x15a: {  	[sflag:s24] =	ssyncset.done $0x0  }
0x15b: {  	[sflag:s24] =	ssyncadd.s32 $0xFFFFD800  }
0x15c: {  	[spmem:s2] =	stream.indirect.scatter.add.f32 [tilespmem:s23], [sflag:$0xB], $0x80, s10, s17, $0xb8;
	[tilespmem:$0x1DF80] =	vst v63  }
0x15d: {  	p6 =	seq.s32 s0, $0x0;
	_ =	swait.ge [sflag:s29], $0x2800  }
0x15e: {  	[sflag:s29] =	ssyncset.done $0x0  }
0x15f: {  	s6 =	simm.s32 @!p6 $0xB;
	[sflag:s29] =	ssyncadd.s32 $0xFFFFD800  }
0x160: {  	[spmem:s2] =	stream.indirect.scatter.add.f32 [tilespmem:s18], [sflag:$0xC], $0x80, s13, s17, $0xb8;
	[tilespmem:$0x1DF80] =	vst v63  }
0x161: {  	_ =	swait.ge @!p6 [sflag:s6], $0x2800  }
0x162: {  	[sflag:s6] =	ssyncset.done @!p6 $0x0  }
0x163: {  	s7 =	simm.s32 @!p6 $0xC;
	[sflag:s6] =	ssyncadd.s32 @!p6 $0xFFFFD800  }
0x164: {  	_ =	swait.ge @!p6 [sflag:s7], $0x2800  }
0x165: {  	s6 =	sadd.s32 s0, s20;
	[sflag:s7] =	ssyncset.done @!p6 $0x0  }
0x166: {  	s12 =	sadd.s32 s0, s19;
	s8 =	sadd.s32 $0x14, s6;
	[sflag:s7] =	ssyncadd.s32 @!p6 $0xFFFFD800  }
0x167: {  	[tilespmem:s4], [sflag:$0x3] =	stream.linear.gather [hbm4b:s8+s5], $0x50, $0x38;
	[tilespmem:$0x1DF80] =	vst v63  }
0x168: {  	s15 =	sadd.s32 $0x14, s12  }
0x169: {  	[tilespmem:s10], [sflag:$0x3] =	stream.linear.gather [hbm4b:s15+s5], $0x50, $0x38;
	[tilespmem:$0x1DF80] =	vst v63  }
0x16a: {  	s6 =	sadd.s32 $0x1E, s6  }
0x16b: {  	[tilespmem:s11], [sflag:$0x4] =	stream.linear.gather [hbm4b:s6+s5], $0x50, $0x38;
	[tilespmem:$0x1DF80] =	vst v63  }
0x16c: {  	s7 =	sadd.s32 $0x1E, s12  }
0x16d: {  	[tilespmem:s13], [sflag:$0x4] =	stream.linear.gather [hbm4b:s7+s5], $0x50, $0x38;
	[tilespmem:$0x1DF80] =	vst v63  }
0x16e: {  	_ =	swait.ge [sflag:s14], $0x50  }
0x16f: {  	[sflag:s14] =	ssyncset.done $0x0  }
0x170: {  	[sflag:s14] =	ssyncadd.s32 $0xFFFFFFB0  }
0x171: {  	_ =	swait.ge [sflag:s14], $0x50  }
0x172: {  	[sflag:s14] =	ssyncset.done $0x0  }
0x173: {  	s30 =	simm.s32 $0x13B00;
	s15 =	simm.s32 $0x13F00;
	[sflag:s14] =	ssyncadd.s32 $0xFFFFFFB0  }
0x174: {  	[tilespmem:s15], [sflag:$0x5] =	stream.indirect.gather [hbm4b:s1+s17], $0x80, s30, s17, $0xb8;
	[tilespmem:$0x1DF80] =	vst v63  }
0x175: {  	_ =	swait.ge [sflag:s9], $0x50  }
0x176: {  	[sflag:s9] =	ssyncset.done $0x0  }
0x177: {  	[sflag:s9] =	ssyncadd.s32 $0xFFFFFFB0  }
0x178: {  	_ =	swait.ge [sflag:s9], $0x50  }
0x179: {  	[sflag:s9] =	ssyncset.done $0x0  }
0x17a: {  	s8 =	simm.s32 $0x13B80;
	[sflag:s9] =	ssyncadd.s32 $0xFFFFFFB0  }
0x17b: {  	[tilespmem:s22], [sflag:$0x6] =	stream.indirect.gather [hbm4b:s1+s17], $0x80, s8, s17, $0xb8;
	[tilespmem:$0x1DF80] =	vst v63  }
0x17c: {  	_ =	swait.ge [sflag:s16], $0x50  }
0x17d: {  	[sflag:s16] =	ssyncset.done $0x0  }
0x17e: {  	[sflag:s16] =	ssyncadd.s32 $0xFFFFFFB0  }
0x17f: {  	_ =	swait.ge [sflag:s16], $0x50  }
0x180: {  	[sflag:s16] =	ssyncset.done $0x0  }
0x181: {  	[sflag:s16] =	ssyncadd.s32 $0xFFFFFFB0  }
0x182: {  	[tilespmem:s23], [sflag:$0x7] =	stream.indirect.gather [hbm4b:s1+s17], $0x80, s4, s17, $0xb8;
	[tilespmem:$0x1DF80] =	vst v63  }
0x183: {  	_ =	swait.ge [sflag:s21], $0x50  }
0x184: {  	[sflag:s21] =	ssyncset.done $0x0  }
0x185: {  	[sflag:s21] =	ssyncadd.s32 $0xFFFFFFB0  }
0x186: {  	_ =	swait.ge [sflag:s21], $0x50  }
0x187: {  	[sflag:s21] =	ssyncset.done $0x0  }
0x188: {  	[sflag:s21] =	ssyncadd.s32 $0xFFFFFFB0  }
0x189: {  	[tilespmem:s18], [sflag:$0x8] =	stream.indirect.gather [hbm4b:s1+s17], $0x80, s11, s17, $0xb8;
	[tilespmem:$0x1DF80] =	vst v63  }
0x18a: {  	_ =	swait.ge [sflag:s25], $0x2800  }
0x18b: {  	[sflag:s25] =	ssyncset.done $0x0  }
0x18c: {  	s11 =	simm.s32 $0x13D00;
	[sflag:s25] =	ssyncadd.s32 $0xFFFFD800  }
0x18d: {  	[spmem:s2] =	stream.indirect.scatter.add.f32 [tilespmem:s15], [sflag:$0x9], $0x80, s11, s17, $0xb8;
	[tilespmem:$0x1DF80] =	vst v63  }
0x18e: {  	_ =	swait.ge [sflag:s26], $0x2800  }
0x18f: {  	[sflag:s26] =	ssyncset.done $0x0  }
0x190: {  	s12 =	simm.s32 $0x13D80;
	[sflag:s26] =	ssyncadd.s32 $0xFFFFD800  }
0x191: {  	[spmem:s2] =	stream.indirect.scatter.add.f32 [tilespmem:s22], [sflag:$0xA], $0x80, s12, s17, $0xb8;
	[tilespmem:$0x1DF80] =	vst v63  }
0x192: {  	_ =	swait.ge [sflag:s28], $0x2800  }
0x193: {  	[sflag:s28] =	ssyncset.done $0x0  }
0x194: {  	p5 =	seq.s32 s0, $0x988;
	[sflag:s28] =	ssyncadd.s32 $0xFFFFD800  }
0x195: {  	s6 =	sadd.s32 @!p5 s0, s20;
	_ =	swait.ge [sflag:s3], $0x2800  }
0x196: {  	s0 =	sadd.s32 @!p5 s0, s19;
	s7 =	simm.s32 @!p5 $0x0;
	[sflag:s3] =	ssyncset.done $0x0  }
0x197: {  	s8 =	sadd.s32 @!p5 $0x28, s6;
	s12 =	simm.s32 @!p5 $0x13B00;
	[sflag:s3] =	ssyncadd.s32 $0xFFFFD800  }
0x198: {  	[tilespmem:s12], [sflag:$0x1] =	stream.linear.gather @!p5 [hbm4b:s8+s7], $0x50, $0x38;
	[tilespmem:$0x1DF80] =	vst v63  }
0x199: {  	s8 =	simm.s32 @!p5 $0x13D00;
	s12 =	sadd.s32 @!p5 $0x28, s0  }
0x19a: {  	[tilespmem:s8], [sflag:$0x1] =	stream.linear.gather @!p5 [hbm4b:s12+s7], $0x50, $0x38;
	[tilespmem:$0x1DF80] =	vst v63  }
0x19b: {  	s6 =	sadd.s32 @!p5 $0x32, s6;
	s8 =	simm.s32 @!p5 $0x13B80  }
0x19c: {  	[tilespmem:s8], [sflag:$0x2] =	stream.linear.gather @!p5 [hbm4b:s6+s7], $0x50, $0x38;
	[tilespmem:$0x1DF80] =	vst v63  }
0x19d: {  	s0 =	sadd.s32 @!p5 $0x32, s0;
	s6 =	simm.s32 @!p5 $0x13D80  }
0x19e: {  	[tilespmem:s6], [sflag:$0x2] =	stream.linear.gather @!p5 [hbm4b:s0+s7], $0x50, $0x38;
	[tilespmem:$0x1DF80] =	vst v63  }
0x19f: {  	_ =	swait.ge [sflag:s24], $0x2800  }
0x1a0: {  	[sflag:s24] =	ssyncset.done $0x0  }
0x1a1: {  	[sflag:s24] =	ssyncadd.s32 $0xFFFFD800  }
0x1a2: {  	[spmem:s2] =	stream.indirect.scatter.add.f32 [tilespmem:s23], [sflag:$0xB], $0x80, s10, s17, $0xb8;
	[tilespmem:$0x1DF80] =	vst v63  }
0x1a3: {  	_ =	swait.ge [sflag:s29], $0x2800  }
0x1a4: {  	[sflag:s29] =	ssyncset.done $0x0  }
0x1a5: {  	s6 =	simm.s32 $0xB;
	[sflag:s29] =	ssyncadd.s32 $0xFFFFD800  }
0x1a6: {  	[spmem:s2] =	stream.indirect.scatter.add.f32 [tilespmem:s18], [sflag:$0xC], $0x80, s13, s17, $0xb8;
	[tilespmem:$0x1DF80] =	vst v63  }
0x1a7: {  	_ =	swait.ge [sflag:s6], $0x2800  }
0x1a8: {  	[sflag:s6] =	ssyncset.done $0x0  }
0x1a9: {  	s7 =	simm.s32 $0xC;
	[sflag:s6] =	ssyncadd.s32 $0xFFFFD800  }
0x1aa: {  	_ =	swait.ge [sflag:s7], $0x2800  }
0x1ab: {  	[sflag:s7] =	ssyncset.done $0x0  }
0x1ac: {  	s12 =	simm.s32 $0xD;
	s8 =	rddreg [dreg:$0xb];
	[sflag:s7] =	ssyncadd.s32 $0xFFFFD800  }
0x1ad: {  	[tilespmem:s30], [sflag:$0xD] =	stream.linear.gather [hbm4b:s8+s5], $0x50, $0x38;
	[tilespmem:$0x1DF80] =	vst v63  }
0x1ae: {  	_ =	swait.ge [sflag:s12], $0x50  }
0x1af: {  	[sflag:s12] =	ssyncset.done $0x0  }
0x1b0: {  	s18 =	rddreg [dreg:$0xf];
	[sflag:s12] =	ssyncadd.s32 $0xFFFFFFB0  }
0x1b1: {  	[tilespmem:s11], [sflag:$0xD] =	stream.linear.gather [hbm4b:s18+s5], $0x50, $0x38;
	[tilespmem:$0x1DF80] =	vst v63  }
0x1b2: {  	_ =	swait.ge [sflag:s12], $0x50  }
0x1b3: {  	[sflag:s12] =	ssyncset.done $0x0  }
0x1b4: {  	[sflag:s12] =	ssyncadd.s32 $0xFFFFFFB0  }
0x1b5: {  	[tilespmem:s15], [sflag:$0x5] =	stream.indirect.gather [hbm4b:s1+s17], $0x80, s30, s17, $0xb8;
	[tilespmem:$0x1DF80] =	vst v63  }
0x1b6: {  	_ =	swait.ge [sflag:s25], $0x2800  }
0x1b7: {  	[sflag:s25] =	ssyncset.done $0x0  }
0x1b8: {  	[sflag:s25] =	ssyncadd.s32 $0xFFFFD800  }
0x1b9: {  	[spmem:s2] =	stream.indirect.scatter.add.f32 [tilespmem:s15], [sflag:$0xD], $0x80, s11, s17, $0xb8;
	[tilespmem:$0x1DF80] =	vst v63  }
0x1ba: {  	_ =	swait.ge [sflag:s12], $0x2800  }
0x1bb: {  	[sflag:s12] =	ssyncset.done $0x0  }
0x1bc: {  	s22 =	rddreg [dreg:$0x11];
	[sflag:s12] =	ssyncadd.s32 $0xFFFFD800  }
0x1bd: {  	[tilespmem:s30], [sflag:$0xD] =	stream.linear.gather [hbm4b:s22+s5], $0x50, $0x38;
	[tilespmem:$0x1DF80] =	vst v63  }
0x1be: {  	_ =	swait.ge [sflag:s12], $0x50  }
0x1bf: {  	[sflag:s12] =	ssyncset.done $0x0  }
0x1c0: {  	s23 =	rddreg [dreg:$0x12];
	[sflag:s12] =	ssyncadd.s32 $0xFFFFFFB0  }
0x1c1: {  	[tilespmem:s11], [sflag:$0xD] =	stream.linear.gather [hbm4b:s23+s5], $0x50, $0x38;
	[tilespmem:$0x1DF80] =	vst v63  }
0x1c2: {  	_ =	swait.ge [sflag:s12], $0x50  }
0x1c3: {  	[sflag:s12] =	ssyncset.done $0x0  }
0x1c4: {  	[sflag:s12] =	ssyncadd.s32 $0xFFFFFFB0  }
0x1c5: {  	[tilespmem:s15], [sflag:$0x5] =	stream.indirect.gather [hbm4b:s1+s17], $0x80, s30, s17, $0xb8;
	[tilespmem:$0x1DF80] =	vst v63  }
0x1c6: {  	_ =	swait.ge [sflag:s25], $0x2800  }
0x1c7: {  	[sflag:s25] =	ssyncset.done $0x0  }
0x1c8: {  	s31 =	simm.s32 $0x13D00;
	[sflag:s25] =	ssyncadd.s32 $0xFFFFD800  }
0x1c9: {  	[spmem:s2] =	stream.indirect.scatter.add.f32 [tilespmem:s15], [sflag:$0xD], $0x80, s11, s17, $0xb8;
	[tilespmem:$0x1DF80] =	vst v63  }
0x1ca: {  	s18 =	simm.s32 $0x16700;
	s22 =	simm.s32 $0x18F00;
	_ =	swait.ge [sflag:s12], $0x2800  }
0x1cb: {  	s23 =	simm.s32 $0x1B700;
	[sflag:s12] =	ssyncset.done $0x0;
	s7 =	rddreg [dreg:$0x15]  }
0x1cc: {  	s30 =	stileid.u32;
	s11 =	rddreg [dreg:$0x1b];
	[sflag:s12] =	ssyncadd.s32 $0xFFFFD800  }
.LBB2_5:
.Ltmp4:
0x1cd: {  	(pc) =	sbr.rel @!p0 .LBB2_9-.Ltmp4, $2  }
0x1ce: {  	_ =	sdelay $0x2  }
0x1cf: {  	s15 =	rddreg [dreg:$0x1c]  }
0x1d0: {  	s0 =	simm.s32 $0x0;
	s1 =	rddreg [dreg:$0x8]  }
0x1d1: {  	[tilespmem:s31], [sflag:$0x1] =	stream.linear.gather [hbm4b:s1+s0], $0x50, $0x38;
	[tilespmem:$0x1DF80] =	vst v63  }
0x1d2: {  	s8 =	simm.s32 $0x13F00  }
0x1d3: {  	[tilespmem:s8], [sflag:$0x5] =	stream.linear.gather [hbm4b:s11+s0], $0x2800, $0x38;
	[tilespmem:$0x1DF80] =	vst v63  }
0x1d4: {  	s6 =	rddreg [dreg:$0xa];
	s4 =	simm.s32 $0x13D80  }
0x1d5: {  	[tilespmem:s4], [sflag:$0x2] =	stream.linear.gather [hbm4b:s6+s0], $0x50, $0x38;
	[tilespmem:$0x1DF80] =	vst v63  }
0x1d6: {  	s7 =	rddreg [dreg:$0xc];
	p5 =	por $0x1, $0x1  }
0x1d7: {  	[tilespmem:s18], [sflag:$0x6] =	stream.linear.gather [hbm4b:s7+s0], $0x2800, $0x38;
	[tilespmem:$0x1DF80] =	vst v63  }
0x1d8: {  	s0 =	simm.s32 @!p5 $0xB  }
0x1d9: {  	_ =	swait.ge @!p5 [sflag:s0], $0x2800  }
0x1da: {  	[sflag:s0] =	ssyncset.done @!p5 $0x0  }
0x1db: {  	[sflag:s0] =	ssyncadd.s32 @!p5 $0xFFFFD800  }
0x1dc: {  	_ =	swait.ge @!p5 [sflag:s0], $0x50  }
0x1dd: {  	[sflag:s0] =	ssyncset.done @!p5 $0x0  }
0x1de: {  	s6 =	simm.s32 @!p5 $0xC;
	[sflag:s0] =	ssyncadd.s32 @!p5 $0xFFFFFFB0  }
0x1df: {  	_ =	swait.ge @!p5 [sflag:s6], $0x2800  }
0x1e0: {  	[sflag:s6] =	ssyncset.done @!p5 $0x0  }
0x1e1: {  	[sflag:s6] =	ssyncadd.s32 @!p5 $0xFFFFD800  }
0x1e2: {  	_ =	swait.ge @!p5 [sflag:s6], $0x50  }
0x1e3: {  	[sflag:s6] =	ssyncset.done @!p5 $0x0;
	s30 =	rddreg [dreg:$0x1a]  }
0x1e4: {  	s7 =	sadd.s32 $0x0, s11;
	s12 =	sadd.s32 $0xFFFFFFF6, s30;
	[sflag:s6] =	ssyncadd.s32 @!p5 $0xFFFFFFB0  }
0x1e5: {  	[tilespmem:s10], [sflag:$0x3] =	stream.linear.gather [hbm4b:s12+s5], $0x50, $0x38;
	[tilespmem:$0x1DF80] =	vst v63  }
0x1e6: {  	s15 =	sadd.s32 $0xA00, s7  }
0x1e7: {  	[tilespmem:s22], [sflag:$0x7] =	stream.linear.gather [hbm4b:s15+s5], $0x2800, $0x38;
	[tilespmem:$0x1DF80] =	vst v63  }
0x1e8: {  	_ = 	snop  }
0x1e9: {  	[tilespmem:s13], [sflag:$0x4] =	stream.linear.gather [hbm4b:s30+s5], $0x50, $0x38;
	[tilespmem:$0x1DF80] =	vst v63  }
0x1ea: {  	s20 =	sadd.s32 $0xF00, s7  }
0x1eb: {  	[tilespmem:s23], [sflag:$0x8] =	stream.linear.gather [hbm4b:s20+s5], $0x2800, $0x38;
	[tilespmem:$0x1DF80] =	vst v63  }
0x1ec: {  	_ =	swait.ge [sflag:s14], $0x50  }
0x1ed: {  	[sflag:s14] =	ssyncset.done $0x0  }
0x1ee: {  	[sflag:s14] =	ssyncadd.s32 $0xFFFFFFB0  }
0x1ef: {  	_ =	swait.ge [sflag:s25], $0x2800  }
0x1f0: {  	[sflag:s25] =	ssyncset.done $0x0  }
0x1f1: {  	[sflag:s25] =	ssyncadd.s32 $0xFFFFD800  }
0x1f2: {  	[spmem:s2] =	stream.indirect.scatter.add.f32 [tilespmem:s8], [sflag:$0x9], $0x80, s31, s17, $0xb8;
	[tilespmem:$0x1DF80] =	vst v63  }
0x1f3: {  	s1 =	simm.s32 $0x1DF00;
	s15 =	rddreg [dreg:$0x5]  }
0x1f4: {  	[spmem:s15] =	stream.indirect.scatter.add.f32 [tilespmem:s1], [sflag:$0x9], $0x1, s31, s17, $0xb8;
	[tilespmem:$0x1DF80] =	vst v63  }
0x1f5: {  	_ =	swait.ge [sflag:s9], $0x50  }
0x1f6: {  	[sflag:s9] =	ssyncset.done $0x0  }
0x1f7: {  	[sflag:s9] =	ssyncadd.s32 $0xFFFFFFB0  }
0x1f8: {  	_ =	swait.ge [sflag:s26], $0x2800  }
0x1f9: {  	[sflag:s26] =	ssyncset.done $0x0  }
0x1fa: {  	[sflag:s26] =	ssyncadd.s32 $0xFFFFD800  }
0x1fb: {  	[spmem:s2] =	stream.indirect.scatter.add.f32 [tilespmem:s18], [sflag:$0xA], $0x80, s4, s17, $0xb8;
	[tilespmem:$0x1DF80] =	vst v63  }
0x1fc: {  	_ = 	snop  }
0x1fd: {  	[spmem:s15] =	stream.indirect.scatter.add.f32 [tilespmem:s1], [sflag:$0xA], $0x1, s4, s17, $0xb8;
	[tilespmem:$0x1DF80] =	vst v63  }
0x1fe: {  	_ =	swait.ge [sflag:s28], $0x2800  }
0x1ff: {  	[sflag:s28] =	ssyncset.done $0x0  }
0x200: {  	[sflag:s28] =	ssyncadd.s32 $0xFFFFD800  }
0x201: {  	_ =	swait.ge [sflag:s28], $0x50  }
0x202: {  	[sflag:s28] =	ssyncset.done $0x0  }
0x203: {  	[sflag:s28] =	ssyncadd.s32 $0xFFFFFFB0  }
0x204: {  	_ =	swait.ge [sflag:s3], $0x2800  }
0x205: {  	[sflag:s3] =	ssyncset.done $0x0  }
0x206: {  	[sflag:s3] =	ssyncadd.s32 $0xFFFFD800  }
0x207: {  	p5 =	por $0x0, $0x0;
	_ =	swait.ge [sflag:s3], $0x50  }
0x208: {  	s0 =	sadd.s32 @!p5 $0xA, s30;
	s6 =	simm.s32 @!p5 $0x0;
	[sflag:s3] =	ssyncset.done $0x0  }
0x209: {  	s7 =	simm.s32 @!p5 $0x13D00;
	s8 =	sadd.s32 @!p5 $0x0, s11;
	[sflag:s3] =	ssyncadd.s32 $0xFFFFFFB0  }
0x20a: {  	[tilespmem:s7], [sflag:$0x1] =	stream.linear.gather @!p5 [hbm4b:s0+s6], $0x50, $0x38;
	[tilespmem:$0x1DF80] =	vst v63  }
0x20b: {  	s0 =	sadd.s32 @!p5 $0x1400, s8;
	s7 =	simm.s32 @!p5 $0x13F00  }
0x20c: {  	[tilespmem:s7], [sflag:$0x5] =	stream.linear.gather @!p5 [hbm4b:s0+s6], $0x2800, $0x38;
	[tilespmem:$0x1DF80] =	vst v63  }
0x20d: {  	s0 =	sadd.s32 @!p5 $0x14, s30;
	s7 =	simm.s32 @!p5 $0x13D80  }
0x20e: {  	[tilespmem:s7], [sflag:$0x2] =	stream.linear.gather @!p5 [hbm4b:s0+s6], $0x50, $0x38;
	[tilespmem:$0x1DF80] =	vst v63  }
0x20f: {  	s0 =	sadd.s32 @!p5 $0x1900, s8;
	s7 =	simm.s32 @!p5 $0x16700  }
0x210: {  	[tilespmem:s7], [sflag:$0x6] =	stream.linear.gather @!p5 [hbm4b:s0+s6], $0x2800, $0x38;
	[tilespmem:$0x1DF80] =	vst v63  }
0x211: {  	_ =	swait.ge [sflag:s16], $0x50  }
0x212: {  	[sflag:s16] =	ssyncset.done $0x0  }
0x213: {  	[sflag:s16] =	ssyncadd.s32 $0xFFFFFFB0  }
0x214: {  	_ =	swait.ge [sflag:s24], $0x2800  }
0x215: {  	[sflag:s24] =	ssyncset.done $0x0  }
0x216: {  	[sflag:s24] =	ssyncadd.s32 $0xFFFFD800  }
0x217: {  	[spmem:s2] =	stream.indirect.scatter.add.f32 [tilespmem:s22], [sflag:$0xB], $0x80, s10, s17, $0xb8;
	[tilespmem:$0x1DF80] =	vst v63  }
0x218: {  	_ = 	snop  }
0x219: {  	[spmem:s15] =	stream.indirect.scatter.add.f32 [tilespmem:s1], [sflag:$0xB], $0x1, s10, s17, $0xb8;
	[tilespmem:$0x1DF80] =	vst v63  }
0x21a: {  	_ =	swait.ge [sflag:s21], $0x50  }
0x21b: {  	[sflag:s21] =	ssyncset.done $0x0  }
0x21c: {  	[sflag:s21] =	ssyncadd.s32 $0xFFFFFFB0  }
0x21d: {  	p6 =	por $0x0, $0x0;
	s20 =	simm.s32 $0x13F00;
	_ =	swait.ge [sflag:s29], $0x2800  }
0x21e: {  	s8 =	simm.s32 $0x2800;
	s0 =	simm.s32 $0x1400;
	[sflag:s29] =	ssyncset.done $0x0  }
.LBB2_7:
0x21f: {  	[sflag:s29] =	ssyncadd.s32 $0xFFFFD800  }
0x220: {  	[spmem:s2] =	stream.indirect.scatter.add.f32 [tilespmem:s23], [sflag:$0xC], $0x80, s13, s17, $0xb8;
	[tilespmem:$0x1DF80] =	vst v63  }
0x221: {  	s6 =	simm.s32 @!p6 $0xB  }
0x222: {  	[spmem:s15] =	stream.indirect.scatter.add.f32 [tilespmem:s1], [sflag:$0xC], $0x1, s13, s17, $0xb8;
	[tilespmem:$0x1DF80] =	vst v63  }
0x223: {  	_ =	swait.ge @!p6 [sflag:s6], $0x2800  }
0x224: {  	[sflag:s6] =	ssyncset.done @!p6 $0x0  }
0x225: {  	[sflag:s6] =	ssyncadd.s32 @!p6 $0xFFFFD800  }
0x226: {  	_ =	swait.ge @!p6 [sflag:s6], $0x50  }
0x227: {  	[sflag:s6] =	ssyncset.done @!p6 $0x0  }
0x228: {  	s7 =	simm.s32 @!p6 $0xC;
	[sflag:s6] =	ssyncadd.s32 @!p6 $0xFFFFFFB0  }
0x229: {  	_ =	swait.ge @!p6 [sflag:s7], $0x2800  }
0x22a: {  	[sflag:s7] =	ssyncset.done @!p6 $0x0  }
0x22b: {  	[sflag:s7] =	ssyncadd.s32 @!p6 $0xFFFFD800  }
0x22c: {  	_ =	swait.ge @!p6 [sflag:s7], $0x50  }
0x22d: {  	s30 =	sadd.s32 $0x28, s30;
	[sflag:s7] =	ssyncset.done @!p6 $0x0  }
0x22e: {  	s15 =	sadd.s32 $0xFFFFFFF6, s30;
	s1 =	sadd.s32 s0, s11;
	[sflag:s7] =	ssyncadd.s32 @!p6 $0xFFFFFFB0  }
0x22f: {  	[tilespmem:s10], [sflag:$0x3] =	stream.linear.gather [hbm4b:s15+s5], $0x50, $0x38;
	[tilespmem:$0x1DF80] =	vst v63  }
0x230: {  	s7 =	sadd.s32 $0xA00, s1  }
0x231: {  	[tilespmem:s22], [sflag:$0x7] =	stream.linear.gather [hbm4b:s7+s5], $0x2800, $0x38;
	[tilespmem:$0x1DF80] =	vst v63  }
0x232: {  	_ = 	snop  }
0x233: {  	[tilespmem:s13], [sflag:$0x4] =	stream.linear.gather [hbm4b:s30+s5], $0x50, $0x38;
	[tilespmem:$0x1DF80] =	vst v63  }
0x234: {  	s1 =	sadd.s32 $0xF00, s1  }
0x235: {  	[tilespmem:s23], [sflag:$0x8] =	stream.linear.gather [hbm4b:s1+s5], $0x2800, $0x38;
	[tilespmem:$0x1DF80] =	vst v63  }
0x236: {  	_ =	swait.ge [sflag:s14], $0x50  }
0x237: {  	[sflag:s14] =	ssyncset.done $0x0  }
0x238: {  	[sflag:s14] =	ssyncadd.s32 $0xFFFFFFB0  }
0x239: {  	_ =	swait.ge [sflag:s25], $0x2800  }
0x23a: {  	[sflag:s25] =	ssyncset.done $0x0  }
0x23b: {  	[sflag:s25] =	ssyncadd.s32 $0xFFFFD800  }
0x23c: {  	[spmem:s2] =	stream.indirect.scatter.add.f32 [tilespmem:s20], [sflag:$0x9], $0x80, s31, s17, $0xb8;
	[tilespmem:$0x1DF80] =	vst v63  }
0x23d: {  	s6 =	simm.s32 $0x1DF00;
	s7 =	rddreg [dreg:$0x5]  }
0x23e: {  	[spmem:s7] =	stream.indirect.scatter.add.f32 [tilespmem:s6], [sflag:$0x9], $0x1, s31, s17, $0xb8;
	[tilespmem:$0x1DF80] =	vst v63  }
0x23f: {  	_ =	swait.ge [sflag:s9], $0x50  }
0x240: {  	[sflag:s9] =	ssyncset.done $0x0  }
0x241: {  	[sflag:s9] =	ssyncadd.s32 $0xFFFFFFB0  }
0x242: {  	_ =	swait.ge [sflag:s26], $0x2800  }
0x243: {  	[sflag:s26] =	ssyncset.done $0x0  }
0x244: {  	[sflag:s26] =	ssyncadd.s32 $0xFFFFD800  }
0x245: {  	[spmem:s2] =	stream.indirect.scatter.add.f32 [tilespmem:s18], [sflag:$0xA], $0x80, s4, s17, $0xb8;
	[tilespmem:$0x1DF80] =	vst v63  }
0x246: {  	s15 =	rddreg [dreg:$0x5]  }
0x247: {  	[spmem:s15] =	stream.indirect.scatter.add.f32 [tilespmem:s6], [sflag:$0xA], $0x1, s4, s17, $0xb8;
	[tilespmem:$0x1DF80] =	vst v63  }
0x248: {  	_ =	swait.ge [sflag:s28], $0x2800  }
0x249: {  	[sflag:s28] =	ssyncset.done $0x0  }
0x24a: {  	[sflag:s28] =	ssyncadd.s32 $0xFFFFD800  }
0x24b: {  	_ =	swait.ge [sflag:s28], $0x50  }
0x24c: {  	[sflag:s28] =	ssyncset.done $0x0  }
0x24d: {  	[sflag:s28] =	ssyncadd.s32 $0xFFFFFFB0  }
0x24e: {  	_ =	swait.ge [sflag:s3], $0x2800  }
0x24f: {  	[sflag:s3] =	ssyncset.done $0x0  }
0x250: {  	[sflag:s3] =	ssyncadd.s32 $0xFFFFD800  }
0x251: {  	s12 =	smov.u32 s8;
	p6 =	seq.s32 s0, $0x4C400;
	_ =	swait.ge [sflag:s3], $0x50  }
0x252: {  	s0 =	sadd.s32 @!p6 s0, s11;
	s7 =	simm.s32 @!p6 $0x0;
	[sflag:s3] =	ssyncset.done $0x0  }
0x253: {  	s6 =	sadd.s32 @!p6 $0xA, s30;
	s15 =	simm.s32 @!p6 $0x13D00;
	[sflag:s3] =	ssyncadd.s32 $0xFFFFFFB0  }
0x254: {  	[tilespmem:s15], [sflag:$0x1] =	stream.linear.gather @!p6 [hbm4b:s6+s7], $0x50, $0x38;
	[tilespmem:$0x1DF80] =	vst v63  }
0x255: {  	s1 =	sadd.s32 @!p6 $0x1900, s0;
	s31 =	sadd.s32 @!p6 $0x1400, s0;
	s6 =	simm.s32 @!p6 $0x13F00  }
0x256: {  	[tilespmem:s6], [sflag:$0x5] =	stream.linear.gather @!p6 [hbm4b:s31+s7], $0x2800, $0x38;
	[tilespmem:$0x1DF80] =	vst v63  }
0x257: {  	s0 =	smov.u32 s12;
	s12 =	simm.s32 @!p6 $0x13D80;
	s6 =	sadd.s32 @!p6 $0x14, s30  }
0x258: {  	[tilespmem:s12], [sflag:$0x2] =	stream.linear.gather @!p6 [hbm4b:s6+s7], $0x50, $0x38;
	[tilespmem:$0x1DF80] =	vst v63  }
0x259: {  	s15 =	simm.s32 @!p6 $0x16700  }
0x25a: {  	[tilespmem:s15], [sflag:$0x6] =	stream.linear.gather @!p6 [hbm4b:s1+s7], $0x2800, $0x38;
	[tilespmem:$0x1DF80] =	vst v63  }
0x25b: {  	s15 =	rddreg [dreg:$0x5];
	_ =	swait.ge [sflag:s16], $0x50  }
0x25c: {  	[sflag:s16] =	ssyncset.done $0x0  }
0x25d: {  	[sflag:s16] =	ssyncadd.s32 $0xFFFFFFB0  }
0x25e: {  	_ =	swait.ge [sflag:s24], $0x2800  }
0x25f: {  	[sflag:s24] =	ssyncset.done $0x0  }
0x260: {  	s8 =	sadd.s32 $0x1400, s8;
	[sflag:s24] =	ssyncadd.s32 $0xFFFFD800  }
0x261: {  	[spmem:s2] =	stream.indirect.scatter.add.f32 [tilespmem:s22], [sflag:$0xB], $0x80, s10, s17, $0xb8;
	[tilespmem:$0x1DF80] =	vst v63  }
0x262: {  	p5 =	sne.s32 s8, $0x4D800;
	s1 =	simm.s32 $0x1DF00  }
0x263: {  	[spmem:s15] =	stream.indirect.scatter.add.f32 [tilespmem:s1], [sflag:$0xB], $0x1, s10, s17, $0xb8;
	[tilespmem:$0x1DF80] =	vst v63  }
.Ltmp5:
0x264: {  	_ =	swait.ge [sflag:s21], $0x50;
	(pc) =	sbr.rel @p5 .LBB2_7-.Ltmp5, $4  }
0x265: {  	[sflag:s21] =	ssyncset.done $0x0  }
0x266: {  	[sflag:s21] =	ssyncadd.s32 $0xFFFFFFB0  }
0x267: {  	_ =	swait.ge [sflag:s29], $0x2800  }
0x268: {  	s31 =	simm.s32 $0x13D00;
	p6 =	seq.s32 s0, $0x0;
	[sflag:s29] =	ssyncset.done $0x0  }
.Ltmp6:
0x269: {  	_ = 	snop;
	(pc) =	sbr.rel .LBB2_8-.Ltmp6, $1  }
0x26a: {  	_ =	sdelay $0x3  }
.LBB2_10:
0x26b: {  	_ =	sfence.sel $0x180000  }
0x26c: {  	[bflag:$0x0] =	sbarrier.arrive $0xFFFF  }
0x26d: {  	_ =	strace $0x90000047  }
0x26e: {  	[bflag:$0x2] =	sbarrier.arrive $0xFFFF  }
0x26f: {  	p0 =	sne.s32 s30, $0x0;
	s0 =	rddreg [dreg:$0x6]  }
0x270: {  	s0 =	sadd.s32 @!p0 $0x100000, s0  }
0x271: {  	[sflag:s0] =	ssyncadd.tile.s32 @!p0 $0x1;
	_ =	shalt  }
.Lfunc_end2:
_tile_overlayer_lowered:
.L_overlay_start_2:
0x272: {  	(tag) =	ssettag $0x2  }
0x273: {  	s0 =	rddreg [dreg:$0x0];
	s2 =	stileid.u32  }
0x274: {  	s1 =	rddreg [dreg:$0x1];
	p0 =	sne.s32 s2, $0x0  }
0x275: {  	s3 =	rddreg [dreg:$0x2];
	[bflag:$0x3] =	sbarrier.arrive $0xFFFF;
	s2 =	simm.s32 @!p0 $0x1C0D  }
0x276: {  	[timem:s3], [sflag:s2] =	dma.local @!p0 [hbm:s0], s1  }
0x277: {  	s0 =	simm.s32 @!p0 $0xD  }
0x278: {  	_ =	swait.ge @!p0 [sflag:s0], s1  }
0x279: {  	s1 =	ssub.s32 @!p0 $0x0, s1;
	[sflag:s0] =	ssyncset.done @!p0 $0x0  }
0x27a: {  	[sflag:s0] =	ssyncadd.s32 @!p0 s1  }
0x27b: {  	[bflag:$0x3] =	sbarrier.arrive $0xFFFF  }
0x27c: {  	_ =	shalt  }

</sc_bundles>
